<compile_context>
chip_gen: v7x
topology: tpu7x:2x2x1
jax: 0.10.2.dev20260603
libtpu: 0.0.44.dev20260713+nightly
codegen_flags: <defaults>
</compile_context>

<pallas_src>
import functools

import jax
import jax.numpy as jnp
from jax import lax
from jax.experimental import pallas as pl
from jax.experimental.pallas import tpu as pltpu
from jax.experimental.pallas import tpu_sc as plsc

R = 128
N = 32768
L = 16
CH = N // L
NC = 2
NS = 16
NW = NC * NS
ROWS_PER = R // NW
NB = 18
U = 8
NI = CH // U
BU = 4
GP = 16

_DIMNUMS = lax.GatherDimensionNumbers(
    offset_dims=(), collapsed_slice_dims=(0,), start_index_map=(0,))


def _perm(v, idx):
    return lax.gather(v, idx[:, None], dimension_numbers=_DIMNUMS,
                      slice_sizes=(1,), mode=lax.GatherScatterMode.PROMISE_IN_BOUNDS)


def _tree(vals, op):
    vals = list(vals)
    while len(vals) > 1:
        nxt = [op(vals[i], vals[i + 1]) for i in range(0, len(vals) - 1, 2)]
        if len(vals) % 2:
            nxt.append(vals[-1])
        vals = nxt
    return vals[0]


def _sparsemax_body(x_hbm, out_hbm, buf, cval, gmax, ids):
    wid = lax.axis_index("s") * NC + lax.axis_index("c")
    iota = lax.iota(jnp.int32, L)
    bfly = [jnp.bitwise_xor(iota, d) for d in (1, 2, 4, 8)]
    zeros_v = jnp.zeros((L,), jnp.float32)
    ones_v = jnp.ones((L,), jnp.float32)
    neg_huge = jnp.full((L,), -1e30, jnp.float32)
    zero_i = jnp.zeros((L,), jnp.int32)
    one_i = jnp.ones((L,), jnp.int32)

    def xreduce(v, op):
        for idx in bfly:
            v = op(v, _perm(v, idx))
        return v

    def do_row(r, carry):
        row = wid * ROWS_PER + r
        pltpu.sync_copy(x_hbm.at[row], buf)

        def mx(i, accs):
            a0, a1 = accs
            base = i * (2 * U * L)
            gv0 = _tree([buf[pl.ds(base + u * L, L)] for u in range(U)],
                        jnp.maximum)
            gv1 = _tree([buf[pl.ds(base + (U + u) * L, L)] for u in range(U)],
                        jnp.maximum)
            gmax[pl.ds(2 * i * L, L)] = gv0
            gmax[pl.ds((2 * i + 1) * L, L)] = gv1
            return jnp.maximum(a0, gv0), jnp.maximum(a1, gv1)

        ninf = jnp.full((L,), -jnp.inf)
        macc0, macc1 = lax.fori_loop(0, NI // 2, mx, (ninf, ninf))
        m_vec = xreduce(jnp.maximum(macc0, macc1), jnp.maximum)
        thr_vec = m_vec - 1.0

        def scan_a(i, off_id):
            base_i = i * (GP * L)
            macc = zero_i
            for g in range(GP):
                gv = gmax[pl.ds(base_i + g * L, L)]
                act = jnp.where(gv > thr_vec, one_i, zero_i)
                macc = jnp.bitwise_or(lax.shift_left(macc, one_i), act)
            mask16 = xreduce(macc, jnp.bitwise_or)[0]
            for g in range(GP):
                ids[pl.ds(off_id, L)] = jnp.full((L,), i * GP + g, jnp.int32)
                bit = lax.bitwise_and(
                    lax.shift_right_logical(mask16, GP - 1 - g), 1)
                off_id = off_id + lax.shift_left(bit, 4)
            return off_id

        n_ids = lax.shift_right_logical(
            lax.fori_loop(0, NI // GP, scan_a, jnp.int32(0)), 4)

        def cpg(i, c):
            g = ids[pl.ds(i * L, L)][0]
            base_g = g * (U * L)
            o = i * (U * L)
            for u in range(U):
                cval[pl.ds(o + u * L, L)] = buf[pl.ds(base_g + u * L, L)]
            return c

        lax.fori_loop(0, n_ids, cpg, 0)
        off_a = n_ids * (U * L)
        for t in range(GP):
            cval[pl.ds(off_a + t * L, L)] = neg_huge

        def scan_b(i, off_id):
            base_i = i * (GP * L)
            macc = zero_i
            for g in range(GP):
                v = cval[pl.ds(base_i + g * L, L)]
                act = jnp.where(v > thr_vec, one_i, zero_i)
                macc = jnp.bitwise_or(lax.shift_left(macc, one_i), act)
            mask16 = xreduce(macc, jnp.bitwise_or)[0]
            for g in range(GP):
                ids[pl.ds(off_id, L)] = jnp.full((L,), i * GP + g, jnp.int32)
                bit = lax.bitwise_and(
                    lax.shift_right_logical(mask16, GP - 1 - g), 1)
                off_id = off_id + lax.shift_left(bit, 4)
            return off_id

        nspan_b = lax.shift_right_logical(off_a + (GP * L - 1), 8)
        n_c = lax.shift_right_logical(
            lax.fori_loop(0, nspan_b, scan_b, jnp.int32(0)), 4)

        def cpc(i, c):
            w = ids[pl.ds(i * L, L)][0]
            v = cval[pl.ds(w * L, L)]
            cval[pl.ds(i * L, L)] = v
            return c

        lax.fori_loop(0, n_c, cpc, 0)
        off_b = n_c * L

        for u in range(BU):
            cval[pl.ds(off_b + u * L, L)] = neg_huge
        nb4 = lax.shift_right_logical(off_b + (BU * L - 1), 6)

        def bis(_, lohi):
            lo, hi = lohi
            t = 0.5 * (lo + hi)

            def fs(i, accs):
                base = i * (BU * L)
                return tuple(
                    accs[u] + jnp.maximum(cval[pl.ds(base + u * L, L)] - t, 0.0)
                    for u in range(BU))

            faccs = lax.fori_loop(0, nb4, fs, (zeros_v,) * BU)
            f = xreduce(_tree(faccs, jnp.add), jnp.add)
            pred = f > ones_v
            return jnp.where(pred, t, lo), jnp.where(pred, hi, t)

        lo, _hi = lax.fori_loop(0, NB, bis, (thr_vec, m_vec))

        def rf(i, accs):
            base = i * (BU * L)
            out = []
            for u in range(BU):
                s, k = accs[u]
                v = cval[pl.ds(base + u * L, L)]
                gt = v > lo
                out.append((s + jnp.where(gt, v, 0.0),
                            k + jnp.where(gt, ones_v, 0.0)))
            return tuple(out)

        raccs = lax.fori_loop(0, nb4, rf, ((zeros_v, zeros_v),) * BU)
        s = xreduce(_tree([a[0] for a in raccs], jnp.add), jnp.add)
        k = xreduce(_tree([a[1] for a in raccs], jnp.add), jnp.add)
        tau = (s - 1.0) / jnp.maximum(k, ones_v)

        def ow(i, c):
            base = i * (U * L)
            for u in range(U):
                sl = pl.ds(base + u * L, L)
                buf[sl] = jnp.maximum(buf[sl] - tau, 0.0)
            return c

        lax.fori_loop(0, NI, ow, 0)
        pltpu.sync_copy(buf, out_hbm.at[row])
        return carry

    lax.fori_loop(0, ROWS_PER, do_row, 0)


@jax.jit
def kernel(input):
    mesh = plsc.VectorSubcoreMesh(
        core_axis_name="c", subcore_axis_name="s",
        num_cores=NC, num_subcores=NS)
    run = pl.kernel(
        _sparsemax_body,
        out_type=jax.ShapeDtypeStruct((R, N), jnp.float32),
        mesh=mesh,
        scratch_types=[
            pltpu.VMEM((N,), jnp.float32),
            pltpu.VMEM((N + GP * L,), jnp.float32),
            pltpu.VMEM((NI * L,), jnp.float32),
            pltpu.VMEM((CH * L + L,), jnp.int32),
        ],
    )
    return run(input)

# --- scband reference (transcript-rebuilt; emitter-appended) ---
"""Pipeline reference for scband-sparsemax-1675037245863 (READ-ONLY COPY).

The authoritative reference and input builder live on the scoring server;
editing this copy changes nothing except your own understanding.
"""

import jax, jax.numpy as jnp
import numpy as np


def setup_inputs(seed: int = 0) -> dict:
    key = jax.random.key(seed)
    X = jax.random.normal(jax.random.fold_in(key, 0), (128, 32768), dtype=jnp.float32)
    return {"input": X}


def _sparsemax_fwd(X):
    # dim = -1, k = None (full sort)
    max_val = jnp.max(X, axis=-1, keepdims=True)
    Xs = X - max_val
    # sort descending along last dim
    topk = -jnp.sort(-Xs, axis=-1)
    topk_cumsum = jnp.cumsum(topk, axis=-1) - 1.0
    d = Xs.shape[-1]
    rhos = jnp.arange(1, d + 1, dtype=Xs.dtype)
    support = (rhos * topk) > topk_cumsum
    support_size = jnp.sum(support, axis=-1, keepdims=True)  # int
    tau = jnp.take_along_axis(topk_cumsum, support_size - 1, axis=-1)
    tau = tau / support_size.astype(Xs.dtype)
    output = jnp.clip(Xs - tau, 0.0, None)
    return output


def reference(input):
    return _sparsemax_fwd(input)

if __name__ == "__main__":
    import jax
    _d = setup_inputs()
    print(jax.jit(kernel)(*tuple(_d.values())))

</pallas_src>

<mosaic_0001>
#map = affine_map<(d0, d1) -> (0, 0)>
module attributes {stable_mosaic.version = 14 : i64} {
  func.func @_sparsemax_body(%arg0: i32, %arg1: i32, %arg2: memref<128x32768xf32, #tpu.memory_space<hbm>>, %arg3: memref<128x32768xf32, #tpu.memory_space<hbm>>, %arg4: memref<32768xf32, #tpu.memory_space<vmem>>, %arg5: memref<33024xf32, #tpu.memory_space<vmem>>, %arg6: memref<4096xf32, #tpu.memory_space<vmem>>, %arg7: memref<32784xi32, #tpu.memory_space<vmem>>) attributes {dimension_semantics = [#tpu.dimension_semantics<core_parallel>, #tpu.dimension_semantics<subcore_parallel>], iteration_bounds = array<i64: 2, 16>, scalar_prefetch = 0 : i64, scratch_operands = 4 : i64, tpu.core_type = #tpu.core_type<sc_vector_subcore>, window_params = [{transform_indices = #map}, {transform_indices = #map}]} {
    %mul3A = arith.constant 2 : i32
    %mul3A_0 = arith.muli %arg1, %mul3A : i32
    %add3A = arith.addi %mul3A_0, %arg0 : i32
    %iota3A = tpu.iota {dimensions = array<i32: 0>} : vector<16xi32>
    %xor3A = arith.constant 1 : i32
    %xor3A_1 = vector.broadcast %xor3A : i32 to vector<16xi32>
    %xor3A_2 = arith.xori %iota3A, %xor3A_1 : vector<16xi32>
    %xor3A_3 = arith.constant 2 : i32
    %xor3A_4 = vector.broadcast %xor3A_3 : i32 to vector<16xi32>
    %xor3A_5 = arith.xori %iota3A, %xor3A_4 : vector<16xi32>
    %xor3A_6 = arith.constant 4 : i32
    %xor3A_7 = vector.broadcast %xor3A_6 : i32 to vector<16xi32>
    %xor3A_8 = arith.xori %iota3A, %xor3A_7 : vector<16xi32>
    %xor3A_9 = arith.constant 8 : i32
    %xor3A_10 = vector.broadcast %xor3A_9 : i32 to vector<16xi32>
    %xor3A_11 = arith.xori %iota3A, %xor3A_10 : vector<16xi32>
    %broadcast_in_dim3A = arith.constant 0.000000e+00 : f32
    %broadcast_in_dim3A_12 = vector.broadcast %broadcast_in_dim3A : f32 to vector<16xf32>
    %broadcast_in_dim3A_13 = arith.constant 1.000000e+00 : f32
    %broadcast_in_dim3A_14 = vector.broadcast %broadcast_in_dim3A_13 : f32 to vector<16xf32>
    %broadcast_in_dim3A_15 = arith.constant -1.000000e+30 : f32
    %broadcast_in_dim3A_16 = vector.broadcast %broadcast_in_dim3A_15 : f32 to vector<16xf32>
    %broadcast_in_dim3A_17 = arith.constant 0 : i32
    %broadcast_in_dim3A_18 = vector.broadcast %broadcast_in_dim3A_17 : i32 to vector<16xi32>
    %broadcast_in_dim3A_19 = arith.constant 1 : i32
    %broadcast_in_dim3A_20 = vector.broadcast %broadcast_in_dim3A_19 : i32 to vector<16xi32>
    %scan3A = arith.constant 0 : i32
    %scan3A_21 = arith.constant 0 : i32
    %scan3A_22 = arith.constant 4 : i32
    %scan3A_23 = arith.addi %scan3A_21, %scan3A_22 : i32
    %scan3A_24 = arith.constant 1 : i32
    scf.for %scan3A_26 = %scan3A_21 to %scan3A_23 step %scan3A_24  : i32 {
      %mul3A_27 = arith.constant 4 : i32
      %mul3A_28 = arith.muli %add3A, %mul3A_27 : i32
      %add3A_29 = arith.addi %mul3A_28, %scan3A_26 : i32
      "tpu.region"() ({
        %run_scoped3A = tpu.sem_alloc : memref<!tpu.dma_semaphore, #tpu.memory_space<semaphore_mem>>
        %dma_start3A = arith.constant 0 : i32
        %dma_start3A_292 = tpu.memref_slice %arg2[%add3A_29, %dma_start3A] : memref<128x32768xf32, #tpu.memory_space<hbm>> -> memref<1x32768xf32, #tpu.memory_space<hbm>>
        %dma_start3A_293 = tpu.memref_squeeze %dma_start3A_292 : memref<1x32768xf32, #tpu.memory_space<hbm>> -> memref<32768xf32, #tpu.memory_space<hbm>>
        %dma_start3A_294 = arith.constant 0 : i32
        %dma_start3A_295 = tpu.memref_slice %arg2[%add3A_29, %dma_start3A_294] : memref<128x32768xf32, #tpu.memory_space<hbm>> -> memref<1x32768xf32, #tpu.memory_space<hbm>>
        %dma_start3A_296 = tpu.memref_squeeze %dma_start3A_295 : memref<1x32768xf32, #tpu.memory_space<hbm>> -> memref<32768xf32, #tpu.memory_space<hbm>>
        tpu.enqueue_dma source(%dma_start3A_296 : memref<32768xf32, #tpu.memory_space<hbm>>) target(%arg4 : memref<32768xf32, #tpu.memory_space<vmem>>) target_semaphore(%run_scoped3A : memref<!tpu.dma_semaphore, #tpu.memory_space<semaphore_mem>>)
        %dma_wait3A = arith.constant 0 : i32
        %dma_wait3A_297 = tpu.memref_slice %arg2[%add3A_29, %dma_wait3A] : memref<128x32768xf32, #tpu.memory_space<hbm>> -> memref<1x32768xf32, #tpu.memory_space<hbm>>
        %dma_wait3A_298 = tpu.memref_squeeze %dma_wait3A_297 : memref<1x32768xf32, #tpu.memory_space<hbm>> -> memref<32768xf32, #tpu.memory_space<hbm>>
        %dma_wait3A_299 = arith.constant 0 : i32
        %dma_wait3A_300 = tpu.memref_slice %arg2[%add3A_29, %dma_wait3A_299] : memref<128x32768xf32, #tpu.memory_space<hbm>> -> memref<1x32768xf32, #tpu.memory_space<hbm>>
        %dma_wait3A_301 = tpu.memref_squeeze %dma_wait3A_300 : memref<1x32768xf32, #tpu.memory_space<hbm>> -> memref<32768xf32, #tpu.memory_space<hbm>>
        tpu.wait_dma2 semaphore(%run_scoped3A : memref<!tpu.dma_semaphore, #tpu.memory_space<semaphore_mem>>) src(%dma_wait3A_301 : memref<32768xf32, #tpu.memory_space<hbm>>) dst(%arg4 : memref<32768xf32, #tpu.memory_space<vmem>>)
        tpu.yield
      }) : () -> ()
      %broadcast_in_dim3A_30 = arith.constant 0xFF800000 : f32
      %broadcast_in_dim3A_31 = vector.broadcast %broadcast_in_dim3A_30 : f32 to vector<16xf32>
      %scan3A_32 = arith.constant 0 : i32
      %scan3A_33 = arith.constant 128 : i32
      %scan3A_34 = arith.addi %scan3A_32, %scan3A_33 : i32
      %scan3A_35 = arith.constant 1 : i32
      %scan3A_36:2 = scf.for %scan3A_292 = %scan3A_32 to %scan3A_34 step %scan3A_35 iter_args(%scan3A_293 = %broadcast_in_dim3A_31, %scan3A_294 = %broadcast_in_dim3A_31) -> (vector<16xf32>, vector<16xf32>)  : i32 {
        %mul3A_295 = arith.constant 256 : i32
        %mul3A_296 = arith.muli %scan3A_292, %mul3A_295 : i32
        %add3A_297 = arith.constant 0 : i32
        %add3A_298 = arith.addi %mul3A_296, %add3A_297 : i32
        %get3A = arith.index_cast %add3A_298 : i32 to index
        %get3A_299 = tpu.vector_load %arg4[%get3A] {strides = array<i32>} : memref<32768xf32, #tpu.memory_space<vmem>>, vector<16xf32>,
        %get3A_300 = vector.shape_cast %get3A_299 : vector<16xf32> to vector<16xf32>
        %add3A_301 = arith.constant 16 : i32
        %add3A_302 = arith.addi %mul3A_296, %add3A_301 : i32
        %get3A_303 = arith.index_cast %add3A_302 : i32 to index
        %get3A_304 = tpu.vector_load %arg4[%get3A_303] {strides = array<i32>} : memref<32768xf32, #tpu.memory_space<vmem>>, vector<16xf32>,
        %get3A_305 = vector.shape_cast %get3A_304 : vector<16xf32> to vector<16xf32>
        %add3A_306 = arith.constant 32 : i32
        %add3A_307 = arith.addi %mul3A_296, %add3A_306 : i32
        %get3A_308 = arith.index_cast %add3A_307 : i32 to index
        %get3A_309 = tpu.vector_load %arg4[%get3A_308] {strides = array<i32>} : memref<32768xf32, #tpu.memory_space<vmem>>, vector<16xf32>,
        %get3A_310 = vector.shape_cast %get3A_309 : vector<16xf32> to vector<16xf32>
        %add3A_311 = arith.constant 48 : i32
        %add3A_312 = arith.addi %mul3A_296, %add3A_311 : i32
        %get3A_313 = arith.index_cast %add3A_312 : i32 to index
        %get3A_314 = tpu.vector_load %arg4[%get3A_313] {strides = array<i32>} : memref<32768xf32, #tpu.memory_space<vmem>>, vector<16xf32>,
        %get3A_315 = vector.shape_cast %get3A_314 : vector<16xf32> to vector<16xf32>
        %add3A_316 = arith.constant 64 : i32
        %add3A_317 = arith.addi %mul3A_296, %add3A_316 : i32
        %get3A_318 = arith.index_cast %add3A_317 : i32 to index
        %get3A_319 = tpu.vector_load %arg4[%get3A_318] {strides = array<i32>} : memref<32768xf32, #tpu.memory_space<vmem>>, vector<16xf32>,
        %get3A_320 = vector.shape_cast %get3A_319 : vector<16xf32> to vector<16xf32>
        %add3A_321 = arith.constant 80 : i32
        %add3A_322 = arith.addi %mul3A_296, %add3A_321 : i32
        %get3A_323 = arith.index_cast %add3A_322 : i32 to index
        %get3A_324 = tpu.vector_load %arg4[%get3A_323] {strides = array<i32>} : memref<32768xf32, #tpu.memory_space<vmem>>, vector<16xf32>,
        %get3A_325 = vector.shape_cast %get3A_324 : vector<16xf32> to vector<16xf32>
        %add3A_326 = arith.constant 96 : i32
        %add3A_327 = arith.addi %mul3A_296, %add3A_326 : i32
        %get3A_328 = arith.index_cast %add3A_327 : i32 to index
        %get3A_329 = tpu.vector_load %arg4[%get3A_328] {strides = array<i32>} : memref<32768xf32, #tpu.memory_space<vmem>>, vector<16xf32>,
        %get3A_330 = vector.shape_cast %get3A_329 : vector<16xf32> to vector<16xf32>
        %add3A_331 = arith.constant 112 : i32
        %add3A_332 = arith.addi %mul3A_296, %add3A_331 : i32
        %get3A_333 = arith.index_cast %add3A_332 : i32 to index
        %get3A_334 = tpu.vector_load %arg4[%get3A_333] {strides = array<i32>} : memref<32768xf32, #tpu.memory_space<vmem>>, vector<16xf32>,
        %get3A_335 = vector.shape_cast %get3A_334 : vector<16xf32> to vector<16xf32>
        %max3A_336 = arith.maximumf %get3A_300, %get3A_305 : vector<16xf32>
        %max3A_337 = arith.maximumf %get3A_310, %get3A_315 : vector<16xf32>
        %max3A_338 = arith.maximumf %get3A_320, %get3A_325 : vector<16xf32>
        %max3A_339 = arith.maximumf %get3A_330, %get3A_335 : vector<16xf32>
        %max3A_340 = arith.maximumf %max3A_336, %max3A_337 : vector<16xf32>
        %max3A_341 = arith.maximumf %max3A_338, %max3A_339 : vector<16xf32>
        %max3A_342 = arith.maximumf %max3A_340, %max3A_341 : vector<16xf32>
        %add3A_343 = arith.constant 128 : i32
        %add3A_344 = arith.addi %mul3A_296, %add3A_343 : i32
        %get3A_345 = arith.index_cast %add3A_344 : i32 to index
        %get3A_346 = tpu.vector_load %arg4[%get3A_345] {strides = array<i32>} : memref<32768xf32, #tpu.memory_space<vmem>>, vector<16xf32>,
        %get3A_347 = vector.shape_cast %get3A_346 : vector<16xf32> to vector<16xf32>
        %add3A_348 = arith.constant 144 : i32
        %add3A_349 = arith.addi %mul3A_296, %add3A_348 : i32
        %get3A_350 = arith.index_cast %add3A_349 : i32 to index
        %get3A_351 = tpu.vector_load %arg4[%get3A_350] {strides = array<i32>} : memref<32768xf32, #tpu.memory_space<vmem>>, vector<16xf32>,
        %get3A_352 = vector.shape_cast %get3A_351 : vector<16xf32> to vector<16xf32>
        %add3A_353 = arith.constant 160 : i32
        %add3A_354 = arith.addi %mul3A_296, %add3A_353 : i32
        %get3A_355 = arith.index_cast %add3A_354 : i32 to index
        %get3A_356 = tpu.vector_load %arg4[%get3A_355] {strides = array<i32>} : memref<32768xf32, #tpu.memory_space<vmem>>, vector<16xf32>,
        %get3A_357 = vector.shape_cast %get3A_356 : vector<16xf32> to vector<16xf32>
        %add3A_358 = arith.constant 176 : i32
        %add3A_359 = arith.addi %mul3A_296, %add3A_358 : i32
        %get3A_360 = arith.index_cast %add3A_359 : i32 to index
        %get3A_361 = tpu.vector_load %arg4[%get3A_360] {strides = array<i32>} : memref<32768xf32, #tpu.memory_space<vmem>>, vector<16xf32>,
        %get3A_362 = vector.shape_cast %get3A_361 : vector<16xf32> to vector<16xf32>
        %add3A_363 = arith.constant 192 : i32
        %add3A_364 = arith.addi %mul3A_296, %add3A_363 : i32
        %get3A_365 = arith.index_cast %add3A_364 : i32 to index
        %get3A_366 = tpu.vector_load %arg4[%get3A_365] {strides = array<i32>} : memref<32768xf32, #tpu.memory_space<vmem>>, vector<16xf32>,
        %get3A_367 = vector.shape_cast %get3A_366 : vector<16xf32> to vector<16xf32>
        %add3A_368 = arith.constant 208 : i32
        %add3A_369 = arith.addi %mul3A_296, %add3A_368 : i32
        %get3A_370 = arith.index_cast %add3A_369 : i32 to index
        %get3A_371 = tpu.vector_load %arg4[%get3A_370] {strides = array<i32>} : memref<32768xf32, #tpu.memory_space<vmem>>, vector<16xf32>,
        %get3A_372 = vector.shape_cast %get3A_371 : vector<16xf32> to vector<16xf32>
        %add3A_373 = arith.constant 224 : i32
        %add3A_374 = arith.addi %mul3A_296, %add3A_373 : i32
        %get3A_375 = arith.index_cast %add3A_374 : i32 to index
        %get3A_376 = tpu.vector_load %arg4[%get3A_375] {strides = array<i32>} : memref<32768xf32, #tpu.memory_space<vmem>>, vector<16xf32>,
        %get3A_377 = vector.shape_cast %get3A_376 : vector<16xf32> to vector<16xf32>
        %add3A_378 = arith.constant 240 : i32
        %add3A_379 = arith.addi %mul3A_296, %add3A_378 : i32
        %get3A_380 = arith.index_cast %add3A_379 : i32 to index
        %get3A_381 = tpu.vector_load %arg4[%get3A_380] {strides = array<i32>} : memref<32768xf32, #tpu.memory_space<vmem>>, vector<16xf32>,
        %get3A_382 = vector.shape_cast %get3A_381 : vector<16xf32> to vector<16xf32>
        %max3A_383 = arith.maximumf %get3A_347, %get3A_352 : vector<16xf32>
        %max3A_384 = arith.maximumf %get3A_357, %get3A_362 : vector<16xf32>
        %max3A_385 = arith.maximumf %get3A_367, %get3A_372 : vector<16xf32>
        %max3A_386 = arith.maximumf %get3A_377, %get3A_382 : vector<16xf32>
        %max3A_387 = arith.maximumf %max3A_383, %max3A_384 : vector<16xf32>
        %max3A_388 = arith.maximumf %max3A_385, %max3A_386 : vector<16xf32>
        %max3A_389 = arith.maximumf %max3A_387, %max3A_388 : vector<16xf32>
        %mul3A_390 = arith.constant 2 : i32
        %mul3A_391 = arith.muli %mul3A_390, %scan3A_292 : i32
        %mul3A_392 = arith.constant 16 : i32
        %mul3A_393 = arith.muli %mul3A_391, %mul3A_392 : i32
        %swap3A_394 = arith.index_cast %mul3A_393 : i32 to index
        %swap3A_395 = tpu.vector_load %arg6[%swap3A_394] {strides = array<i32>} : memref<4096xf32, #tpu.memory_space<vmem>>, vector<16xf32>,
        %swap3A_396 = vector.shape_cast %swap3A_395 : vector<16xf32> to vector<16xf32>
        %swap3A_397 = vector.shape_cast %max3A_342 : vector<16xf32> to vector<16xf32>
        tpu.vector_store %arg6[%swap3A_394], %swap3A_397 {strides = array<i32>} : memref<4096xf32, #tpu.memory_space<vmem>>, vector<16xf32>,
        %mul3A_398 = arith.constant 2 : i32
        %mul3A_399 = arith.muli %mul3A_398, %scan3A_292 : i32
        %add3A_400 = arith.constant 1 : i32
        %add3A_401 = arith.addi %mul3A_399, %add3A_400 : i32
        %mul3A_402 = arith.constant 16 : i32
        %mul3A_403 = arith.muli %add3A_401, %mul3A_402 : i32
        %swap3A_404 = arith.index_cast %mul3A_403 : i32 to index
        %swap3A_405 = tpu.vector_load %arg6[%swap3A_404] {strides = array<i32>} : memref<4096xf32, #tpu.memory_space<vmem>>, vector<16xf32>,
        %swap3A_406 = vector.shape_cast %swap3A_405 : vector<16xf32> to vector<16xf32>
        %swap3A_407 = vector.shape_cast %max3A_389 : vector<16xf32> to vector<16xf32>
        tpu.vector_store %arg6[%swap3A_404], %swap3A_407 {strides = array<i32>} : memref<4096xf32, #tpu.memory_space<vmem>>, vector<16xf32>,
        %max3A_408 = arith.maximumf %scan3A_293, %max3A_342 : vector<16xf32>
        %max3A_409 = arith.maximumf %scan3A_294, %max3A_389 : vector<16xf32>
        scf.yield %max3A_408, %max3A_409 : vector<16xf32>, vector<16xf32>
      }
      %scan3A_37 = arith.constant 128 : i32
      %max3A = arith.maximumf %scan3A_36#0, %scan3A_36#1 : vector<16xf32>
      %broadcast_in_dim3A_38 = vector.shape_cast %xor3A_2 : vector<16xi32> to vector<16x1xi32>
      %gather3A = vector.shape_cast %broadcast_in_dim3A_38 : vector<16x1xi32> to vector<16xi32>
      %gather3A_39 = tpu.dynamic_gather %max3A[%gather3A] in [0] : vector<16xf32>, vector<16xi32> -> vector<16xf32>
      %max3A_40 = arith.maximumf %max3A, %gather3A_39 : vector<16xf32>
      %broadcast_in_dim3A_41 = vector.shape_cast %xor3A_5 : vector<16xi32> to vector<16x1xi32>
      %gather3A_42 = vector.shape_cast %broadcast_in_dim3A_41 : vector<16x1xi32> to vector<16xi32>
      %gather3A_43 = tpu.dynamic_gather %max3A_40[%gather3A_42] in [0] : vector<16xf32>, vector<16xi32> -> vector<16xf32>
      %max3A_44 = arith.maximumf %max3A_40, %gather3A_43 : vector<16xf32>
      %broadcast_in_dim3A_45 = vector.shape_cast %xor3A_8 : vector<16xi32> to vector<16x1xi32>
      %gather3A_46 = vector.shape_cast %broadcast_in_dim3A_45 : vector<16x1xi32> to vector<16xi32>
      %gather3A_47 = tpu.dynamic_gather %max3A_44[%gather3A_46] in [0] : vector<16xf32>, vector<16xi32> -> vector<16xf32>
      %max3A_48 = arith.maximumf %max3A_44, %gather3A_47 : vector<16xf32>
      %broadcast_in_dim3A_49 = vector.shape_cast %xor3A_11 : vector<16xi32> to vector<16x1xi32>
      %gather3A_50 = vector.shape_cast %broadcast_in_dim3A_49 : vector<16x1xi32> to vector<16xi32>
      %gather3A_51 = tpu.dynamic_gather %max3A_48[%gather3A_50] in [0] : vector<16xf32>, vector<16xi32> -> vector<16xf32>
      %max3A_52 = arith.maximumf %max3A_48, %gather3A_51 : vector<16xf32>
      %sub3A = arith.constant 1.000000e+00 : f32
      %sub3A_53 = vector.broadcast %sub3A : f32 to vector<16xf32>
      %sub3A_54 = arith.subf %max3A_52, %sub3A_53 : vector<16xf32>
      %scan3A_55 = arith.constant 0 : i32
      %scan3A_56 = arith.constant 0 : i32
      %scan3A_57 = arith.constant 16 : i32
      %scan3A_58 = arith.addi %scan3A_56, %scan3A_57 : i32
      %scan3A_59 = arith.constant 1 : i32
      %scan3A_60 = scf.for %scan3A_292 = %scan3A_56 to %scan3A_58 step %scan3A_59 iter_args(%scan3A_293 = %scan3A_55) -> (i32)  : i32 {
        %mul3A_294 = arith.constant 256 : i32
        %mul3A_295 = arith.muli %scan3A_292, %mul3A_294 : i32
        %add3A_296 = arith.constant 0 : i32
        %add3A_297 = arith.addi %mul3A_295, %add3A_296 : i32
        %get3A = arith.index_cast %add3A_297 : i32 to index
        %get3A_298 = tpu.vector_load %arg6[%get3A] {strides = array<i32>} : memref<4096xf32, #tpu.memory_space<vmem>>, vector<16xf32>,
        %get3A_299 = vector.shape_cast %get3A_298 : vector<16xf32> to vector<16xf32>
        %gt3A = arith.cmpf ogt, %get3A_299, %sub3A_54 : vector<16xf32>
        %select_n3A = arith.select %gt3A, %broadcast_in_dim3A_20, %broadcast_in_dim3A_18 : vector<16xi1>, vector<16xi32>
        %shift_left3A = arith.shli %broadcast_in_dim3A_18, %broadcast_in_dim3A_20 : vector<16xi32>
        %or3A = arith.ori %shift_left3A, %select_n3A : vector<16xi32>
        %add3A_300 = arith.constant 16 : i32
        %add3A_301 = arith.addi %mul3A_295, %add3A_300 : i32
        %get3A_302 = arith.index_cast %add3A_301 : i32 to index
        %get3A_303 = tpu.vector_load %arg6[%get3A_302] {strides = array<i32>} : memref<4096xf32, #tpu.memory_space<vmem>>, vector<16xf32>,
        %get3A_304 = vector.shape_cast %get3A_303 : vector<16xf32> to vector<16xf32>
        %gt3A_305 = arith.cmpf ogt, %get3A_304, %sub3A_54 : vector<16xf32>
        %select_n3A_306 = arith.select %gt3A_305, %broadcast_in_dim3A_20, %broadcast_in_dim3A_18 : vector<16xi1>, vector<16xi32>
        %shift_left3A_307 = arith.shli %or3A, %broadcast_in_dim3A_20 : vector<16xi32>
        %or3A_308 = arith.ori %shift_left3A_307, %select_n3A_306 : vector<16xi32>
        %add3A_309 = arith.constant 32 : i32
        %add3A_310 = arith.addi %mul3A_295, %add3A_309 : i32
        %get3A_311 = arith.index_cast %add3A_310 : i32 to index
        %get3A_312 = tpu.vector_load %arg6[%get3A_311] {strides = array<i32>} : memref<4096xf32, #tpu.memory_space<vmem>>, vector<16xf32>,
        %get3A_313 = vector.shape_cast %get3A_312 : vector<16xf32> to vector<16xf32>
        %gt3A_314 = arith.cmpf ogt, %get3A_313, %sub3A_54 : vector<16xf32>
        %select_n3A_315 = arith.select %gt3A_314, %broadcast_in_dim3A_20, %broadcast_in_dim3A_18 : vector<16xi1>, vector<16xi32>
        %shift_left3A_316 = arith.shli %or3A_308, %broadcast_in_dim3A_20 : vector<16xi32>
        %or3A_317 = arith.ori %shift_left3A_316, %select_n3A_315 : vector<16xi32>
        %add3A_318 = arith.constant 48 : i32
        %add3A_319 = arith.addi %mul3A_295, %add3A_318 : i32
        %get3A_320 = arith.index_cast %add3A_319 : i32 to index
        %get3A_321 = tpu.vector_load %arg6[%get3A_320] {strides = array<i32>} : memref<4096xf32, #tpu.memory_space<vmem>>, vector<16xf32>,
        %get3A_322 = vector.shape_cast %get3A_321 : vector<16xf32> to vector<16xf32>
        %gt3A_323 = arith.cmpf ogt, %get3A_322, %sub3A_54 : vector<16xf32>
        %select_n3A_324 = arith.select %gt3A_323, %broadcast_in_dim3A_20, %broadcast_in_dim3A_18 : vector<16xi1>, vector<16xi32>
        %shift_left3A_325 = arith.shli %or3A_317, %broadcast_in_dim3A_20 : vector<16xi32>
        %or3A_326 = arith.ori %shift_left3A_325, %select_n3A_324 : vector<16xi32>
        %add3A_327 = arith.constant 64 : i32
        %add3A_328 = arith.addi %mul3A_295, %add3A_327 : i32
        %get3A_329 = arith.index_cast %add3A_328 : i32 to index
        %get3A_330 = tpu.vector_load %arg6[%get3A_329] {strides = array<i32>} : memref<4096xf32, #tpu.memory_space<vmem>>, vector<16xf32>,
        %get3A_331 = vector.shape_cast %get3A_330 : vector<16xf32> to vector<16xf32>
        %gt3A_332 = arith.cmpf ogt, %get3A_331, %sub3A_54 : vector<16xf32>
        %select_n3A_333 = arith.select %gt3A_332, %broadcast_in_dim3A_20, %broadcast_in_dim3A_18 : vector<16xi1>, vector<16xi32>
        %shift_left3A_334 = arith.shli %or3A_326, %broadcast_in_dim3A_20 : vector<16xi32>
        %or3A_335 = arith.ori %shift_left3A_334, %select_n3A_333 : vector<16xi32>
        %add3A_336 = arith.constant 80 : i32
        %add3A_337 = arith.addi %mul3A_295, %add3A_336 : i32
        %get3A_338 = arith.index_cast %add3A_337 : i32 to index
        %get3A_339 = tpu.vector_load %arg6[%get3A_338] {strides = array<i32>} : memref<4096xf32, #tpu.memory_space<vmem>>, vector<16xf32>,
        %get3A_340 = vector.shape_cast %get3A_339 : vector<16xf32> to vector<16xf32>
        %gt3A_341 = arith.cmpf ogt, %get3A_340, %sub3A_54 : vector<16xf32>
        %select_n3A_342 = arith.select %gt3A_341, %broadcast_in_dim3A_20, %broadcast_in_dim3A_18 : vector<16xi1>, vector<16xi32>
        %shift_left3A_343 = arith.shli %or3A_335, %broadcast_in_dim3A_20 : vector<16xi32>
        %or3A_344 = arith.ori %shift_left3A_343, %select_n3A_342 : vector<16xi32>
        %add3A_345 = arith.constant 96 : i32
        %add3A_346 = arith.addi %mul3A_295, %add3A_345 : i32
        %get3A_347 = arith.index_cast %add3A_346 : i32 to index
        %get3A_348 = tpu.vector_load %arg6[%get3A_347] {strides = array<i32>} : memref<4096xf32, #tpu.memory_space<vmem>>, vector<16xf32>,
        %get3A_349 = vector.shape_cast %get3A_348 : vector<16xf32> to vector<16xf32>
        %gt3A_350 = arith.cmpf ogt, %get3A_349, %sub3A_54 : vector<16xf32>
        %select_n3A_351 = arith.select %gt3A_350, %broadcast_in_dim3A_20, %broadcast_in_dim3A_18 : vector<16xi1>, vector<16xi32>
        %shift_left3A_352 = arith.shli %or3A_344, %broadcast_in_dim3A_20 : vector<16xi32>
        %or3A_353 = arith.ori %shift_left3A_352, %select_n3A_351 : vector<16xi32>
        %add3A_354 = arith.constant 112 : i32
        %add3A_355 = arith.addi %mul3A_295, %add3A_354 : i32
        %get3A_356 = arith.index_cast %add3A_355 : i32 to index
        %get3A_357 = tpu.vector_load %arg6[%get3A_356] {strides = array<i32>} : memref<4096xf32, #tpu.memory_space<vmem>>, vector<16xf32>,
        %get3A_358 = vector.shape_cast %get3A_357 : vector<16xf32> to vector<16xf32>
        %gt3A_359 = arith.cmpf ogt, %get3A_358, %sub3A_54 : vector<16xf32>
        %select_n3A_360 = arith.select %gt3A_359, %broadcast_in_dim3A_20, %broadcast_in_dim3A_18 : vector<16xi1>, vector<16xi32>
        %shift_left3A_361 = arith.shli %or3A_353, %broadcast_in_dim3A_20 : vector<16xi32>
        %or3A_362 = arith.ori %shift_left3A_361, %select_n3A_360 : vector<16xi32>
        %add3A_363 = arith.constant 128 : i32
        %add3A_364 = arith.addi %mul3A_295, %add3A_363 : i32
        %get3A_365 = arith.index_cast %add3A_364 : i32 to index
        %get3A_366 = tpu.vector_load %arg6[%get3A_365] {strides = array<i32>} : memref<4096xf32, #tpu.memory_space<vmem>>, vector<16xf32>,
        %get3A_367 = vector.shape_cast %get3A_366 : vector<16xf32> to vector<16xf32>
        %gt3A_368 = arith.cmpf ogt, %get3A_367, %sub3A_54 : vector<16xf32>
        %select_n3A_369 = arith.select %gt3A_368, %broadcast_in_dim3A_20, %broadcast_in_dim3A_18 : vector<16xi1>, vector<16xi32>
        %shift_left3A_370 = arith.shli %or3A_362, %broadcast_in_dim3A_20 : vector<16xi32>
        %or3A_371 = arith.ori %shift_left3A_370, %select_n3A_369 : vector<16xi32>
        %add3A_372 = arith.constant 144 : i32
        %add3A_373 = arith.addi %mul3A_295, %add3A_372 : i32
        %get3A_374 = arith.index_cast %add3A_373 : i32 to index
        %get3A_375 = tpu.vector_load %arg6[%get3A_374] {strides = array<i32>} : memref<4096xf32, #tpu.memory_space<vmem>>, vector<16xf32>,
        %get3A_376 = vector.shape_cast %get3A_375 : vector<16xf32> to vector<16xf32>
        %gt3A_377 = arith.cmpf ogt, %get3A_376, %sub3A_54 : vector<16xf32>
        %select_n3A_378 = arith.select %gt3A_377, %broadcast_in_dim3A_20, %broadcast_in_dim3A_18 : vector<16xi1>, vector<16xi32>
        %shift_left3A_379 = arith.shli %or3A_371, %broadcast_in_dim3A_20 : vector<16xi32>
        %or3A_380 = arith.ori %shift_left3A_379, %select_n3A_378 : vector<16xi32>
        %add3A_381 = arith.constant 160 : i32
        %add3A_382 = arith.addi %mul3A_295, %add3A_381 : i32
        %get3A_383 = arith.index_cast %add3A_382 : i32 to index
        %get3A_384 = tpu.vector_load %arg6[%get3A_383] {strides = array<i32>} : memref<4096xf32, #tpu.memory_space<vmem>>, vector<16xf32>,
        %get3A_385 = vector.shape_cast %get3A_384 : vector<16xf32> to vector<16xf32>
        %gt3A_386 = arith.cmpf ogt, %get3A_385, %sub3A_54 : vector<16xf32>
        %select_n3A_387 = arith.select %gt3A_386, %broadcast_in_dim3A_20, %broadcast_in_dim3A_18 : vector<16xi1>, vector<16xi32>
        %shift_left3A_388 = arith.shli %or3A_380, %broadcast_in_dim3A_20 : vector<16xi32>
        %or3A_389 = arith.ori %shift_left3A_388, %select_n3A_387 : vector<16xi32>
        %add3A_390 = arith.constant 176 : i32
        %add3A_391 = arith.addi %mul3A_295, %add3A_390 : i32
        %get3A_392 = arith.index_cast %add3A_391 : i32 to index
        %get3A_393 = tpu.vector_load %arg6[%get3A_392] {strides = array<i32>} : memref<4096xf32, #tpu.memory_space<vmem>>, vector<16xf32>,
        %get3A_394 = vector.shape_cast %get3A_393 : vector<16xf32> to vector<16xf32>
        %gt3A_395 = arith.cmpf ogt, %get3A_394, %sub3A_54 : vector<16xf32>
        %select_n3A_396 = arith.select %gt3A_395, %broadcast_in_dim3A_20, %broadcast_in_dim3A_18 : vector<16xi1>, vector<16xi32>
        %shift_left3A_397 = arith.shli %or3A_389, %broadcast_in_dim3A_20 : vector<16xi32>
        %or3A_398 = arith.ori %shift_left3A_397, %select_n3A_396 : vector<16xi32>
        %add3A_399 = arith.constant 192 : i32
        %add3A_400 = arith.addi %mul3A_295, %add3A_399 : i32
        %get3A_401 = arith.index_cast %add3A_400 : i32 to index
        %get3A_402 = tpu.vector_load %arg6[%get3A_401] {strides = array<i32>} : memref<4096xf32, #tpu.memory_space<vmem>>, vector<16xf32>,
        %get3A_403 = vector.shape_cast %get3A_402 : vector<16xf32> to vector<16xf32>
        %gt3A_404 = arith.cmpf ogt, %get3A_403, %sub3A_54 : vector<16xf32>
        %select_n3A_405 = arith.select %gt3A_404, %broadcast_in_dim3A_20, %broadcast_in_dim3A_18 : vector<16xi1>, vector<16xi32>
        %shift_left3A_406 = arith.shli %or3A_398, %broadcast_in_dim3A_20 : vector<16xi32>
        %or3A_407 = arith.ori %shift_left3A_406, %select_n3A_405 : vector<16xi32>
        %add3A_408 = arith.constant 208 : i32
        %add3A_409 = arith.addi %mul3A_295, %add3A_408 : i32
        %get3A_410 = arith.index_cast %add3A_409 : i32 to index
        %get3A_411 = tpu.vector_load %arg6[%get3A_410] {strides = array<i32>} : memref<4096xf32, #tpu.memory_space<vmem>>, vector<16xf32>,
        %get3A_412 = vector.shape_cast %get3A_411 : vector<16xf32> to vector<16xf32>
        %gt3A_413 = arith.cmpf ogt, %get3A_412, %sub3A_54 : vector<16xf32>
        %select_n3A_414 = arith.select %gt3A_413, %broadcast_in_dim3A_20, %broadcast_in_dim3A_18 : vector<16xi1>, vector<16xi32>
        %shift_left3A_415 = arith.shli %or3A_407, %broadcast_in_dim3A_20 : vector<16xi32>
        %or3A_416 = arith.ori %shift_left3A_415, %select_n3A_414 : vector<16xi32>
        %add3A_417 = arith.constant 224 : i32
        %add3A_418 = arith.addi %mul3A_295, %add3A_417 : i32
        %get3A_419 = arith.index_cast %add3A_418 : i32 to index
        %get3A_420 = tpu.vector_load %arg6[%get3A_419] {strides = array<i32>} : memref<4096xf32, #tpu.memory_space<vmem>>, vector<16xf32>,
        %get3A_421 = vector.shape_cast %get3A_420 : vector<16xf32> to vector<16xf32>
        %gt3A_422 = arith.cmpf ogt, %get3A_421, %sub3A_54 : vector<16xf32>
        %select_n3A_423 = arith.select %gt3A_422, %broadcast_in_dim3A_20, %broadcast_in_dim3A_18 : vector<16xi1>, vector<16xi32>
        %shift_left3A_424 = arith.shli %or3A_416, %broadcast_in_dim3A_20 : vector<16xi32>
        %or3A_425 = arith.ori %shift_left3A_424, %select_n3A_423 : vector<16xi32>
        %add3A_426 = arith.constant 240 : i32
        %add3A_427 = arith.addi %mul3A_295, %add3A_426 : i32
        %get3A_428 = arith.index_cast %add3A_427 : i32 to index
        %get3A_429 = tpu.vector_load %arg6[%get3A_428] {strides = array<i32>} : memref<4096xf32, #tpu.memory_space<vmem>>, vector<16xf32>,
        %get3A_430 = vector.shape_cast %get3A_429 : vector<16xf32> to vector<16xf32>
        %gt3A_431 = arith.cmpf ogt, %get3A_430, %sub3A_54 : vector<16xf32>
        %select_n3A_432 = arith.select %gt3A_431, %broadcast_in_dim3A_20, %broadcast_in_dim3A_18 : vector<16xi1>, vector<16xi32>
        %shift_left3A_433 = arith.shli %or3A_425, %broadcast_in_dim3A_20 : vector<16xi32>
        %or3A_434 = arith.ori %shift_left3A_433, %select_n3A_432 : vector<16xi32>
        %broadcast_in_dim3A_435 = vector.shape_cast %xor3A_2 : vector<16xi32> to vector<16x1xi32>
        %gather3A_436 = vector.shape_cast %broadcast_in_dim3A_435 : vector<16x1xi32> to vector<16xi32>
        %gather3A_437 = tpu.dynamic_gather %or3A_434[%gather3A_436] in [0] : vector<16xi32>, vector<16xi32> -> vector<16xi32>
        %or3A_438 = arith.ori %or3A_434, %gather3A_437 : vector<16xi32>
        %broadcast_in_dim3A_439 = vector.shape_cast %xor3A_5 : vector<16xi32> to vector<16x1xi32>
        %gather3A_440 = vector.shape_cast %broadcast_in_dim3A_439 : vector<16x1xi32> to vector<16xi32>
        %gather3A_441 = tpu.dynamic_gather %or3A_438[%gather3A_440] in [0] : vector<16xi32>, vector<16xi32> -> vector<16xi32>
        %or3A_442 = arith.ori %or3A_438, %gather3A_441 : vector<16xi32>
        %broadcast_in_dim3A_443 = vector.shape_cast %xor3A_8 : vector<16xi32> to vector<16x1xi32>
        %gather3A_444 = vector.shape_cast %broadcast_in_dim3A_443 : vector<16x1xi32> to vector<16xi32>
        %gather3A_445 = tpu.dynamic_gather %or3A_442[%gather3A_444] in [0] : vector<16xi32>, vector<16xi32> -> vector<16xi32>
        %or3A_446 = arith.ori %or3A_442, %gather3A_445 : vector<16xi32>
        %broadcast_in_dim3A_447 = vector.shape_cast %xor3A_11 : vector<16xi32> to vector<16x1xi32>
        %gather3A_448 = vector.shape_cast %broadcast_in_dim3A_447 : vector<16x1xi32> to vector<16xi32>
        %gather3A_449 = tpu.dynamic_gather %or3A_446[%gather3A_448] in [0] : vector<16xi32>, vector<16xi32> -> vector<16xi32>
        %or3A_450 = arith.ori %or3A_446, %gather3A_449 : vector<16xi32>
        %slice3A = vector.extract_strided_slice %or3A_450 {offsets = [0], sizes = [1], strides = [1]} : vector<16xi32> to vector<1xi32>
        %squeeze3A = vector.extract %slice3A[0] : i32 from vector<1xi32>
        %mul3A_451 = arith.constant 16 : i32
        %mul3A_452 = arith.muli %scan3A_292, %mul3A_451 : i32
        %add3A_453 = arith.constant 0 : i32
        %add3A_454 = arith.addi %mul3A_452, %add3A_453 : i32
        %broadcast_in_dim3A_455 = vector.broadcast %add3A_454 : i32 to vector<16xi32>
        %swap3A_456 = arith.index_cast %scan3A_293 : i32 to index
        %swap3A_457 = tpu.vector_load %arg7[%swap3A_456] {strides = array<i32>} : memref<32784xi32, #tpu.memory_space<vmem>>, vector<16xi32>,
        %swap3A_458 = vector.shape_cast %swap3A_457 : vector<16xi32> to vector<16xi32>
        %swap3A_459 = vector.shape_cast %broadcast_in_dim3A_455 : vector<16xi32> to vector<16xi32>
        tpu.vector_store %arg7[%swap3A_456], %swap3A_459 {strides = array<i32>} : memref<32784xi32, #tpu.memory_space<vmem>>, vector<16xi32>,
        %shift_right_logical3A_460 = arith.constant 15 : i32
        %shift_right_logical3A_461 = arith.shrui %squeeze3A, %shift_right_logical3A_460 : i32
        %and3A = arith.constant 1 : i32
        %and3A_462 = arith.andi %shift_right_logical3A_461, %and3A : i32
        %shift_left3A_463 = arith.constant 4 : i32
        %shift_left3A_464 = arith.shli %and3A_462, %shift_left3A_463 : i32
        %add3A_465 = arith.addi %scan3A_293, %shift_left3A_464 : i32
        %mul3A_466 = arith.constant 16 : i32
        %mul3A_467 = arith.muli %scan3A_292, %mul3A_466 : i32
        %add3A_468 = arith.constant 1 : i32
        %add3A_469 = arith.addi %mul3A_467, %add3A_468 : i32
        %broadcast_in_dim3A_470 = vector.broadcast %add3A_469 : i32 to vector<16xi32>
        %swap3A_471 = arith.index_cast %add3A_465 : i32 to index
        %swap3A_472 = tpu.vector_load %arg7[%swap3A_471] {strides = array<i32>} : memref<32784xi32, #tpu.memory_space<vmem>>, vector<16xi32>,
        %swap3A_473 = vector.shape_cast %swap3A_472 : vector<16xi32> to vector<16xi32>
        %swap3A_474 = vector.shape_cast %broadcast_in_dim3A_470 : vector<16xi32> to vector<16xi32>
        tpu.vector_store %arg7[%swap3A_471], %swap3A_474 {strides = array<i32>} : memref<32784xi32, #tpu.memory_space<vmem>>, vector<16xi32>,
        %shift_right_logical3A_475 = arith.constant 14 : i32
        %shift_right_logical3A_476 = arith.shrui %squeeze3A, %shift_right_logical3A_475 : i32
        %and3A_477 = arith.constant 1 : i32
        %and3A_478 = arith.andi %shift_right_logical3A_476, %and3A_477 : i32
        %shift_left3A_479 = arith.constant 4 : i32
        %shift_left3A_480 = arith.shli %and3A_478, %shift_left3A_479 : i32
        %add3A_481 = arith.addi %add3A_465, %shift_left3A_480 : i32
        %mul3A_482 = arith.constant 16 : i32
        %mul3A_483 = arith.muli %scan3A_292, %mul3A_482 : i32
        %add3A_484 = arith.constant 2 : i32
        %add3A_485 = arith.addi %mul3A_483, %add3A_484 : i32
        %broadcast_in_dim3A_486 = vector.broadcast %add3A_485 : i32 to vector<16xi32>
        %swap3A_487 = arith.index_cast %add3A_481 : i32 to index
        %swap3A_488 = tpu.vector_load %arg7[%swap3A_487] {strides = array<i32>} : memref<32784xi32, #tpu.memory_space<vmem>>, vector<16xi32>,
        %swap3A_489 = vector.shape_cast %swap3A_488 : vector<16xi32> to vector<16xi32>
        %swap3A_490 = vector.shape_cast %broadcast_in_dim3A_486 : vector<16xi32> to vector<16xi32>
        tpu.vector_store %arg7[%swap3A_487], %swap3A_490 {strides = array<i32>} : memref<32784xi32, #tpu.memory_space<vmem>>, vector<16xi32>,
        %shift_right_logical3A_491 = arith.constant 13 : i32
        %shift_right_logical3A_492 = arith.shrui %squeeze3A, %shift_right_logical3A_491 : i32
        %and3A_493 = arith.constant 1 : i32
        %and3A_494 = arith.andi %shift_right_logical3A_492, %and3A_493 : i32
        %shift_left3A_495 = arith.constant 4 : i32
        %shift_left3A_496 = arith.shli %and3A_494, %shift_left3A_495 : i32
        %add3A_497 = arith.addi %add3A_481, %shift_left3A_496 : i32
        %mul3A_498 = arith.constant 16 : i32
        %mul3A_499 = arith.muli %scan3A_292, %mul3A_498 : i32
        %add3A_500 = arith.constant 3 : i32
        %add3A_501 = arith.addi %mul3A_499, %add3A_500 : i32
        %broadcast_in_dim3A_502 = vector.broadcast %add3A_501 : i32 to vector<16xi32>
        %swap3A_503 = arith.index_cast %add3A_497 : i32 to index
        %swap3A_504 = tpu.vector_load %arg7[%swap3A_503] {strides = array<i32>} : memref<32784xi32, #tpu.memory_space<vmem>>, vector<16xi32>,
        %swap3A_505 = vector.shape_cast %swap3A_504 : vector<16xi32> to vector<16xi32>
        %swap3A_506 = vector.shape_cast %broadcast_in_dim3A_502 : vector<16xi32> to vector<16xi32>
        tpu.vector_store %arg7[%swap3A_503], %swap3A_506 {strides = array<i32>} : memref<32784xi32, #tpu.memory_space<vmem>>, vector<16xi32>,
        %shift_right_logical3A_507 = arith.constant 12 : i32
        %shift_right_logical3A_508 = arith.shrui %squeeze3A, %shift_right_logical3A_507 : i32
        %and3A_509 = arith.constant 1 : i32
        %and3A_510 = arith.andi %shift_right_logical3A_508, %and3A_509 : i32
        %shift_left3A_511 = arith.constant 4 : i32
        %shift_left3A_512 = arith.shli %and3A_510, %shift_left3A_511 : i32
        %add3A_513 = arith.addi %add3A_497, %shift_left3A_512 : i32
        %mul3A_514 = arith.constant 16 : i32
        %mul3A_515 = arith.muli %scan3A_292, %mul3A_514 : i32
        %add3A_516 = arith.constant 4 : i32
        %add3A_517 = arith.addi %mul3A_515, %add3A_516 : i32
        %broadcast_in_dim3A_518 = vector.broadcast %add3A_517 : i32 to vector<16xi32>
        %swap3A_519 = arith.index_cast %add3A_513 : i32 to index
        %swap3A_520 = tpu.vector_load %arg7[%swap3A_519] {strides = array<i32>} : memref<32784xi32, #tpu.memory_space<vmem>>, vector<16xi32>,
        %swap3A_521 = vector.shape_cast %swap3A_520 : vector<16xi32> to vector<16xi32>
        %swap3A_522 = vector.shape_cast %broadcast_in_dim3A_518 : vector<16xi32> to vector<16xi32>
        tpu.vector_store %arg7[%swap3A_519], %swap3A_522 {strides = array<i32>} : memref<32784xi32, #tpu.memory_space<vmem>>, vector<16xi32>,
        %shift_right_logical3A_523 = arith.constant 11 : i32
        %shift_right_logical3A_524 = arith.shrui %squeeze3A, %shift_right_logical3A_523 : i32
        %and3A_525 = arith.constant 1 : i32
        %and3A_526 = arith.andi %shift_right_logical3A_524, %and3A_525 : i32
        %shift_left3A_527 = arith.constant 4 : i32
        %shift_left3A_528 = arith.shli %and3A_526, %shift_left3A_527 : i32
        %add3A_529 = arith.addi %add3A_513, %shift_left3A_528 : i32
        %mul3A_530 = arith.constant 16 : i32
        %mul3A_531 = arith.muli %scan3A_292, %mul3A_530 : i32
        %add3A_532 = arith.constant 5 : i32
        %add3A_533 = arith.addi %mul3A_531, %add3A_532 : i32
        %broadcast_in_dim3A_534 = vector.broadcast %add3A_533 : i32 to vector<16xi32>
        %swap3A_535 = arith.index_cast %add3A_529 : i32 to index
        %swap3A_536 = tpu.vector_load %arg7[%swap3A_535] {strides = array<i32>} : memref<32784xi32, #tpu.memory_space<vmem>>, vector<16xi32>,
        %swap3A_537 = vector.shape_cast %swap3A_536 : vector<16xi32> to vector<16xi32>
        %swap3A_538 = vector.shape_cast %broadcast_in_dim3A_534 : vector<16xi32> to vector<16xi32>
        tpu.vector_store %arg7[%swap3A_535], %swap3A_538 {strides = array<i32>} : memref<32784xi32, #tpu.memory_space<vmem>>, vector<16xi32>,
        %shift_right_logical3A_539 = arith.constant 10 : i32
        %shift_right_logical3A_540 = arith.shrui %squeeze3A, %shift_right_logical3A_539 : i32
        %and3A_541 = arith.constant 1 : i32
        %and3A_542 = arith.andi %shift_right_logical3A_540, %and3A_541 : i32
        %shift_left3A_543 = arith.constant 4 : i32
        %shift_left3A_544 = arith.shli %and3A_542, %shift_left3A_543 : i32
        %add3A_545 = arith.addi %add3A_529, %shift_left3A_544 : i32
        %mul3A_546 = arith.constant 16 : i32
        %mul3A_547 = arith.muli %scan3A_292, %mul3A_546 : i32
        %add3A_548 = arith.constant 6 : i32
        %add3A_549 = arith.addi %mul3A_547, %add3A_548 : i32
        %broadcast_in_dim3A_550 = vector.broadcast %add3A_549 : i32 to vector<16xi32>
        %swap3A_551 = arith.index_cast %add3A_545 : i32 to index
        %swap3A_552 = tpu.vector_load %arg7[%swap3A_551] {strides = array<i32>} : memref<32784xi32, #tpu.memory_space<vmem>>, vector<16xi32>,
        %swap3A_553 = vector.shape_cast %swap3A_552 : vector<16xi32> to vector<16xi32>
        %swap3A_554 = vector.shape_cast %broadcast_in_dim3A_550 : vector<16xi32> to vector<16xi32>
        tpu.vector_store %arg7[%swap3A_551], %swap3A_554 {strides = array<i32>} : memref<32784xi32, #tpu.memory_space<vmem>>, vector<16xi32>,
        %shift_right_logical3A_555 = arith.constant 9 : i32
        %shift_right_logical3A_556 = arith.shrui %squeeze3A, %shift_right_logical3A_555 : i32
        %and3A_557 = arith.constant 1 : i32
        %and3A_558 = arith.andi %shift_right_logical3A_556, %and3A_557 : i32
        %shift_left3A_559 = arith.constant 4 : i32
        %shift_left3A_560 = arith.shli %and3A_558, %shift_left3A_559 : i32
        %add3A_561 = arith.addi %add3A_545, %shift_left3A_560 : i32
        %mul3A_562 = arith.constant 16 : i32
        %mul3A_563 = arith.muli %scan3A_292, %mul3A_562 : i32
        %add3A_564 = arith.constant 7 : i32
        %add3A_565 = arith.addi %mul3A_563, %add3A_564 : i32
        %broadcast_in_dim3A_566 = vector.broadcast %add3A_565 : i32 to vector<16xi32>
        %swap3A_567 = arith.index_cast %add3A_561 : i32 to index
        %swap3A_568 = tpu.vector_load %arg7[%swap3A_567] {strides = array<i32>} : memref<32784xi32, #tpu.memory_space<vmem>>, vector<16xi32>,
        %swap3A_569 = vector.shape_cast %swap3A_568 : vector<16xi32> to vector<16xi32>
        %swap3A_570 = vector.shape_cast %broadcast_in_dim3A_566 : vector<16xi32> to vector<16xi32>
        tpu.vector_store %arg7[%swap3A_567], %swap3A_570 {strides = array<i32>} : memref<32784xi32, #tpu.memory_space<vmem>>, vector<16xi32>,
        %shift_right_logical3A_571 = arith.constant 8 : i32
        %shift_right_logical3A_572 = arith.shrui %squeeze3A, %shift_right_logical3A_571 : i32
        %and3A_573 = arith.constant 1 : i32
        %and3A_574 = arith.andi %shift_right_logical3A_572, %and3A_573 : i32
        %shift_left3A_575 = arith.constant 4 : i32
        %shift_left3A_576 = arith.shli %and3A_574, %shift_left3A_575 : i32
        %add3A_577 = arith.addi %add3A_561, %shift_left3A_576 : i32
        %mul3A_578 = arith.constant 16 : i32
        %mul3A_579 = arith.muli %scan3A_292, %mul3A_578 : i32
        %add3A_580 = arith.constant 8 : i32
        %add3A_581 = arith.addi %mul3A_579, %add3A_580 : i32
        %broadcast_in_dim3A_582 = vector.broadcast %add3A_581 : i32 to vector<16xi32>
        %swap3A_583 = arith.index_cast %add3A_577 : i32 to index
        %swap3A_584 = tpu.vector_load %arg7[%swap3A_583] {strides = array<i32>} : memref<32784xi32, #tpu.memory_space<vmem>>, vector<16xi32>,
        %swap3A_585 = vector.shape_cast %swap3A_584 : vector<16xi32> to vector<16xi32>
        %swap3A_586 = vector.shape_cast %broadcast_in_dim3A_582 : vector<16xi32> to vector<16xi32>
        tpu.vector_store %arg7[%swap3A_583], %swap3A_586 {strides = array<i32>} : memref<32784xi32, #tpu.memory_space<vmem>>, vector<16xi32>,
        %shift_right_logical3A_587 = arith.constant 7 : i32
        %shift_right_logical3A_588 = arith.shrui %squeeze3A, %shift_right_logical3A_587 : i32
        %and3A_589 = arith.constant 1 : i32
        %and3A_590 = arith.andi %shift_right_logical3A_588, %and3A_589 : i32
        %shift_left3A_591 = arith.constant 4 : i32
        %shift_left3A_592 = arith.shli %and3A_590, %shift_left3A_591 : i32
        %add3A_593 = arith.addi %add3A_577, %shift_left3A_592 : i32
        %mul3A_594 = arith.constant 16 : i32
        %mul3A_595 = arith.muli %scan3A_292, %mul3A_594 : i32
        %add3A_596 = arith.constant 9 : i32
        %add3A_597 = arith.addi %mul3A_595, %add3A_596 : i32
        %broadcast_in_dim3A_598 = vector.broadcast %add3A_597 : i32 to vector<16xi32>
        %swap3A_599 = arith.index_cast %add3A_593 : i32 to index
        %swap3A_600 = tpu.vector_load %arg7[%swap3A_599] {strides = array<i32>} : memref<32784xi32, #tpu.memory_space<vmem>>, vector<16xi32>,
        %swap3A_601 = vector.shape_cast %swap3A_600 : vector<16xi32> to vector<16xi32>
        %swap3A_602 = vector.shape_cast %broadcast_in_dim3A_598 : vector<16xi32> to vector<16xi32>
        tpu.vector_store %arg7[%swap3A_599], %swap3A_602 {strides = array<i32>} : memref<32784xi32, #tpu.memory_space<vmem>>, vector<16xi32>,
        %shift_right_logical3A_603 = arith.constant 6 : i32
        %shift_right_logical3A_604 = arith.shrui %squeeze3A, %shift_right_logical3A_603 : i32
        %and3A_605 = arith.constant 1 : i32
        %and3A_606 = arith.andi %shift_right_logical3A_604, %and3A_605 : i32
        %shift_left3A_607 = arith.constant 4 : i32
        %shift_left3A_608 = arith.shli %and3A_606, %shift_left3A_607 : i32
        %add3A_609 = arith.addi %add3A_593, %shift_left3A_608 : i32
        %mul3A_610 = arith.constant 16 : i32
        %mul3A_611 = arith.muli %scan3A_292, %mul3A_610 : i32
        %add3A_612 = arith.constant 10 : i32
        %add3A_613 = arith.addi %mul3A_611, %add3A_612 : i32
        %broadcast_in_dim3A_614 = vector.broadcast %add3A_613 : i32 to vector<16xi32>
        %swap3A_615 = arith.index_cast %add3A_609 : i32 to index
        %swap3A_616 = tpu.vector_load %arg7[%swap3A_615] {strides = array<i32>} : memref<32784xi32, #tpu.memory_space<vmem>>, vector<16xi32>,
        %swap3A_617 = vector.shape_cast %swap3A_616 : vector<16xi32> to vector<16xi32>
        %swap3A_618 = vector.shape_cast %broadcast_in_dim3A_614 : vector<16xi32> to vector<16xi32>
        tpu.vector_store %arg7[%swap3A_615], %swap3A_618 {strides = array<i32>} : memref<32784xi32, #tpu.memory_space<vmem>>, vector<16xi32>,
        %shift_right_logical3A_619 = arith.constant 5 : i32
        %shift_right_logical3A_620 = arith.shrui %squeeze3A, %shift_right_logical3A_619 : i32
        %and3A_621 = arith.constant 1 : i32
        %and3A_622 = arith.andi %shift_right_logical3A_620, %and3A_621 : i32
        %shift_left3A_623 = arith.constant 4 : i32
        %shift_left3A_624 = arith.shli %and3A_622, %shift_left3A_623 : i32
        %add3A_625 = arith.addi %add3A_609, %shift_left3A_624 : i32
        %mul3A_626 = arith.constant 16 : i32
        %mul3A_627 = arith.muli %scan3A_292, %mul3A_626 : i32
        %add3A_628 = arith.constant 11 : i32
        %add3A_629 = arith.addi %mul3A_627, %add3A_628 : i32
        %broadcast_in_dim3A_630 = vector.broadcast %add3A_629 : i32 to vector<16xi32>
        %swap3A_631 = arith.index_cast %add3A_625 : i32 to index
        %swap3A_632 = tpu.vector_load %arg7[%swap3A_631] {strides = array<i32>} : memref<32784xi32, #tpu.memory_space<vmem>>, vector<16xi32>,
        %swap3A_633 = vector.shape_cast %swap3A_632 : vector<16xi32> to vector<16xi32>
        %swap3A_634 = vector.shape_cast %broadcast_in_dim3A_630 : vector<16xi32> to vector<16xi32>
        tpu.vector_store %arg7[%swap3A_631], %swap3A_634 {strides = array<i32>} : memref<32784xi32, #tpu.memory_space<vmem>>, vector<16xi32>,
        %shift_right_logical3A_635 = arith.constant 4 : i32
        %shift_right_logical3A_636 = arith.shrui %squeeze3A, %shift_right_logical3A_635 : i32
        %and3A_637 = arith.constant 1 : i32
        %and3A_638 = arith.andi %shift_right_logical3A_636, %and3A_637 : i32
        %shift_left3A_639 = arith.constant 4 : i32
        %shift_left3A_640 = arith.shli %and3A_638, %shift_left3A_639 : i32
        %add3A_641 = arith.addi %add3A_625, %shift_left3A_640 : i32
        %mul3A_642 = arith.constant 16 : i32
        %mul3A_643 = arith.muli %scan3A_292, %mul3A_642 : i32
        %add3A_644 = arith.constant 12 : i32
        %add3A_645 = arith.addi %mul3A_643, %add3A_644 : i32
        %broadcast_in_dim3A_646 = vector.broadcast %add3A_645 : i32 to vector<16xi32>
        %swap3A_647 = arith.index_cast %add3A_641 : i32 to index
        %swap3A_648 = tpu.vector_load %arg7[%swap3A_647] {strides = array<i32>} : memref<32784xi32, #tpu.memory_space<vmem>>, vector<16xi32>,
        %swap3A_649 = vector.shape_cast %swap3A_648 : vector<16xi32> to vector<16xi32>
        %swap3A_650 = vector.shape_cast %broadcast_in_dim3A_646 : vector<16xi32> to vector<16xi32>
        tpu.vector_store %arg7[%swap3A_647], %swap3A_650 {strides = array<i32>} : memref<32784xi32, #tpu.memory_space<vmem>>, vector<16xi32>,
        %shift_right_logical3A_651 = arith.constant 3 : i32
        %shift_right_logical3A_652 = arith.shrui %squeeze3A, %shift_right_logical3A_651 : i32
        %and3A_653 = arith.constant 1 : i32
        %and3A_654 = arith.andi %shift_right_logical3A_652, %and3A_653 : i32
        %shift_left3A_655 = arith.constant 4 : i32
        %shift_left3A_656 = arith.shli %and3A_654, %shift_left3A_655 : i32
        %add3A_657 = arith.addi %add3A_641, %shift_left3A_656 : i32
        %mul3A_658 = arith.constant 16 : i32
        %mul3A_659 = arith.muli %scan3A_292, %mul3A_658 : i32
        %add3A_660 = arith.constant 13 : i32
        %add3A_661 = arith.addi %mul3A_659, %add3A_660 : i32
        %broadcast_in_dim3A_662 = vector.broadcast %add3A_661 : i32 to vector<16xi32>
        %swap3A_663 = arith.index_cast %add3A_657 : i32 to index
        %swap3A_664 = tpu.vector_load %arg7[%swap3A_663] {strides = array<i32>} : memref<32784xi32, #tpu.memory_space<vmem>>, vector<16xi32>,
        %swap3A_665 = vector.shape_cast %swap3A_664 : vector<16xi32> to vector<16xi32>
        %swap3A_666 = vector.shape_cast %broadcast_in_dim3A_662 : vector<16xi32> to vector<16xi32>
        tpu.vector_store %arg7[%swap3A_663], %swap3A_666 {strides = array<i32>} : memref<32784xi32, #tpu.memory_space<vmem>>, vector<16xi32>,
        %shift_right_logical3A_667 = arith.constant 2 : i32
        %shift_right_logical3A_668 = arith.shrui %squeeze3A, %shift_right_logical3A_667 : i32
        %and3A_669 = arith.constant 1 : i32
        %and3A_670 = arith.andi %shift_right_logical3A_668, %and3A_669 : i32
        %shift_left3A_671 = arith.constant 4 : i32
        %shift_left3A_672 = arith.shli %and3A_670, %shift_left3A_671 : i32
        %add3A_673 = arith.addi %add3A_657, %shift_left3A_672 : i32
        %mul3A_674 = arith.constant 16 : i32
        %mul3A_675 = arith.muli %scan3A_292, %mul3A_674 : i32
        %add3A_676 = arith.constant 14 : i32
        %add3A_677 = arith.addi %mul3A_675, %add3A_676 : i32
        %broadcast_in_dim3A_678 = vector.broadcast %add3A_677 : i32 to vector<16xi32>
        %swap3A_679 = arith.index_cast %add3A_673 : i32 to index
        %swap3A_680 = tpu.vector_load %arg7[%swap3A_679] {strides = array<i32>} : memref<32784xi32, #tpu.memory_space<vmem>>, vector<16xi32>,
        %swap3A_681 = vector.shape_cast %swap3A_680 : vector<16xi32> to vector<16xi32>
        %swap3A_682 = vector.shape_cast %broadcast_in_dim3A_678 : vector<16xi32> to vector<16xi32>
        tpu.vector_store %arg7[%swap3A_679], %swap3A_682 {strides = array<i32>} : memref<32784xi32, #tpu.memory_space<vmem>>, vector<16xi32>,
        %shift_right_logical3A_683 = arith.constant 1 : i32
        %shift_right_logical3A_684 = arith.shrui %squeeze3A, %shift_right_logical3A_683 : i32
        %and3A_685 = arith.constant 1 : i32
        %and3A_686 = arith.andi %shift_right_logical3A_684, %and3A_685 : i32
        %shift_left3A_687 = arith.constant 4 : i32
        %shift_left3A_688 = arith.shli %and3A_686, %shift_left3A_687 : i32
        %add3A_689 = arith.addi %add3A_673, %shift_left3A_688 : i32
        %mul3A_690 = arith.constant 16 : i32
        %mul3A_691 = arith.muli %scan3A_292, %mul3A_690 : i32
        %add3A_692 = arith.constant 15 : i32
        %add3A_693 = arith.addi %mul3A_691, %add3A_692 : i32
        %broadcast_in_dim3A_694 = vector.broadcast %add3A_693 : i32 to vector<16xi32>
        %swap3A_695 = arith.index_cast %add3A_689 : i32 to index
        %swap3A_696 = tpu.vector_load %arg7[%swap3A_695] {strides = array<i32>} : memref<32784xi32, #tpu.memory_space<vmem>>, vector<16xi32>,
        %swap3A_697 = vector.shape_cast %swap3A_696 : vector<16xi32> to vector<16xi32>
        %swap3A_698 = vector.shape_cast %broadcast_in_dim3A_694 : vector<16xi32> to vector<16xi32>
        tpu.vector_store %arg7[%swap3A_695], %swap3A_698 {strides = array<i32>} : memref<32784xi32, #tpu.memory_space<vmem>>, vector<16xi32>,
        %shift_right_logical3A_699 = arith.constant 0 : i32
        %shift_right_logical3A_700 = arith.shrui %squeeze3A, %shift_right_logical3A_699 : i32
        %and3A_701 = arith.constant 1 : i32
        %and3A_702 = arith.andi %shift_right_logical3A_700, %and3A_701 : i32
        %shift_left3A_703 = arith.constant 4 : i32
        %shift_left3A_704 = arith.shli %and3A_702, %shift_left3A_703 : i32
        %add3A_705 = arith.addi %add3A_689, %shift_left3A_704 : i32
        scf.yield %add3A_705 : i32
      }
      %scan3A_61 = arith.constant 16 : i32
      %shift_right_logical3A = arith.constant 4 : i32
      %shift_right_logical3A_62 = arith.shrui %scan3A_60, %shift_right_logical3A : i32
      %while3A = arith.constant 0 : i32
      %while3A_63 = arith.constant 0 : i32
      %while3A_64 = arith.subi %shift_right_logical3A_62, %while3A_63 : i32
      %while3A_65 = arith.addi %while3A_63, %while3A_64 : i32
      %while3A_66 = arith.constant 1 : i32
      %while3A_67 = arith.divsi %while3A_64, %while3A_66 : i32
      %while3A_68 = arith.muli %while3A_67, %while3A_66 : i32
      %while3A_69 = arith.addi %while3A_63, %while3A_68 : i32
      %while3A_70 = arith.constant 1 : i32
      scf.for %while3A_292 = %while3A_63 to %while3A_69 step %while3A_70  : i32 {
        %mul3A_293 = arith.constant 16 : i32
        %mul3A_294 = arith.muli %while3A_292, %mul3A_293 : i32
        %get3A = arith.index_cast %mul3A_294 : i32 to index
        %get3A_295 = tpu.vector_load %arg7[%get3A] {strides = array<i32>} : memref<32784xi32, #tpu.memory_space<vmem>>, vector<16xi32>,
        %get3A_296 = vector.shape_cast %get3A_295 : vector<16xi32> to vector<16xi32>
        %slice3A = vector.extract_strided_slice %get3A_296 {offsets = [0], sizes = [1], strides = [1]} : vector<16xi32> to vector<1xi32>
        %squeeze3A = vector.extract %slice3A[0] : i32 from vector<1xi32>
        %mul3A_297 = arith.constant 128 : i32
        %mul3A_298 = arith.muli %squeeze3A, %mul3A_297 : i32
        %mul3A_299 = arith.constant 128 : i32
        %mul3A_300 = arith.muli %while3A_292, %mul3A_299 : i32
        %add3A_301 = arith.constant 0 : i32
        %add3A_302 = arith.addi %mul3A_298, %add3A_301 : i32
        %get3A_303 = arith.index_cast %add3A_302 : i32 to index
        %get3A_304 = tpu.vector_load %arg4[%get3A_303] {strides = array<i32>} : memref<32768xf32, #tpu.memory_space<vmem>>, vector<16xf32>,
        %get3A_305 = vector.shape_cast %get3A_304 : vector<16xf32> to vector<16xf32>
        %add3A_306 = arith.constant 0 : i32
        %add3A_307 = arith.addi %mul3A_300, %add3A_306 : i32
        %swap3A_308 = arith.index_cast %add3A_307 : i32 to index
        %swap3A_309 = tpu.vector_load %arg5[%swap3A_308] {strides = array<i32>} : memref<33024xf32, #tpu.memory_space<vmem>>, vector<16xf32>,
        %swap3A_310 = vector.shape_cast %swap3A_309 : vector<16xf32> to vector<16xf32>
        %swap3A_311 = vector.shape_cast %get3A_305 : vector<16xf32> to vector<16xf32>
        tpu.vector_store %arg5[%swap3A_308], %swap3A_311 {strides = array<i32>} : memref<33024xf32, #tpu.memory_space<vmem>>, vector<16xf32>,
        %add3A_312 = arith.constant 16 : i32
        %add3A_313 = arith.addi %mul3A_298, %add3A_312 : i32
        %get3A_314 = arith.index_cast %add3A_313 : i32 to index
        %get3A_315 = tpu.vector_load %arg4[%get3A_314] {strides = array<i32>} : memref<32768xf32, #tpu.memory_space<vmem>>, vector<16xf32>,
        %get3A_316 = vector.shape_cast %get3A_315 : vector<16xf32> to vector<16xf32>
        %add3A_317 = arith.constant 16 : i32
        %add3A_318 = arith.addi %mul3A_300, %add3A_317 : i32
        %swap3A_319 = arith.index_cast %add3A_318 : i32 to index
        %swap3A_320 = tpu.vector_load %arg5[%swap3A_319] {strides = array<i32>} : memref<33024xf32, #tpu.memory_space<vmem>>, vector<16xf32>,
        %swap3A_321 = vector.shape_cast %swap3A_320 : vector<16xf32> to vector<16xf32>
        %swap3A_322 = vector.shape_cast %get3A_316 : vector<16xf32> to vector<16xf32>
        tpu.vector_store %arg5[%swap3A_319], %swap3A_322 {strides = array<i32>} : memref<33024xf32, #tpu.memory_space<vmem>>, vector<16xf32>,
        %add3A_323 = arith.constant 32 : i32
        %add3A_324 = arith.addi %mul3A_298, %add3A_323 : i32
        %get3A_325 = arith.index_cast %add3A_324 : i32 to index
        %get3A_326 = tpu.vector_load %arg4[%get3A_325] {strides = array<i32>} : memref<32768xf32, #tpu.memory_space<vmem>>, vector<16xf32>,
        %get3A_327 = vector.shape_cast %get3A_326 : vector<16xf32> to vector<16xf32>
        %add3A_328 = arith.constant 32 : i32
        %add3A_329 = arith.addi %mul3A_300, %add3A_328 : i32
        %swap3A_330 = arith.index_cast %add3A_329 : i32 to index
        %swap3A_331 = tpu.vector_load %arg5[%swap3A_330] {strides = array<i32>} : memref<33024xf32, #tpu.memory_space<vmem>>, vector<16xf32>,
        %swap3A_332 = vector.shape_cast %swap3A_331 : vector<16xf32> to vector<16xf32>
        %swap3A_333 = vector.shape_cast %get3A_327 : vector<16xf32> to vector<16xf32>
        tpu.vector_store %arg5[%swap3A_330], %swap3A_333 {strides = array<i32>} : memref<33024xf32, #tpu.memory_space<vmem>>, vector<16xf32>,
        %add3A_334 = arith.constant 48 : i32
        %add3A_335 = arith.addi %mul3A_298, %add3A_334 : i32
        %get3A_336 = arith.index_cast %add3A_335 : i32 to index
        %get3A_337 = tpu.vector_load %arg4[%get3A_336] {strides = array<i32>} : memref<32768xf32, #tpu.memory_space<vmem>>, vector<16xf32>,
        %get3A_338 = vector.shape_cast %get3A_337 : vector<16xf32> to vector<16xf32>
        %add3A_339 = arith.constant 48 : i32
        %add3A_340 = arith.addi %mul3A_300, %add3A_339 : i32
        %swap3A_341 = arith.index_cast %add3A_340 : i32 to index
        %swap3A_342 = tpu.vector_load %arg5[%swap3A_341] {strides = array<i32>} : memref<33024xf32, #tpu.memory_space<vmem>>, vector<16xf32>,
        %swap3A_343 = vector.shape_cast %swap3A_342 : vector<16xf32> to vector<16xf32>
        %swap3A_344 = vector.shape_cast %get3A_338 : vector<16xf32> to vector<16xf32>
        tpu.vector_store %arg5[%swap3A_341], %swap3A_344 {strides = array<i32>} : memref<33024xf32, #tpu.memory_space<vmem>>, vector<16xf32>,
        %add3A_345 = arith.constant 64 : i32
        %add3A_346 = arith.addi %mul3A_298, %add3A_345 : i32
        %get3A_347 = arith.index_cast %add3A_346 : i32 to index
        %get3A_348 = tpu.vector_load %arg4[%get3A_347] {strides = array<i32>} : memref<32768xf32, #tpu.memory_space<vmem>>, vector<16xf32>,
        %get3A_349 = vector.shape_cast %get3A_348 : vector<16xf32> to vector<16xf32>
        %add3A_350 = arith.constant 64 : i32
        %add3A_351 = arith.addi %mul3A_300, %add3A_350 : i32
        %swap3A_352 = arith.index_cast %add3A_351 : i32 to index
        %swap3A_353 = tpu.vector_load %arg5[%swap3A_352] {strides = array<i32>} : memref<33024xf32, #tpu.memory_space<vmem>>, vector<16xf32>,
        %swap3A_354 = vector.shape_cast %swap3A_353 : vector<16xf32> to vector<16xf32>
        %swap3A_355 = vector.shape_cast %get3A_349 : vector<16xf32> to vector<16xf32>
        tpu.vector_store %arg5[%swap3A_352], %swap3A_355 {strides = array<i32>} : memref<33024xf32, #tpu.memory_space<vmem>>, vector<16xf32>,
        %add3A_356 = arith.constant 80 : i32
        %add3A_357 = arith.addi %mul3A_298, %add3A_356 : i32
        %get3A_358 = arith.index_cast %add3A_357 : i32 to index
        %get3A_359 = tpu.vector_load %arg4[%get3A_358] {strides = array<i32>} : memref<32768xf32, #tpu.memory_space<vmem>>, vector<16xf32>,
        %get3A_360 = vector.shape_cast %get3A_359 : vector<16xf32> to vector<16xf32>
        %add3A_361 = arith.constant 80 : i32
        %add3A_362 = arith.addi %mul3A_300, %add3A_361 : i32
        %swap3A_363 = arith.index_cast %add3A_362 : i32 to index
        %swap3A_364 = tpu.vector_load %arg5[%swap3A_363] {strides = array<i32>} : memref<33024xf32, #tpu.memory_space<vmem>>, vector<16xf32>,
        %swap3A_365 = vector.shape_cast %swap3A_364 : vector<16xf32> to vector<16xf32>
        %swap3A_366 = vector.shape_cast %get3A_360 : vector<16xf32> to vector<16xf32>
        tpu.vector_store %arg5[%swap3A_363], %swap3A_366 {strides = array<i32>} : memref<33024xf32, #tpu.memory_space<vmem>>, vector<16xf32>,
        %add3A_367 = arith.constant 96 : i32
        %add3A_368 = arith.addi %mul3A_298, %add3A_367 : i32
        %get3A_369 = arith.index_cast %add3A_368 : i32 to index
        %get3A_370 = tpu.vector_load %arg4[%get3A_369] {strides = array<i32>} : memref<32768xf32, #tpu.memory_space<vmem>>, vector<16xf32>,
        %get3A_371 = vector.shape_cast %get3A_370 : vector<16xf32> to vector<16xf32>
        %add3A_372 = arith.constant 96 : i32
        %add3A_373 = arith.addi %mul3A_300, %add3A_372 : i32
        %swap3A_374 = arith.index_cast %add3A_373 : i32 to index
        %swap3A_375 = tpu.vector_load %arg5[%swap3A_374] {strides = array<i32>} : memref<33024xf32, #tpu.memory_space<vmem>>, vector<16xf32>,
        %swap3A_376 = vector.shape_cast %swap3A_375 : vector<16xf32> to vector<16xf32>
        %swap3A_377 = vector.shape_cast %get3A_371 : vector<16xf32> to vector<16xf32>
        tpu.vector_store %arg5[%swap3A_374], %swap3A_377 {strides = array<i32>} : memref<33024xf32, #tpu.memory_space<vmem>>, vector<16xf32>,
        %add3A_378 = arith.constant 112 : i32
        %add3A_379 = arith.addi %mul3A_298, %add3A_378 : i32
        %get3A_380 = arith.index_cast %add3A_379 : i32 to index
        %get3A_381 = tpu.vector_load %arg4[%get3A_380] {strides = array<i32>} : memref<32768xf32, #tpu.memory_space<vmem>>, vector<16xf32>,
        %get3A_382 = vector.shape_cast %get3A_381 : vector<16xf32> to vector<16xf32>
        %add3A_383 = arith.constant 112 : i32
        %add3A_384 = arith.addi %mul3A_300, %add3A_383 : i32
        %swap3A_385 = arith.index_cast %add3A_384 : i32 to index
        %swap3A_386 = tpu.vector_load %arg5[%swap3A_385] {strides = array<i32>} : memref<33024xf32, #tpu.memory_space<vmem>>, vector<16xf32>,
        %swap3A_387 = vector.shape_cast %swap3A_386 : vector<16xf32> to vector<16xf32>
        %swap3A_388 = vector.shape_cast %get3A_382 : vector<16xf32> to vector<16xf32>
        tpu.vector_store %arg5[%swap3A_385], %swap3A_388 {strides = array<i32>} : memref<33024xf32, #tpu.memory_space<vmem>>, vector<16xf32>,
      }
      %while3A_71 = arith.constant 1 : i32
      scf.for %while3A_292 = %while3A_69 to %while3A_65 step %while3A_71  : i32 {
        %mul3A_293 = arith.constant 16 : i32
        %mul3A_294 = arith.muli %while3A_292, %mul3A_293 : i32
        %get3A = arith.index_cast %mul3A_294 : i32 to index
        %get3A_295 = tpu.vector_load %arg7[%get3A] {strides = array<i32>} : memref<32784xi32, #tpu.memory_space<vmem>>, vector<16xi32>,
        %get3A_296 = vector.shape_cast %get3A_295 : vector<16xi32> to vector<16xi32>
        %slice3A = vector.extract_strided_slice %get3A_296 {offsets = [0], sizes = [1], strides = [1]} : vector<16xi32> to vector<1xi32>
        %squeeze3A = vector.extract %slice3A[0] : i32 from vector<1xi32>
        %mul3A_297 = arith.constant 128 : i32
        %mul3A_298 = arith.muli %squeeze3A, %mul3A_297 : i32
        %mul3A_299 = arith.constant 128 : i32
        %mul3A_300 = arith.muli %while3A_292, %mul3A_299 : i32
        %add3A_301 = arith.constant 0 : i32
        %add3A_302 = arith.addi %mul3A_298, %add3A_301 : i32
        %get3A_303 = arith.index_cast %add3A_302 : i32 to index
        %get3A_304 = tpu.vector_load %arg4[%get3A_303] {strides = array<i32>} : memref<32768xf32, #tpu.memory_space<vmem>>, vector<16xf32>,
        %get3A_305 = vector.shape_cast %get3A_304 : vector<16xf32> to vector<16xf32>
        %add3A_306 = arith.constant 0 : i32
        %add3A_307 = arith.addi %mul3A_300, %add3A_306 : i32
        %swap3A_308 = arith.index_cast %add3A_307 : i32 to index
        %swap3A_309 = tpu.vector_load %arg5[%swap3A_308] {strides = array<i32>} : memref<33024xf32, #tpu.memory_space<vmem>>, vector<16xf32>,
        %swap3A_310 = vector.shape_cast %swap3A_309 : vector<16xf32> to vector<16xf32>
        %swap3A_311 = vector.shape_cast %get3A_305 : vector<16xf32> to vector<16xf32>
        tpu.vector_store %arg5[%swap3A_308], %swap3A_311 {strides = array<i32>} : memref<33024xf32, #tpu.memory_space<vmem>>, vector<16xf32>,
        %add3A_312 = arith.constant 16 : i32
        %add3A_313 = arith.addi %mul3A_298, %add3A_312 : i32
        %get3A_314 = arith.index_cast %add3A_313 : i32 to index
        %get3A_315 = tpu.vector_load %arg4[%get3A_314] {strides = array<i32>} : memref<32768xf32, #tpu.memory_space<vmem>>, vector<16xf32>,
        %get3A_316 = vector.shape_cast %get3A_315 : vector<16xf32> to vector<16xf32>
        %add3A_317 = arith.constant 16 : i32
        %add3A_318 = arith.addi %mul3A_300, %add3A_317 : i32
        %swap3A_319 = arith.index_cast %add3A_318 : i32 to index
        %swap3A_320 = tpu.vector_load %arg5[%swap3A_319] {strides = array<i32>} : memref<33024xf32, #tpu.memory_space<vmem>>, vector<16xf32>,
        %swap3A_321 = vector.shape_cast %swap3A_320 : vector<16xf32> to vector<16xf32>
        %swap3A_322 = vector.shape_cast %get3A_316 : vector<16xf32> to vector<16xf32>
        tpu.vector_store %arg5[%swap3A_319], %swap3A_322 {strides = array<i32>} : memref<33024xf32, #tpu.memory_space<vmem>>, vector<16xf32>,
        %add3A_323 = arith.constant 32 : i32
        %add3A_324 = arith.addi %mul3A_298, %add3A_323 : i32
        %get3A_325 = arith.index_cast %add3A_324 : i32 to index
        %get3A_326 = tpu.vector_load %arg4[%get3A_325] {strides = array<i32>} : memref<32768xf32, #tpu.memory_space<vmem>>, vector<16xf32>,
        %get3A_327 = vector.shape_cast %get3A_326 : vector<16xf32> to vector<16xf32>
        %add3A_328 = arith.constant 32 : i32
        %add3A_329 = arith.addi %mul3A_300, %add3A_328 : i32
        %swap3A_330 = arith.index_cast %add3A_329 : i32 to index
        %swap3A_331 = tpu.vector_load %arg5[%swap3A_330] {strides = array<i32>} : memref<33024xf32, #tpu.memory_space<vmem>>, vector<16xf32>,
        %swap3A_332 = vector.shape_cast %swap3A_331 : vector<16xf32> to vector<16xf32>
        %swap3A_333 = vector.shape_cast %get3A_327 : vector<16xf32> to vector<16xf32>
        tpu.vector_store %arg5[%swap3A_330], %swap3A_333 {strides = array<i32>} : memref<33024xf32, #tpu.memory_space<vmem>>, vector<16xf32>,
        %add3A_334 = arith.constant 48 : i32
        %add3A_335 = arith.addi %mul3A_298, %add3A_334 : i32
        %get3A_336 = arith.index_cast %add3A_335 : i32 to index
        %get3A_337 = tpu.vector_load %arg4[%get3A_336] {strides = array<i32>} : memref<32768xf32, #tpu.memory_space<vmem>>, vector<16xf32>,
        %get3A_338 = vector.shape_cast %get3A_337 : vector<16xf32> to vector<16xf32>
        %add3A_339 = arith.constant 48 : i32
        %add3A_340 = arith.addi %mul3A_300, %add3A_339 : i32
        %swap3A_341 = arith.index_cast %add3A_340 : i32 to index
        %swap3A_342 = tpu.vector_load %arg5[%swap3A_341] {strides = array<i32>} : memref<33024xf32, #tpu.memory_space<vmem>>, vector<16xf32>,
        %swap3A_343 = vector.shape_cast %swap3A_342 : vector<16xf32> to vector<16xf32>
        %swap3A_344 = vector.shape_cast %get3A_338 : vector<16xf32> to vector<16xf32>
        tpu.vector_store %arg5[%swap3A_341], %swap3A_344 {strides = array<i32>} : memref<33024xf32, #tpu.memory_space<vmem>>, vector<16xf32>,
        %add3A_345 = arith.constant 64 : i32
        %add3A_346 = arith.addi %mul3A_298, %add3A_345 : i32
        %get3A_347 = arith.index_cast %add3A_346 : i32 to index
        %get3A_348 = tpu.vector_load %arg4[%get3A_347] {strides = array<i32>} : memref<32768xf32, #tpu.memory_space<vmem>>, vector<16xf32>,
        %get3A_349 = vector.shape_cast %get3A_348 : vector<16xf32> to vector<16xf32>
        %add3A_350 = arith.constant 64 : i32
        %add3A_351 = arith.addi %mul3A_300, %add3A_350 : i32
        %swap3A_352 = arith.index_cast %add3A_351 : i32 to index
        %swap3A_353 = tpu.vector_load %arg5[%swap3A_352] {strides = array<i32>} : memref<33024xf32, #tpu.memory_space<vmem>>, vector<16xf32>,
        %swap3A_354 = vector.shape_cast %swap3A_353 : vector<16xf32> to vector<16xf32>
        %swap3A_355 = vector.shape_cast %get3A_349 : vector<16xf32> to vector<16xf32>
        tpu.vector_store %arg5[%swap3A_352], %swap3A_355 {strides = array<i32>} : memref<33024xf32, #tpu.memory_space<vmem>>, vector<16xf32>,
        %add3A_356 = arith.constant 80 : i32
        %add3A_357 = arith.addi %mul3A_298, %add3A_356 : i32
        %get3A_358 = arith.index_cast %add3A_357 : i32 to index
        %get3A_359 = tpu.vector_load %arg4[%get3A_358] {strides = array<i32>} : memref<32768xf32, #tpu.memory_space<vmem>>, vector<16xf32>,
        %get3A_360 = vector.shape_cast %get3A_359 : vector<16xf32> to vector<16xf32>
        %add3A_361 = arith.constant 80 : i32
        %add3A_362 = arith.addi %mul3A_300, %add3A_361 : i32
        %swap3A_363 = arith.index_cast %add3A_362 : i32 to index
        %swap3A_364 = tpu.vector_load %arg5[%swap3A_363] {strides = array<i32>} : memref<33024xf32, #tpu.memory_space<vmem>>, vector<16xf32>,
        %swap3A_365 = vector.shape_cast %swap3A_364 : vector<16xf32> to vector<16xf32>
        %swap3A_366 = vector.shape_cast %get3A_360 : vector<16xf32> to vector<16xf32>
        tpu.vector_store %arg5[%swap3A_363], %swap3A_366 {strides = array<i32>} : memref<33024xf32, #tpu.memory_space<vmem>>, vector<16xf32>,
        %add3A_367 = arith.constant 96 : i32
        %add3A_368 = arith.addi %mul3A_298, %add3A_367 : i32
        %get3A_369 = arith.index_cast %add3A_368 : i32 to index
        %get3A_370 = tpu.vector_load %arg4[%get3A_369] {strides = array<i32>} : memref<32768xf32, #tpu.memory_space<vmem>>, vector<16xf32>,
        %get3A_371 = vector.shape_cast %get3A_370 : vector<16xf32> to vector<16xf32>
        %add3A_372 = arith.constant 96 : i32
        %add3A_373 = arith.addi %mul3A_300, %add3A_372 : i32
        %swap3A_374 = arith.index_cast %add3A_373 : i32 to index
        %swap3A_375 = tpu.vector_load %arg5[%swap3A_374] {strides = array<i32>} : memref<33024xf32, #tpu.memory_space<vmem>>, vector<16xf32>,
        %swap3A_376 = vector.shape_cast %swap3A_375 : vector<16xf32> to vector<16xf32>
        %swap3A_377 = vector.shape_cast %get3A_371 : vector<16xf32> to vector<16xf32>
        tpu.vector_store %arg5[%swap3A_374], %swap3A_377 {strides = array<i32>} : memref<33024xf32, #tpu.memory_space<vmem>>, vector<16xf32>,
        %add3A_378 = arith.constant 112 : i32
        %add3A_379 = arith.addi %mul3A_298, %add3A_378 : i32
        %get3A_380 = arith.index_cast %add3A_379 : i32 to index
        %get3A_381 = tpu.vector_load %arg4[%get3A_380] {strides = array<i32>} : memref<32768xf32, #tpu.memory_space<vmem>>, vector<16xf32>,
        %get3A_382 = vector.shape_cast %get3A_381 : vector<16xf32> to vector<16xf32>
        %add3A_383 = arith.constant 112 : i32
        %add3A_384 = arith.addi %mul3A_300, %add3A_383 : i32
        %swap3A_385 = arith.index_cast %add3A_384 : i32 to index
        %swap3A_386 = tpu.vector_load %arg5[%swap3A_385] {strides = array<i32>} : memref<33024xf32, #tpu.memory_space<vmem>>, vector<16xf32>,
        %swap3A_387 = vector.shape_cast %swap3A_386 : vector<16xf32> to vector<16xf32>
        %swap3A_388 = vector.shape_cast %get3A_382 : vector<16xf32> to vector<16xf32>
        tpu.vector_store %arg5[%swap3A_385], %swap3A_388 {strides = array<i32>} : memref<33024xf32, #tpu.memory_space<vmem>>, vector<16xf32>,
      }
      %mul3A_72 = arith.constant 128 : i32
      %mul3A_73 = arith.muli %shift_right_logical3A_62, %mul3A_72 : i32
      %add3A_74 = arith.constant 0 : i32
      %add3A_75 = arith.addi %mul3A_73, %add3A_74 : i32
      %swap3A = arith.index_cast %add3A_75 : i32 to index
      %swap3A_76 = tpu.vector_load %arg5[%swap3A] {strides = array<i32>} : memref<33024xf32, #tpu.memory_space<vmem>>, vector<16xf32>,
      %swap3A_77 = vector.shape_cast %swap3A_76 : vector<16xf32> to vector<16xf32>
      %swap3A_78 = vector.shape_cast %broadcast_in_dim3A_16 : vector<16xf32> to vector<16xf32>
      tpu.vector_store %arg5[%swap3A], %swap3A_78 {strides = array<i32>} : memref<33024xf32, #tpu.memory_space<vmem>>, vector<16xf32>,
      %add3A_79 = arith.constant 16 : i32
      %add3A_80 = arith.addi %mul3A_73, %add3A_79 : i32
      %swap3A_81 = arith.index_cast %add3A_80 : i32 to index
      %swap3A_82 = tpu.vector_load %arg5[%swap3A_81] {strides = array<i32>} : memref<33024xf32, #tpu.memory_space<vmem>>, vector<16xf32>,
      %swap3A_83 = vector.shape_cast %swap3A_82 : vector<16xf32> to vector<16xf32>
      %swap3A_84 = vector.shape_cast %broadcast_in_dim3A_16 : vector<16xf32> to vector<16xf32>
      tpu.vector_store %arg5[%swap3A_81], %swap3A_84 {strides = array<i32>} : memref<33024xf32, #tpu.memory_space<vmem>>, vector<16xf32>,
      %add3A_85 = arith.constant 32 : i32
      %add3A_86 = arith.addi %mul3A_73, %add3A_85 : i32
      %swap3A_87 = arith.index_cast %add3A_86 : i32 to index
      %swap3A_88 = tpu.vector_load %arg5[%swap3A_87] {strides = array<i32>} : memref<33024xf32, #tpu.memory_space<vmem>>, vector<16xf32>,
      %swap3A_89 = vector.shape_cast %swap3A_88 : vector<16xf32> to vector<16xf32>
      %swap3A_90 = vector.shape_cast %broadcast_in_dim3A_16 : vector<16xf32> to vector<16xf32>
      tpu.vector_store %arg5[%swap3A_87], %swap3A_90 {strides = array<i32>} : memref<33024xf32, #tpu.memory_space<vmem>>, vector<16xf32>,
      %add3A_91 = arith.constant 48 : i32
      %add3A_92 = arith.addi %mul3A_73, %add3A_91 : i32
      %swap3A_93 = arith.index_cast %add3A_92 : i32 to index
      %swap3A_94 = tpu.vector_load %arg5[%swap3A_93] {strides = array<i32>} : memref<33024xf32, #tpu.memory_space<vmem>>, vector<16xf32>,
      %swap3A_95 = vector.shape_cast %swap3A_94 : vector<16xf32> to vector<16xf32>
      %swap3A_96 = vector.shape_cast %broadcast_in_dim3A_16 : vector<16xf32> to vector<16xf32>
      tpu.vector_store %arg5[%swap3A_93], %swap3A_96 {strides = array<i32>} : memref<33024xf32, #tpu.memory_space<vmem>>, vector<16xf32>,
      %add3A_97 = arith.constant 64 : i32
      %add3A_98 = arith.addi %mul3A_73, %add3A_97 : i32
      %swap3A_99 = arith.index_cast %add3A_98 : i32 to index
      %swap3A_100 = tpu.vector_load %arg5[%swap3A_99] {strides = array<i32>} : memref<33024xf32, #tpu.memory_space<vmem>>, vector<16xf32>,
      %swap3A_101 = vector.shape_cast %swap3A_100 : vector<16xf32> to vector<16xf32>
      %swap3A_102 = vector.shape_cast %broadcast_in_dim3A_16 : vector<16xf32> to vector<16xf32>
      tpu.vector_store %arg5[%swap3A_99], %swap3A_102 {strides = array<i32>} : memref<33024xf32, #tpu.memory_space<vmem>>, vector<16xf32>,
      %add3A_103 = arith.constant 80 : i32
      %add3A_104 = arith.addi %mul3A_73, %add3A_103 : i32
      %swap3A_105 = arith.index_cast %add3A_104 : i32 to index
      %swap3A_106 = tpu.vector_load %arg5[%swap3A_105] {strides = array<i32>} : memref<33024xf32, #tpu.memory_space<vmem>>, vector<16xf32>,
      %swap3A_107 = vector.shape_cast %swap3A_106 : vector<16xf32> to vector<16xf32>
      %swap3A_108 = vector.shape_cast %broadcast_in_dim3A_16 : vector<16xf32> to vector<16xf32>
      tpu.vector_store %arg5[%swap3A_105], %swap3A_108 {strides = array<i32>} : memref<33024xf32, #tpu.memory_space<vmem>>, vector<16xf32>,
      %add3A_109 = arith.constant 96 : i32
      %add3A_110 = arith.addi %mul3A_73, %add3A_109 : i32
      %swap3A_111 = arith.index_cast %add3A_110 : i32 to index
      %swap3A_112 = tpu.vector_load %arg5[%swap3A_111] {strides = array<i32>} : memref<33024xf32, #tpu.memory_space<vmem>>, vector<16xf32>,
      %swap3A_113 = vector.shape_cast %swap3A_112 : vector<16xf32> to vector<16xf32>
      %swap3A_114 = vector.shape_cast %broadcast_in_dim3A_16 : vector<16xf32> to vector<16xf32>
      tpu.vector_store %arg5[%swap3A_111], %swap3A_114 {strides = array<i32>} : memref<33024xf32, #tpu.memory_space<vmem>>, vector<16xf32>,
      %add3A_115 = arith.constant 112 : i32
      %add3A_116 = arith.addi %mul3A_73, %add3A_115 : i32
      %swap3A_117 = arith.index_cast %add3A_116 : i32 to index
      %swap3A_118 = tpu.vector_load %arg5[%swap3A_117] {strides = array<i32>} : memref<33024xf32, #tpu.memory_space<vmem>>, vector<16xf32>,
      %swap3A_119 = vector.shape_cast %swap3A_118 : vector<16xf32> to vector<16xf32>
      %swap3A_120 = vector.shape_cast %broadcast_in_dim3A_16 : vector<16xf32> to vector<16xf32>
      tpu.vector_store %arg5[%swap3A_117], %swap3A_120 {strides = array<i32>} : memref<33024xf32, #tpu.memory_space<vmem>>, vector<16xf32>,
      %add3A_121 = arith.constant 128 : i32
      %add3A_122 = arith.addi %mul3A_73, %add3A_121 : i32
      %swap3A_123 = arith.index_cast %add3A_122 : i32 to index
      %swap3A_124 = tpu.vector_load %arg5[%swap3A_123] {strides = array<i32>} : memref<33024xf32, #tpu.memory_space<vmem>>, vector<16xf32>,
      %swap3A_125 = vector.shape_cast %swap3A_124 : vector<16xf32> to vector<16xf32>
      %swap3A_126 = vector.shape_cast %broadcast_in_dim3A_16 : vector<16xf32> to vector<16xf32>
      tpu.vector_store %arg5[%swap3A_123], %swap3A_126 {strides = array<i32>} : memref<33024xf32, #tpu.memory_space<vmem>>, vector<16xf32>,
      %add3A_127 = arith.constant 144 : i32
      %add3A_128 = arith.addi %mul3A_73, %add3A_127 : i32
      %swap3A_129 = arith.index_cast %add3A_128 : i32 to index
      %swap3A_130 = tpu.vector_load %arg5[%swap3A_129] {strides = array<i32>} : memref<33024xf32, #tpu.memory_space<vmem>>, vector<16xf32>,
      %swap3A_131 = vector.shape_cast %swap3A_130 : vector<16xf32> to vector<16xf32>
      %swap3A_132 = vector.shape_cast %broadcast_in_dim3A_16 : vector<16xf32> to vector<16xf32>
      tpu.vector_store %arg5[%swap3A_129], %swap3A_132 {strides = array<i32>} : memref<33024xf32, #tpu.memory_space<vmem>>, vector<16xf32>,
      %add3A_133 = arith.constant 160 : i32
      %add3A_134 = arith.addi %mul3A_73, %add3A_133 : i32
      %swap3A_135 = arith.index_cast %add3A_134 : i32 to index
      %swap3A_136 = tpu.vector_load %arg5[%swap3A_135] {strides = array<i32>} : memref<33024xf32, #tpu.memory_space<vmem>>, vector<16xf32>,
      %swap3A_137 = vector.shape_cast %swap3A_136 : vector<16xf32> to vector<16xf32>
      %swap3A_138 = vector.shape_cast %broadcast_in_dim3A_16 : vector<16xf32> to vector<16xf32>
      tpu.vector_store %arg5[%swap3A_135], %swap3A_138 {strides = array<i32>} : memref<33024xf32, #tpu.memory_space<vmem>>, vector<16xf32>,
      %add3A_139 = arith.constant 176 : i32
      %add3A_140 = arith.addi %mul3A_73, %add3A_139 : i32
      %swap3A_141 = arith.index_cast %add3A_140 : i32 to index
      %swap3A_142 = tpu.vector_load %arg5[%swap3A_141] {strides = array<i32>} : memref<33024xf32, #tpu.memory_space<vmem>>, vector<16xf32>,
      %swap3A_143 = vector.shape_cast %swap3A_142 : vector<16xf32> to vector<16xf32>
      %swap3A_144 = vector.shape_cast %broadcast_in_dim3A_16 : vector<16xf32> to vector<16xf32>
      tpu.vector_store %arg5[%swap3A_141], %swap3A_144 {strides = array<i32>} : memref<33024xf32, #tpu.memory_space<vmem>>, vector<16xf32>,
      %add3A_145 = arith.constant 192 : i32
      %add3A_146 = arith.addi %mul3A_73, %add3A_145 : i32
      %swap3A_147 = arith.index_cast %add3A_146 : i32 to index
      %swap3A_148 = tpu.vector_load %arg5[%swap3A_147] {strides = array<i32>} : memref<33024xf32, #tpu.memory_space<vmem>>, vector<16xf32>,
      %swap3A_149 = vector.shape_cast %swap3A_148 : vector<16xf32> to vector<16xf32>
      %swap3A_150 = vector.shape_cast %broadcast_in_dim3A_16 : vector<16xf32> to vector<16xf32>
      tpu.vector_store %arg5[%swap3A_147], %swap3A_150 {strides = array<i32>} : memref<33024xf32, #tpu.memory_space<vmem>>, vector<16xf32>,
      %add3A_151 = arith.constant 208 : i32
      %add3A_152 = arith.addi %mul3A_73, %add3A_151 : i32
      %swap3A_153 = arith.index_cast %add3A_152 : i32 to index
      %swap3A_154 = tpu.vector_load %arg5[%swap3A_153] {strides = array<i32>} : memref<33024xf32, #tpu.memory_space<vmem>>, vector<16xf32>,
      %swap3A_155 = vector.shape_cast %swap3A_154 : vector<16xf32> to vector<16xf32>
      %swap3A_156 = vector.shape_cast %broadcast_in_dim3A_16 : vector<16xf32> to vector<16xf32>
      tpu.vector_store %arg5[%swap3A_153], %swap3A_156 {strides = array<i32>} : memref<33024xf32, #tpu.memory_space<vmem>>, vector<16xf32>,
      %add3A_157 = arith.constant 224 : i32
      %add3A_158 = arith.addi %mul3A_73, %add3A_157 : i32
      %swap3A_159 = arith.index_cast %add3A_158 : i32 to index
      %swap3A_160 = tpu.vector_load %arg5[%swap3A_159] {strides = array<i32>} : memref<33024xf32, #tpu.memory_space<vmem>>, vector<16xf32>,
      %swap3A_161 = vector.shape_cast %swap3A_160 : vector<16xf32> to vector<16xf32>
      %swap3A_162 = vector.shape_cast %broadcast_in_dim3A_16 : vector<16xf32> to vector<16xf32>
      tpu.vector_store %arg5[%swap3A_159], %swap3A_162 {strides = array<i32>} : memref<33024xf32, #tpu.memory_space<vmem>>, vector<16xf32>,
      %add3A_163 = arith.constant 240 : i32
      %add3A_164 = arith.addi %mul3A_73, %add3A_163 : i32
      %swap3A_165 = arith.index_cast %add3A_164 : i32 to index
      %swap3A_166 = tpu.vector_load %arg5[%swap3A_165] {strides = array<i32>} : memref<33024xf32, #tpu.memory_space<vmem>>, vector<16xf32>,
      %swap3A_167 = vector.shape_cast %swap3A_166 : vector<16xf32> to vector<16xf32>
      %swap3A_168 = vector.shape_cast %broadcast_in_dim3A_16 : vector<16xf32> to vector<16xf32>
      tpu.vector_store %arg5[%swap3A_165], %swap3A_168 {strides = array<i32>} : memref<33024xf32, #tpu.memory_space<vmem>>, vector<16xf32>,
      %add3A_169 = arith.constant 255 : i32
      %add3A_170 = arith.addi %mul3A_73, %add3A_169 : i32
      %shift_right_logical3A_171 = arith.constant 8 : i32
      %shift_right_logical3A_172 = arith.shrui %add3A_170, %shift_right_logical3A_171 : i32
      %while3A_173 = arith.constant 0 : i32
      %while3A_174 = arith.constant 0 : i32
      %while3A_175 = arith.subi %shift_right_logical3A_172, %while3A_173 : i32
      %while3A_176 = arith.addi %while3A_173, %while3A_175 : i32
      %while3A_177 = arith.constant 1 : i32
      %while3A_178 = arith.divsi %while3A_175, %while3A_177 : i32
      %while3A_179 = arith.muli %while3A_178, %while3A_177 : i32
      %while3A_180 = arith.addi %while3A_173, %while3A_179 : i32
      %while3A_181 = arith.constant 1 : i32
      %while3A_182 = scf.for %while3A_292 = %while3A_173 to %while3A_180 step %while3A_181 iter_args(%while3A_293 = %while3A_174) -> (i32)  : i32 {
        %mul3A_294 = arith.constant 256 : i32
        %mul3A_295 = arith.muli %while3A_292, %mul3A_294 : i32
        %add3A_296 = arith.constant 0 : i32
        %add3A_297 = arith.addi %mul3A_295, %add3A_296 : i32
        %get3A = arith.index_cast %add3A_297 : i32 to index
        %get3A_298 = tpu.vector_load %arg5[%get3A] {strides = array<i32>} : memref<33024xf32, #tpu.memory_space<vmem>>, vector<16xf32>,
        %get3A_299 = vector.shape_cast %get3A_298 : vector<16xf32> to vector<16xf32>
        %gt3A = arith.cmpf ogt, %get3A_299, %sub3A_54 : vector<16xf32>
        %select_n3A = arith.select %gt3A, %broadcast_in_dim3A_20, %broadcast_in_dim3A_18 : vector<16xi1>, vector<16xi32>
        %shift_left3A = arith.shli %broadcast_in_dim3A_18, %broadcast_in_dim3A_20 : vector<16xi32>
        %or3A = arith.ori %shift_left3A, %select_n3A : vector<16xi32>
        %add3A_300 = arith.constant 16 : i32
        %add3A_301 = arith.addi %mul3A_295, %add3A_300 : i32
        %get3A_302 = arith.index_cast %add3A_301 : i32 to index
        %get3A_303 = tpu.vector_load %arg5[%get3A_302] {strides = array<i32>} : memref<33024xf32, #tpu.memory_space<vmem>>, vector<16xf32>,
        %get3A_304 = vector.shape_cast %get3A_303 : vector<16xf32> to vector<16xf32>
        %gt3A_305 = arith.cmpf ogt, %get3A_304, %sub3A_54 : vector<16xf32>
        %select_n3A_306 = arith.select %gt3A_305, %broadcast_in_dim3A_20, %broadcast_in_dim3A_18 : vector<16xi1>, vector<16xi32>
        %shift_left3A_307 = arith.shli %or3A, %broadcast_in_dim3A_20 : vector<16xi32>
        %or3A_308 = arith.ori %shift_left3A_307, %select_n3A_306 : vector<16xi32>
        %add3A_309 = arith.constant 32 : i32
        %add3A_310 = arith.addi %mul3A_295, %add3A_309 : i32
        %get3A_311 = arith.index_cast %add3A_310 : i32 to index
        %get3A_312 = tpu.vector_load %arg5[%get3A_311] {strides = array<i32>} : memref<33024xf32, #tpu.memory_space<vmem>>, vector<16xf32>,
        %get3A_313 = vector.shape_cast %get3A_312 : vector<16xf32> to vector<16xf32>
        %gt3A_314 = arith.cmpf ogt, %get3A_313, %sub3A_54 : vector<16xf32>
        %select_n3A_315 = arith.select %gt3A_314, %broadcast_in_dim3A_20, %broadcast_in_dim3A_18 : vector<16xi1>, vector<16xi32>
        %shift_left3A_316 = arith.shli %or3A_308, %broadcast_in_dim3A_20 : vector<16xi32>
        %or3A_317 = arith.ori %shift_left3A_316, %select_n3A_315 : vector<16xi32>
        %add3A_318 = arith.constant 48 : i32
        %add3A_319 = arith.addi %mul3A_295, %add3A_318 : i32
        %get3A_320 = arith.index_cast %add3A_319 : i32 to index
        %get3A_321 = tpu.vector_load %arg5[%get3A_320] {strides = array<i32>} : memref<33024xf32, #tpu.memory_space<vmem>>, vector<16xf32>,
        %get3A_322 = vector.shape_cast %get3A_321 : vector<16xf32> to vector<16xf32>
        %gt3A_323 = arith.cmpf ogt, %get3A_322, %sub3A_54 : vector<16xf32>
        %select_n3A_324 = arith.select %gt3A_323, %broadcast_in_dim3A_20, %broadcast_in_dim3A_18 : vector<16xi1>, vector<16xi32>
        %shift_left3A_325 = arith.shli %or3A_317, %broadcast_in_dim3A_20 : vector<16xi32>
        %or3A_326 = arith.ori %shift_left3A_325, %select_n3A_324 : vector<16xi32>
        %add3A_327 = arith.constant 64 : i32
        %add3A_328 = arith.addi %mul3A_295, %add3A_327 : i32
        %get3A_329 = arith.index_cast %add3A_328 : i32 to index
        %get3A_330 = tpu.vector_load %arg5[%get3A_329] {strides = array<i32>} : memref<33024xf32, #tpu.memory_space<vmem>>, vector<16xf32>,
        %get3A_331 = vector.shape_cast %get3A_330 : vector<16xf32> to vector<16xf32>
        %gt3A_332 = arith.cmpf ogt, %get3A_331, %sub3A_54 : vector<16xf32>
        %select_n3A_333 = arith.select %gt3A_332, %broadcast_in_dim3A_20, %broadcast_in_dim3A_18 : vector<16xi1>, vector<16xi32>
        %shift_left3A_334 = arith.shli %or3A_326, %broadcast_in_dim3A_20 : vector<16xi32>
        %or3A_335 = arith.ori %shift_left3A_334, %select_n3A_333 : vector<16xi32>
        %add3A_336 = arith.constant 80 : i32
        %add3A_337 = arith.addi %mul3A_295, %add3A_336 : i32
        %get3A_338 = arith.index_cast %add3A_337 : i32 to index
        %get3A_339 = tpu.vector_load %arg5[%get3A_338] {strides = array<i32>} : memref<33024xf32, #tpu.memory_space<vmem>>, vector<16xf32>,
        %get3A_340 = vector.shape_cast %get3A_339 : vector<16xf32> to vector<16xf32>
        %gt3A_341 = arith.cmpf ogt, %get3A_340, %sub3A_54 : vector<16xf32>
        %select_n3A_342 = arith.select %gt3A_341, %broadcast_in_dim3A_20, %broadcast_in_dim3A_18 : vector<16xi1>, vector<16xi32>
        %shift_left3A_343 = arith.shli %or3A_335, %broadcast_in_dim3A_20 : vector<16xi32>
        %or3A_344 = arith.ori %shift_left3A_343, %select_n3A_342 : vector<16xi32>
        %add3A_345 = arith.constant 96 : i32
        %add3A_346 = arith.addi %mul3A_295, %add3A_345 : i32
        %get3A_347 = arith.index_cast %add3A_346 : i32 to index
        %get3A_348 = tpu.vector_load %arg5[%get3A_347] {strides = array<i32>} : memref<33024xf32, #tpu.memory_space<vmem>>, vector<16xf32>,
        %get3A_349 = vector.shape_cast %get3A_348 : vector<16xf32> to vector<16xf32>
        %gt3A_350 = arith.cmpf ogt, %get3A_349, %sub3A_54 : vector<16xf32>
        %select_n3A_351 = arith.select %gt3A_350, %broadcast_in_dim3A_20, %broadcast_in_dim3A_18 : vector<16xi1>, vector<16xi32>
        %shift_left3A_352 = arith.shli %or3A_344, %broadcast_in_dim3A_20 : vector<16xi32>
        %or3A_353 = arith.ori %shift_left3A_352, %select_n3A_351 : vector<16xi32>
        %add3A_354 = arith.constant 112 : i32
        %add3A_355 = arith.addi %mul3A_295, %add3A_354 : i32
        %get3A_356 = arith.index_cast %add3A_355 : i32 to index
        %get3A_357 = tpu.vector_load %arg5[%get3A_356] {strides = array<i32>} : memref<33024xf32, #tpu.memory_space<vmem>>, vector<16xf32>,
        %get3A_358 = vector.shape_cast %get3A_357 : vector<16xf32> to vector<16xf32>
        %gt3A_359 = arith.cmpf ogt, %get3A_358, %sub3A_54 : vector<16xf32>
        %select_n3A_360 = arith.select %gt3A_359, %broadcast_in_dim3A_20, %broadcast_in_dim3A_18 : vector<16xi1>, vector<16xi32>
        %shift_left3A_361 = arith.shli %or3A_353, %broadcast_in_dim3A_20 : vector<16xi32>
        %or3A_362 = arith.ori %shift_left3A_361, %select_n3A_360 : vector<16xi32>
        %add3A_363 = arith.constant 128 : i32
        %add3A_364 = arith.addi %mul3A_295, %add3A_363 : i32
        %get3A_365 = arith.index_cast %add3A_364 : i32 to index
        %get3A_366 = tpu.vector_load %arg5[%get3A_365] {strides = array<i32>} : memref<33024xf32, #tpu.memory_space<vmem>>, vector<16xf32>,
        %get3A_367 = vector.shape_cast %get3A_366 : vector<16xf32> to vector<16xf32>
        %gt3A_368 = arith.cmpf ogt, %get3A_367, %sub3A_54 : vector<16xf32>
        %select_n3A_369 = arith.select %gt3A_368, %broadcast_in_dim3A_20, %broadcast_in_dim3A_18 : vector<16xi1>, vector<16xi32>
        %shift_left3A_370 = arith.shli %or3A_362, %broadcast_in_dim3A_20 : vector<16xi32>
        %or3A_371 = arith.ori %shift_left3A_370, %select_n3A_369 : vector<16xi32>
        %add3A_372 = arith.constant 144 : i32
        %add3A_373 = arith.addi %mul3A_295, %add3A_372 : i32
        %get3A_374 = arith.index_cast %add3A_373 : i32 to index
        %get3A_375 = tpu.vector_load %arg5[%get3A_374] {strides = array<i32>} : memref<33024xf32, #tpu.memory_space<vmem>>, vector<16xf32>,
        %get3A_376 = vector.shape_cast %get3A_375 : vector<16xf32> to vector<16xf32>
        %gt3A_377 = arith.cmpf ogt, %get3A_376, %sub3A_54 : vector<16xf32>
        %select_n3A_378 = arith.select %gt3A_377, %broadcast_in_dim3A_20, %broadcast_in_dim3A_18 : vector<16xi1>, vector<16xi32>
        %shift_left3A_379 = arith.shli %or3A_371, %broadcast_in_dim3A_20 : vector<16xi32>
        %or3A_380 = arith.ori %shift_left3A_379, %select_n3A_378 : vector<16xi32>
        %add3A_381 = arith.constant 160 : i32
        %add3A_382 = arith.addi %mul3A_295, %add3A_381 : i32
        %get3A_383 = arith.index_cast %add3A_382 : i32 to index
        %get3A_384 = tpu.vector_load %arg5[%get3A_383] {strides = array<i32>} : memref<33024xf32, #tpu.memory_space<vmem>>, vector<16xf32>,
        %get3A_385 = vector.shape_cast %get3A_384 : vector<16xf32> to vector<16xf32>
        %gt3A_386 = arith.cmpf ogt, %get3A_385, %sub3A_54 : vector<16xf32>
        %select_n3A_387 = arith.select %gt3A_386, %broadcast_in_dim3A_20, %broadcast_in_dim3A_18 : vector<16xi1>, vector<16xi32>
        %shift_left3A_388 = arith.shli %or3A_380, %broadcast_in_dim3A_20 : vector<16xi32>
        %or3A_389 = arith.ori %shift_left3A_388, %select_n3A_387 : vector<16xi32>
        %add3A_390 = arith.constant 176 : i32
        %add3A_391 = arith.addi %mul3A_295, %add3A_390 : i32
        %get3A_392 = arith.index_cast %add3A_391 : i32 to index
        %get3A_393 = tpu.vector_load %arg5[%get3A_392] {strides = array<i32>} : memref<33024xf32, #tpu.memory_space<vmem>>, vector<16xf32>,
        %get3A_394 = vector.shape_cast %get3A_393 : vector<16xf32> to vector<16xf32>
        %gt3A_395 = arith.cmpf ogt, %get3A_394, %sub3A_54 : vector<16xf32>
        %select_n3A_396 = arith.select %gt3A_395, %broadcast_in_dim3A_20, %broadcast_in_dim3A_18 : vector<16xi1>, vector<16xi32>
        %shift_left3A_397 = arith.shli %or3A_389, %broadcast_in_dim3A_20 : vector<16xi32>
        %or3A_398 = arith.ori %shift_left3A_397, %select_n3A_396 : vector<16xi32>
        %add3A_399 = arith.constant 192 : i32
        %add3A_400 = arith.addi %mul3A_295, %add3A_399 : i32
        %get3A_401 = arith.index_cast %add3A_400 : i32 to index
        %get3A_402 = tpu.vector_load %arg5[%get3A_401] {strides = array<i32>} : memref<33024xf32, #tpu.memory_space<vmem>>, vector<16xf32>,
        %get3A_403 = vector.shape_cast %get3A_402 : vector<16xf32> to vector<16xf32>
        %gt3A_404 = arith.cmpf ogt, %get3A_403, %sub3A_54 : vector<16xf32>
        %select_n3A_405 = arith.select %gt3A_404, %broadcast_in_dim3A_20, %broadcast_in_dim3A_18 : vector<16xi1>, vector<16xi32>
        %shift_left3A_406 = arith.shli %or3A_398, %broadcast_in_dim3A_20 : vector<16xi32>
        %or3A_407 = arith.ori %shift_left3A_406, %select_n3A_405 : vector<16xi32>
        %add3A_408 = arith.constant 208 : i32
        %add3A_409 = arith.addi %mul3A_295, %add3A_408 : i32
        %get3A_410 = arith.index_cast %add3A_409 : i32 to index
        %get3A_411 = tpu.vector_load %arg5[%get3A_410] {strides = array<i32>} : memref<33024xf32, #tpu.memory_space<vmem>>, vector<16xf32>,
        %get3A_412 = vector.shape_cast %get3A_411 : vector<16xf32> to vector<16xf32>
        %gt3A_413 = arith.cmpf ogt, %get3A_412, %sub3A_54 : vector<16xf32>
        %select_n3A_414 = arith.select %gt3A_413, %broadcast_in_dim3A_20, %broadcast_in_dim3A_18 : vector<16xi1>, vector<16xi32>
        %shift_left3A_415 = arith.shli %or3A_407, %broadcast_in_dim3A_20 : vector<16xi32>
        %or3A_416 = arith.ori %shift_left3A_415, %select_n3A_414 : vector<16xi32>
        %add3A_417 = arith.constant 224 : i32
        %add3A_418 = arith.addi %mul3A_295, %add3A_417 : i32
        %get3A_419 = arith.index_cast %add3A_418 : i32 to index
        %get3A_420 = tpu.vector_load %arg5[%get3A_419] {strides = array<i32>} : memref<33024xf32, #tpu.memory_space<vmem>>, vector<16xf32>,
        %get3A_421 = vector.shape_cast %get3A_420 : vector<16xf32> to vector<16xf32>
        %gt3A_422 = arith.cmpf ogt, %get3A_421, %sub3A_54 : vector<16xf32>
        %select_n3A_423 = arith.select %gt3A_422, %broadcast_in_dim3A_20, %broadcast_in_dim3A_18 : vector<16xi1>, vector<16xi32>
        %shift_left3A_424 = arith.shli %or3A_416, %broadcast_in_dim3A_20 : vector<16xi32>
        %or3A_425 = arith.ori %shift_left3A_424, %select_n3A_423 : vector<16xi32>
        %add3A_426 = arith.constant 240 : i32
        %add3A_427 = arith.addi %mul3A_295, %add3A_426 : i32
        %get3A_428 = arith.index_cast %add3A_427 : i32 to index
        %get3A_429 = tpu.vector_load %arg5[%get3A_428] {strides = array<i32>} : memref<33024xf32, #tpu.memory_space<vmem>>, vector<16xf32>,
        %get3A_430 = vector.shape_cast %get3A_429 : vector<16xf32> to vector<16xf32>
        %gt3A_431 = arith.cmpf ogt, %get3A_430, %sub3A_54 : vector<16xf32>
        %select_n3A_432 = arith.select %gt3A_431, %broadcast_in_dim3A_20, %broadcast_in_dim3A_18 : vector<16xi1>, vector<16xi32>
        %shift_left3A_433 = arith.shli %or3A_425, %broadcast_in_dim3A_20 : vector<16xi32>
        %or3A_434 = arith.ori %shift_left3A_433, %select_n3A_432 : vector<16xi32>
        %broadcast_in_dim3A_435 = vector.shape_cast %xor3A_2 : vector<16xi32> to vector<16x1xi32>
        %gather3A_436 = vector.shape_cast %broadcast_in_dim3A_435 : vector<16x1xi32> to vector<16xi32>
        %gather3A_437 = tpu.dynamic_gather %or3A_434[%gather3A_436] in [0] : vector<16xi32>, vector<16xi32> -> vector<16xi32>
        %or3A_438 = arith.ori %or3A_434, %gather3A_437 : vector<16xi32>
        %broadcast_in_dim3A_439 = vector.shape_cast %xor3A_5 : vector<16xi32> to vector<16x1xi32>
        %gather3A_440 = vector.shape_cast %broadcast_in_dim3A_439 : vector<16x1xi32> to vector<16xi32>
        %gather3A_441 = tpu.dynamic_gather %or3A_438[%gather3A_440] in [0] : vector<16xi32>, vector<16xi32> -> vector<16xi32>
        %or3A_442 = arith.ori %or3A_438, %gather3A_441 : vector<16xi32>
        %broadcast_in_dim3A_443 = vector.shape_cast %xor3A_8 : vector<16xi32> to vector<16x1xi32>
        %gather3A_444 = vector.shape_cast %broadcast_in_dim3A_443 : vector<16x1xi32> to vector<16xi32>
        %gather3A_445 = tpu.dynamic_gather %or3A_442[%gather3A_444] in [0] : vector<16xi32>, vector<16xi32> -> vector<16xi32>
        %or3A_446 = arith.ori %or3A_442, %gather3A_445 : vector<16xi32>
        %broadcast_in_dim3A_447 = vector.shape_cast %xor3A_11 : vector<16xi32> to vector<16x1xi32>
        %gather3A_448 = vector.shape_cast %broadcast_in_dim3A_447 : vector<16x1xi32> to vector<16xi32>
        %gather3A_449 = tpu.dynamic_gather %or3A_446[%gather3A_448] in [0] : vector<16xi32>, vector<16xi32> -> vector<16xi32>
        %or3A_450 = arith.ori %or3A_446, %gather3A_449 : vector<16xi32>
        %slice3A = vector.extract_strided_slice %or3A_450 {offsets = [0], sizes = [1], strides = [1]} : vector<16xi32> to vector<1xi32>
        %squeeze3A = vector.extract %slice3A[0] : i32 from vector<1xi32>
        %mul3A_451 = arith.constant 16 : i32
        %mul3A_452 = arith.muli %while3A_292, %mul3A_451 : i32
        %add3A_453 = arith.constant 0 : i32
        %add3A_454 = arith.addi %mul3A_452, %add3A_453 : i32
        %broadcast_in_dim3A_455 = vector.broadcast %add3A_454 : i32 to vector<16xi32>
        %swap3A_456 = arith.index_cast %while3A_293 : i32 to index
        %swap3A_457 = tpu.vector_load %arg7[%swap3A_456] {strides = array<i32>} : memref<32784xi32, #tpu.memory_space<vmem>>, vector<16xi32>,
        %swap3A_458 = vector.shape_cast %swap3A_457 : vector<16xi32> to vector<16xi32>
        %swap3A_459 = vector.shape_cast %broadcast_in_dim3A_455 : vector<16xi32> to vector<16xi32>
        tpu.vector_store %arg7[%swap3A_456], %swap3A_459 {strides = array<i32>} : memref<32784xi32, #tpu.memory_space<vmem>>, vector<16xi32>,
        %shift_right_logical3A_460 = arith.constant 15 : i32
        %shift_right_logical3A_461 = arith.shrui %squeeze3A, %shift_right_logical3A_460 : i32
        %and3A = arith.constant 1 : i32
        %and3A_462 = arith.andi %shift_right_logical3A_461, %and3A : i32
        %shift_left3A_463 = arith.constant 4 : i32
        %shift_left3A_464 = arith.shli %and3A_462, %shift_left3A_463 : i32
        %add3A_465 = arith.addi %while3A_293, %shift_left3A_464 : i32
        %mul3A_466 = arith.constant 16 : i32
        %mul3A_467 = arith.muli %while3A_292, %mul3A_466 : i32
        %add3A_468 = arith.constant 1 : i32
        %add3A_469 = arith.addi %mul3A_467, %add3A_468 : i32
        %broadcast_in_dim3A_470 = vector.broadcast %add3A_469 : i32 to vector<16xi32>
        %swap3A_471 = arith.index_cast %add3A_465 : i32 to index
        %swap3A_472 = tpu.vector_load %arg7[%swap3A_471] {strides = array<i32>} : memref<32784xi32, #tpu.memory_space<vmem>>, vector<16xi32>,
        %swap3A_473 = vector.shape_cast %swap3A_472 : vector<16xi32> to vector<16xi32>
        %swap3A_474 = vector.shape_cast %broadcast_in_dim3A_470 : vector<16xi32> to vector<16xi32>
        tpu.vector_store %arg7[%swap3A_471], %swap3A_474 {strides = array<i32>} : memref<32784xi32, #tpu.memory_space<vmem>>, vector<16xi32>,
        %shift_right_logical3A_475 = arith.constant 14 : i32
        %shift_right_logical3A_476 = arith.shrui %squeeze3A, %shift_right_logical3A_475 : i32
        %and3A_477 = arith.constant 1 : i32
        %and3A_478 = arith.andi %shift_right_logical3A_476, %and3A_477 : i32
        %shift_left3A_479 = arith.constant 4 : i32
        %shift_left3A_480 = arith.shli %and3A_478, %shift_left3A_479 : i32
        %add3A_481 = arith.addi %add3A_465, %shift_left3A_480 : i32
        %mul3A_482 = arith.constant 16 : i32
        %mul3A_483 = arith.muli %while3A_292, %mul3A_482 : i32
        %add3A_484 = arith.constant 2 : i32
        %add3A_485 = arith.addi %mul3A_483, %add3A_484 : i32
        %broadcast_in_dim3A_486 = vector.broadcast %add3A_485 : i32 to vector<16xi32>
        %swap3A_487 = arith.index_cast %add3A_481 : i32 to index
        %swap3A_488 = tpu.vector_load %arg7[%swap3A_487] {strides = array<i32>} : memref<32784xi32, #tpu.memory_space<vmem>>, vector<16xi32>,
        %swap3A_489 = vector.shape_cast %swap3A_488 : vector<16xi32> to vector<16xi32>
        %swap3A_490 = vector.shape_cast %broadcast_in_dim3A_486 : vector<16xi32> to vector<16xi32>
        tpu.vector_store %arg7[%swap3A_487], %swap3A_490 {strides = array<i32>} : memref<32784xi32, #tpu.memory_space<vmem>>, vector<16xi32>,
        %shift_right_logical3A_491 = arith.constant 13 : i32
        %shift_right_logical3A_492 = arith.shrui %squeeze3A, %shift_right_logical3A_491 : i32
        %and3A_493 = arith.constant 1 : i32
        %and3A_494 = arith.andi %shift_right_logical3A_492, %and3A_493 : i32
        %shift_left3A_495 = arith.constant 4 : i32
        %shift_left3A_496 = arith.shli %and3A_494, %shift_left3A_495 : i32
        %add3A_497 = arith.addi %add3A_481, %shift_left3A_496 : i32
        %mul3A_498 = arith.constant 16 : i32
        %mul3A_499 = arith.muli %while3A_292, %mul3A_498 : i32
        %add3A_500 = arith.constant 3 : i32
        %add3A_501 = arith.addi %mul3A_499, %add3A_500 : i32
        %broadcast_in_dim3A_502 = vector.broadcast %add3A_501 : i32 to vector<16xi32>
        %swap3A_503 = arith.index_cast %add3A_497 : i32 to index
        %swap3A_504 = tpu.vector_load %arg7[%swap3A_503] {strides = array<i32>} : memref<32784xi32, #tpu.memory_space<vmem>>, vector<16xi32>,
        %swap3A_505 = vector.shape_cast %swap3A_504 : vector<16xi32> to vector<16xi32>
        %swap3A_506 = vector.shape_cast %broadcast_in_dim3A_502 : vector<16xi32> to vector<16xi32>
        tpu.vector_store %arg7[%swap3A_503], %swap3A_506 {strides = array<i32>} : memref<32784xi32, #tpu.memory_space<vmem>>, vector<16xi32>,
        %shift_right_logical3A_507 = arith.constant 12 : i32
        %shift_right_logical3A_508 = arith.shrui %squeeze3A, %shift_right_logical3A_507 : i32
        %and3A_509 = arith.constant 1 : i32
        %and3A_510 = arith.andi %shift_right_logical3A_508, %and3A_509 : i32
        %shift_left3A_511 = arith.constant 4 : i32
        %shift_left3A_512 = arith.shli %and3A_510, %shift_left3A_511 : i32
        %add3A_513 = arith.addi %add3A_497, %shift_left3A_512 : i32
        %mul3A_514 = arith.constant 16 : i32
        %mul3A_515 = arith.muli %while3A_292, %mul3A_514 : i32
        %add3A_516 = arith.constant 4 : i32
        %add3A_517 = arith.addi %mul3A_515, %add3A_516 : i32
        %broadcast_in_dim3A_518 = vector.broadcast %add3A_517 : i32 to vector<16xi32>
        %swap3A_519 = arith.index_cast %add3A_513 : i32 to index
        %swap3A_520 = tpu.vector_load %arg7[%swap3A_519] {strides = array<i32>} : memref<32784xi32, #tpu.memory_space<vmem>>, vector<16xi32>,
        %swap3A_521 = vector.shape_cast %swap3A_520 : vector<16xi32> to vector<16xi32>
        %swap3A_522 = vector.shape_cast %broadcast_in_dim3A_518 : vector<16xi32> to vector<16xi32>
        tpu.vector_store %arg7[%swap3A_519], %swap3A_522 {strides = array<i32>} : memref<32784xi32, #tpu.memory_space<vmem>>, vector<16xi32>,
        %shift_right_logical3A_523 = arith.constant 11 : i32
        %shift_right_logical3A_524 = arith.shrui %squeeze3A, %shift_right_logical3A_523 : i32
        %and3A_525 = arith.constant 1 : i32
        %and3A_526 = arith.andi %shift_right_logical3A_524, %and3A_525 : i32
        %shift_left3A_527 = arith.constant 4 : i32
        %shift_left3A_528 = arith.shli %and3A_526, %shift_left3A_527 : i32
        %add3A_529 = arith.addi %add3A_513, %shift_left3A_528 : i32
        %mul3A_530 = arith.constant 16 : i32
        %mul3A_531 = arith.muli %while3A_292, %mul3A_530 : i32
        %add3A_532 = arith.constant 5 : i32
        %add3A_533 = arith.addi %mul3A_531, %add3A_532 : i32
        %broadcast_in_dim3A_534 = vector.broadcast %add3A_533 : i32 to vector<16xi32>
        %swap3A_535 = arith.index_cast %add3A_529 : i32 to index
        %swap3A_536 = tpu.vector_load %arg7[%swap3A_535] {strides = array<i32>} : memref<32784xi32, #tpu.memory_space<vmem>>, vector<16xi32>,
        %swap3A_537 = vector.shape_cast %swap3A_536 : vector<16xi32> to vector<16xi32>
        %swap3A_538 = vector.shape_cast %broadcast_in_dim3A_534 : vector<16xi32> to vector<16xi32>
        tpu.vector_store %arg7[%swap3A_535], %swap3A_538 {strides = array<i32>} : memref<32784xi32, #tpu.memory_space<vmem>>, vector<16xi32>,
        %shift_right_logical3A_539 = arith.constant 10 : i32
        %shift_right_logical3A_540 = arith.shrui %squeeze3A, %shift_right_logical3A_539 : i32
        %and3A_541 = arith.constant 1 : i32
        %and3A_542 = arith.andi %shift_right_logical3A_540, %and3A_541 : i32
        %shift_left3A_543 = arith.constant 4 : i32
        %shift_left3A_544 = arith.shli %and3A_542, %shift_left3A_543 : i32
        %add3A_545 = arith.addi %add3A_529, %shift_left3A_544 : i32
        %mul3A_546 = arith.constant 16 : i32
        %mul3A_547 = arith.muli %while3A_292, %mul3A_546 : i32
        %add3A_548 = arith.constant 6 : i32
        %add3A_549 = arith.addi %mul3A_547, %add3A_548 : i32
        %broadcast_in_dim3A_550 = vector.broadcast %add3A_549 : i32 to vector<16xi32>
        %swap3A_551 = arith.index_cast %add3A_545 : i32 to index
        %swap3A_552 = tpu.vector_load %arg7[%swap3A_551] {strides = array<i32>} : memref<32784xi32, #tpu.memory_space<vmem>>, vector<16xi32>,
        %swap3A_553 = vector.shape_cast %swap3A_552 : vector<16xi32> to vector<16xi32>
        %swap3A_554 = vector.shape_cast %broadcast_in_dim3A_550 : vector<16xi32> to vector<16xi32>
        tpu.vector_store %arg7[%swap3A_551], %swap3A_554 {strides = array<i32>} : memref<32784xi32, #tpu.memory_space<vmem>>, vector<16xi32>,
        %shift_right_logical3A_555 = arith.constant 9 : i32
        %shift_right_logical3A_556 = arith.shrui %squeeze3A, %shift_right_logical3A_555 : i32
        %and3A_557 = arith.constant 1 : i32
        %and3A_558 = arith.andi %shift_right_logical3A_556, %and3A_557 : i32
        %shift_left3A_559 = arith.constant 4 : i32
        %shift_left3A_560 = arith.shli %and3A_558, %shift_left3A_559 : i32
        %add3A_561 = arith.addi %add3A_545, %shift_left3A_560 : i32
        %mul3A_562 = arith.constant 16 : i32
        %mul3A_563 = arith.muli %while3A_292, %mul3A_562 : i32
        %add3A_564 = arith.constant 7 : i32
        %add3A_565 = arith.addi %mul3A_563, %add3A_564 : i32
        %broadcast_in_dim3A_566 = vector.broadcast %add3A_565 : i32 to vector<16xi32>
        %swap3A_567 = arith.index_cast %add3A_561 : i32 to index
        %swap3A_568 = tpu.vector_load %arg7[%swap3A_567] {strides = array<i32>} : memref<32784xi32, #tpu.memory_space<vmem>>, vector<16xi32>,
        %swap3A_569 = vector.shape_cast %swap3A_568 : vector<16xi32> to vector<16xi32>
        %swap3A_570 = vector.shape_cast %broadcast_in_dim3A_566 : vector<16xi32> to vector<16xi32>
        tpu.vector_store %arg7[%swap3A_567], %swap3A_570 {strides = array<i32>} : memref<32784xi32, #tpu.memory_space<vmem>>, vector<16xi32>,
        %shift_right_logical3A_571 = arith.constant 8 : i32
        %shift_right_logical3A_572 = arith.shrui %squeeze3A, %shift_right_logical3A_571 : i32
        %and3A_573 = arith.constant 1 : i32
        %and3A_574 = arith.andi %shift_right_logical3A_572, %and3A_573 : i32
        %shift_left3A_575 = arith.constant 4 : i32
        %shift_left3A_576 = arith.shli %and3A_574, %shift_left3A_575 : i32
        %add3A_577 = arith.addi %add3A_561, %shift_left3A_576 : i32
        %mul3A_578 = arith.constant 16 : i32
        %mul3A_579 = arith.muli %while3A_292, %mul3A_578 : i32
        %add3A_580 = arith.constant 8 : i32
        %add3A_581 = arith.addi %mul3A_579, %add3A_580 : i32
        %broadcast_in_dim3A_582 = vector.broadcast %add3A_581 : i32 to vector<16xi32>
        %swap3A_583 = arith.index_cast %add3A_577 : i32 to index
        %swap3A_584 = tpu.vector_load %arg7[%swap3A_583] {strides = array<i32>} : memref<32784xi32, #tpu.memory_space<vmem>>, vector<16xi32>,
        %swap3A_585 = vector.shape_cast %swap3A_584 : vector<16xi32> to vector<16xi32>
        %swap3A_586 = vector.shape_cast %broadcast_in_dim3A_582 : vector<16xi32> to vector<16xi32>
        tpu.vector_store %arg7[%swap3A_583], %swap3A_586 {strides = array<i32>} : memref<32784xi32, #tpu.memory_space<vmem>>, vector<16xi32>,
        %shift_right_logical3A_587 = arith.constant 7 : i32
        %shift_right_logical3A_588 = arith.shrui %squeeze3A, %shift_right_logical3A_587 : i32
        %and3A_589 = arith.constant 1 : i32
        %and3A_590 = arith.andi %shift_right_logical3A_588, %and3A_589 : i32
        %shift_left3A_591 = arith.constant 4 : i32
        %shift_left3A_592 = arith.shli %and3A_590, %shift_left3A_591 : i32
        %add3A_593 = arith.addi %add3A_577, %shift_left3A_592 : i32
        %mul3A_594 = arith.constant 16 : i32
        %mul3A_595 = arith.muli %while3A_292, %mul3A_594 : i32
        %add3A_596 = arith.constant 9 : i32
        %add3A_597 = arith.addi %mul3A_595, %add3A_596 : i32
        %broadcast_in_dim3A_598 = vector.broadcast %add3A_597 : i32 to vector<16xi32>
        %swap3A_599 = arith.index_cast %add3A_593 : i32 to index
        %swap3A_600 = tpu.vector_load %arg7[%swap3A_599] {strides = array<i32>} : memref<32784xi32, #tpu.memory_space<vmem>>, vector<16xi32>,
        %swap3A_601 = vector.shape_cast %swap3A_600 : vector<16xi32> to vector<16xi32>
        %swap3A_602 = vector.shape_cast %broadcast_in_dim3A_598 : vector<16xi32> to vector<16xi32>
        tpu.vector_store %arg7[%swap3A_599], %swap3A_602 {strides = array<i32>} : memref<32784xi32, #tpu.memory_space<vmem>>, vector<16xi32>,
        %shift_right_logical3A_603 = arith.constant 6 : i32
        %shift_right_logical3A_604 = arith.shrui %squeeze3A, %shift_right_logical3A_603 : i32
        %and3A_605 = arith.constant 1 : i32
        %and3A_606 = arith.andi %shift_right_logical3A_604, %and3A_605 : i32
        %shift_left3A_607 = arith.constant 4 : i32
        %shift_left3A_608 = arith.shli %and3A_606, %shift_left3A_607 : i32
        %add3A_609 = arith.addi %add3A_593, %shift_left3A_608 : i32
        %mul3A_610 = arith.constant 16 : i32
        %mul3A_611 = arith.muli %while3A_292, %mul3A_610 : i32
        %add3A_612 = arith.constant 10 : i32
        %add3A_613 = arith.addi %mul3A_611, %add3A_612 : i32
        %broadcast_in_dim3A_614 = vector.broadcast %add3A_613 : i32 to vector<16xi32>
        %swap3A_615 = arith.index_cast %add3A_609 : i32 to index
        %swap3A_616 = tpu.vector_load %arg7[%swap3A_615] {strides = array<i32>} : memref<32784xi32, #tpu.memory_space<vmem>>, vector<16xi32>,
        %swap3A_617 = vector.shape_cast %swap3A_616 : vector<16xi32> to vector<16xi32>
        %swap3A_618 = vector.shape_cast %broadcast_in_dim3A_614 : vector<16xi32> to vector<16xi32>
        tpu.vector_store %arg7[%swap3A_615], %swap3A_618 {strides = array<i32>} : memref<32784xi32, #tpu.memory_space<vmem>>, vector<16xi32>,
        %shift_right_logical3A_619 = arith.constant 5 : i32
        %shift_right_logical3A_620 = arith.shrui %squeeze3A, %shift_right_logical3A_619 : i32
        %and3A_621 = arith.constant 1 : i32
        %and3A_622 = arith.andi %shift_right_logical3A_620, %and3A_621 : i32
        %shift_left3A_623 = arith.constant 4 : i32
        %shift_left3A_624 = arith.shli %and3A_622, %shift_left3A_623 : i32
        %add3A_625 = arith.addi %add3A_609, %shift_left3A_624 : i32
        %mul3A_626 = arith.constant 16 : i32
        %mul3A_627 = arith.muli %while3A_292, %mul3A_626 : i32
        %add3A_628 = arith.constant 11 : i32
        %add3A_629 = arith.addi %mul3A_627, %add3A_628 : i32
        %broadcast_in_dim3A_630 = vector.broadcast %add3A_629 : i32 to vector<16xi32>
        %swap3A_631 = arith.index_cast %add3A_625 : i32 to index
        %swap3A_632 = tpu.vector_load %arg7[%swap3A_631] {strides = array<i32>} : memref<32784xi32, #tpu.memory_space<vmem>>, vector<16xi32>,
        %swap3A_633 = vector.shape_cast %swap3A_632 : vector<16xi32> to vector<16xi32>
        %swap3A_634 = vector.shape_cast %broadcast_in_dim3A_630 : vector<16xi32> to vector<16xi32>
        tpu.vector_store %arg7[%swap3A_631], %swap3A_634 {strides = array<i32>} : memref<32784xi32, #tpu.memory_space<vmem>>, vector<16xi32>,
        %shift_right_logical3A_635 = arith.constant 4 : i32
        %shift_right_logical3A_636 = arith.shrui %squeeze3A, %shift_right_logical3A_635 : i32
        %and3A_637 = arith.constant 1 : i32
        %and3A_638 = arith.andi %shift_right_logical3A_636, %and3A_637 : i32
        %shift_left3A_639 = arith.constant 4 : i32
        %shift_left3A_640 = arith.shli %and3A_638, %shift_left3A_639 : i32
        %add3A_641 = arith.addi %add3A_625, %shift_left3A_640 : i32
        %mul3A_642 = arith.constant 16 : i32
        %mul3A_643 = arith.muli %while3A_292, %mul3A_642 : i32
        %add3A_644 = arith.constant 12 : i32
        %add3A_645 = arith.addi %mul3A_643, %add3A_644 : i32
        %broadcast_in_dim3A_646 = vector.broadcast %add3A_645 : i32 to vector<16xi32>
        %swap3A_647 = arith.index_cast %add3A_641 : i32 to index
        %swap3A_648 = tpu.vector_load %arg7[%swap3A_647] {strides = array<i32>} : memref<32784xi32, #tpu.memory_space<vmem>>, vector<16xi32>,
        %swap3A_649 = vector.shape_cast %swap3A_648 : vector<16xi32> to vector<16xi32>
        %swap3A_650 = vector.shape_cast %broadcast_in_dim3A_646 : vector<16xi32> to vector<16xi32>
        tpu.vector_store %arg7[%swap3A_647], %swap3A_650 {strides = array<i32>} : memref<32784xi32, #tpu.memory_space<vmem>>, vector<16xi32>,
        %shift_right_logical3A_651 = arith.constant 3 : i32
        %shift_right_logical3A_652 = arith.shrui %squeeze3A, %shift_right_logical3A_651 : i32
        %and3A_653 = arith.constant 1 : i32
        %and3A_654 = arith.andi %shift_right_logical3A_652, %and3A_653 : i32
        %shift_left3A_655 = arith.constant 4 : i32
        %shift_left3A_656 = arith.shli %and3A_654, %shift_left3A_655 : i32
        %add3A_657 = arith.addi %add3A_641, %shift_left3A_656 : i32
        %mul3A_658 = arith.constant 16 : i32
        %mul3A_659 = arith.muli %while3A_292, %mul3A_658 : i32
        %add3A_660 = arith.constant 13 : i32
        %add3A_661 = arith.addi %mul3A_659, %add3A_660 : i32
        %broadcast_in_dim3A_662 = vector.broadcast %add3A_661 : i32 to vector<16xi32>
        %swap3A_663 = arith.index_cast %add3A_657 : i32 to index
        %swap3A_664 = tpu.vector_load %arg7[%swap3A_663] {strides = array<i32>} : memref<32784xi32, #tpu.memory_space<vmem>>, vector<16xi32>,
        %swap3A_665 = vector.shape_cast %swap3A_664 : vector<16xi32> to vector<16xi32>
        %swap3A_666 = vector.shape_cast %broadcast_in_dim3A_662 : vector<16xi32> to vector<16xi32>
        tpu.vector_store %arg7[%swap3A_663], %swap3A_666 {strides = array<i32>} : memref<32784xi32, #tpu.memory_space<vmem>>, vector<16xi32>,
        %shift_right_logical3A_667 = arith.constant 2 : i32
        %shift_right_logical3A_668 = arith.shrui %squeeze3A, %shift_right_logical3A_667 : i32
        %and3A_669 = arith.constant 1 : i32
        %and3A_670 = arith.andi %shift_right_logical3A_668, %and3A_669 : i32
        %shift_left3A_671 = arith.constant 4 : i32
        %shift_left3A_672 = arith.shli %and3A_670, %shift_left3A_671 : i32
        %add3A_673 = arith.addi %add3A_657, %shift_left3A_672 : i32
        %mul3A_674 = arith.constant 16 : i32
        %mul3A_675 = arith.muli %while3A_292, %mul3A_674 : i32
        %add3A_676 = arith.constant 14 : i32
        %add3A_677 = arith.addi %mul3A_675, %add3A_676 : i32
        %broadcast_in_dim3A_678 = vector.broadcast %add3A_677 : i32 to vector<16xi32>
        %swap3A_679 = arith.index_cast %add3A_673 : i32 to index
        %swap3A_680 = tpu.vector_load %arg7[%swap3A_679] {strides = array<i32>} : memref<32784xi32, #tpu.memory_space<vmem>>, vector<16xi32>,
        %swap3A_681 = vector.shape_cast %swap3A_680 : vector<16xi32> to vector<16xi32>
        %swap3A_682 = vector.shape_cast %broadcast_in_dim3A_678 : vector<16xi32> to vector<16xi32>
        tpu.vector_store %arg7[%swap3A_679], %swap3A_682 {strides = array<i32>} : memref<32784xi32, #tpu.memory_space<vmem>>, vector<16xi32>,
        %shift_right_logical3A_683 = arith.constant 1 : i32
        %shift_right_logical3A_684 = arith.shrui %squeeze3A, %shift_right_logical3A_683 : i32
        %and3A_685 = arith.constant 1 : i32
        %and3A_686 = arith.andi %shift_right_logical3A_684, %and3A_685 : i32
        %shift_left3A_687 = arith.constant 4 : i32
        %shift_left3A_688 = arith.shli %and3A_686, %shift_left3A_687 : i32
        %add3A_689 = arith.addi %add3A_673, %shift_left3A_688 : i32
        %mul3A_690 = arith.constant 16 : i32
        %mul3A_691 = arith.muli %while3A_292, %mul3A_690 : i32
        %add3A_692 = arith.constant 15 : i32
        %add3A_693 = arith.addi %mul3A_691, %add3A_692 : i32
        %broadcast_in_dim3A_694 = vector.broadcast %add3A_693 : i32 to vector<16xi32>
        %swap3A_695 = arith.index_cast %add3A_689 : i32 to index
        %swap3A_696 = tpu.vector_load %arg7[%swap3A_695] {strides = array<i32>} : memref<32784xi32, #tpu.memory_space<vmem>>, vector<16xi32>,
        %swap3A_697 = vector.shape_cast %swap3A_696 : vector<16xi32> to vector<16xi32>
        %swap3A_698 = vector.shape_cast %broadcast_in_dim3A_694 : vector<16xi32> to vector<16xi32>
        tpu.vector_store %arg7[%swap3A_695], %swap3A_698 {strides = array<i32>} : memref<32784xi32, #tpu.memory_space<vmem>>, vector<16xi32>,
        %shift_right_logical3A_699 = arith.constant 0 : i32
        %shift_right_logical3A_700 = arith.shrui %squeeze3A, %shift_right_logical3A_699 : i32
        %and3A_701 = arith.constant 1 : i32
        %and3A_702 = arith.andi %shift_right_logical3A_700, %and3A_701 : i32
        %shift_left3A_703 = arith.constant 4 : i32
        %shift_left3A_704 = arith.shli %and3A_702, %shift_left3A_703 : i32
        %add3A_705 = arith.addi %add3A_689, %shift_left3A_704 : i32
        scf.yield %add3A_705 : i32
      }
      %while3A_183 = arith.constant 1 : i32
      %while3A_184 = scf.for %while3A_292 = %while3A_180 to %while3A_176 step %while3A_183 iter_args(%while3A_293 = %while3A_182) -> (i32)  : i32 {
        %mul3A_294 = arith.constant 256 : i32
        %mul3A_295 = arith.muli %while3A_292, %mul3A_294 : i32
        %add3A_296 = arith.constant 0 : i32
        %add3A_297 = arith.addi %mul3A_295, %add3A_296 : i32
        %get3A = arith.index_cast %add3A_297 : i32 to index
        %get3A_298 = tpu.vector_load %arg5[%get3A] {strides = array<i32>} : memref<33024xf32, #tpu.memory_space<vmem>>, vector<16xf32>,
        %get3A_299 = vector.shape_cast %get3A_298 : vector<16xf32> to vector<16xf32>
        %gt3A = arith.cmpf ogt, %get3A_299, %sub3A_54 : vector<16xf32>
        %select_n3A = arith.select %gt3A, %broadcast_in_dim3A_20, %broadcast_in_dim3A_18 : vector<16xi1>, vector<16xi32>
        %shift_left3A = arith.shli %broadcast_in_dim3A_18, %broadcast_in_dim3A_20 : vector<16xi32>
        %or3A = arith.ori %shift_left3A, %select_n3A : vector<16xi32>
        %add3A_300 = arith.constant 16 : i32
        %add3A_301 = arith.addi %mul3A_295, %add3A_300 : i32
        %get3A_302 = arith.index_cast %add3A_301 : i32 to index
        %get3A_303 = tpu.vector_load %arg5[%get3A_302] {strides = array<i32>} : memref<33024xf32, #tpu.memory_space<vmem>>, vector<16xf32>,
        %get3A_304 = vector.shape_cast %get3A_303 : vector<16xf32> to vector<16xf32>
        %gt3A_305 = arith.cmpf ogt, %get3A_304, %sub3A_54 : vector<16xf32>
        %select_n3A_306 = arith.select %gt3A_305, %broadcast_in_dim3A_20, %broadcast_in_dim3A_18 : vector<16xi1>, vector<16xi32>
        %shift_left3A_307 = arith.shli %or3A, %broadcast_in_dim3A_20 : vector<16xi32>
        %or3A_308 = arith.ori %shift_left3A_307, %select_n3A_306 : vector<16xi32>
        %add3A_309 = arith.constant 32 : i32
        %add3A_310 = arith.addi %mul3A_295, %add3A_309 : i32
        %get3A_311 = arith.index_cast %add3A_310 : i32 to index
        %get3A_312 = tpu.vector_load %arg5[%get3A_311] {strides = array<i32>} : memref<33024xf32, #tpu.memory_space<vmem>>, vector<16xf32>,
        %get3A_313 = vector.shape_cast %get3A_312 : vector<16xf32> to vector<16xf32>
        %gt3A_314 = arith.cmpf ogt, %get3A_313, %sub3A_54 : vector<16xf32>
        %select_n3A_315 = arith.select %gt3A_314, %broadcast_in_dim3A_20, %broadcast_in_dim3A_18 : vector<16xi1>, vector<16xi32>
        %shift_left3A_316 = arith.shli %or3A_308, %broadcast_in_dim3A_20 : vector<16xi32>
        %or3A_317 = arith.ori %shift_left3A_316, %select_n3A_315 : vector<16xi32>
        %add3A_318 = arith.constant 48 : i32
        %add3A_319 = arith.addi %mul3A_295, %add3A_318 : i32
        %get3A_320 = arith.index_cast %add3A_319 : i32 to index
        %get3A_321 = tpu.vector_load %arg5[%get3A_320] {strides = array<i32>} : memref<33024xf32, #tpu.memory_space<vmem>>, vector<16xf32>,
        %get3A_322 = vector.shape_cast %get3A_321 : vector<16xf32> to vector<16xf32>
        %gt3A_323 = arith.cmpf ogt, %get3A_322, %sub3A_54 : vector<16xf32>
        %select_n3A_324 = arith.select %gt3A_323, %broadcast_in_dim3A_20, %broadcast_in_dim3A_18 : vector<16xi1>, vector<16xi32>
        %shift_left3A_325 = arith.shli %or3A_317, %broadcast_in_dim3A_20 : vector<16xi32>
        %or3A_326 = arith.ori %shift_left3A_325, %select_n3A_324 : vector<16xi32>
        %add3A_327 = arith.constant 64 : i32
        %add3A_328 = arith.addi %mul3A_295, %add3A_327 : i32
        %get3A_329 = arith.index_cast %add3A_328 : i32 to index
        %get3A_330 = tpu.vector_load %arg5[%get3A_329] {strides = array<i32>} : memref<33024xf32, #tpu.memory_space<vmem>>, vector<16xf32>,
        %get3A_331 = vector.shape_cast %get3A_330 : vector<16xf32> to vector<16xf32>
        %gt3A_332 = arith.cmpf ogt, %get3A_331, %sub3A_54 : vector<16xf32>
        %select_n3A_333 = arith.select %gt3A_332, %broadcast_in_dim3A_20, %broadcast_in_dim3A_18 : vector<16xi1>, vector<16xi32>
        %shift_left3A_334 = arith.shli %or3A_326, %broadcast_in_dim3A_20 : vector<16xi32>
        %or3A_335 = arith.ori %shift_left3A_334, %select_n3A_333 : vector<16xi32>
        %add3A_336 = arith.constant 80 : i32
        %add3A_337 = arith.addi %mul3A_295, %add3A_336 : i32
        %get3A_338 = arith.index_cast %add3A_337 : i32 to index
        %get3A_339 = tpu.vector_load %arg5[%get3A_338] {strides = array<i32>} : memref<33024xf32, #tpu.memory_space<vmem>>, vector<16xf32>,
        %get3A_340 = vector.shape_cast %get3A_339 : vector<16xf32> to vector<16xf32>
        %gt3A_341 = arith.cmpf ogt, %get3A_340, %sub3A_54 : vector<16xf32>
        %select_n3A_342 = arith.select %gt3A_341, %broadcast_in_dim3A_20, %broadcast_in_dim3A_18 : vector<16xi1>, vector<16xi32>
        %shift_left3A_343 = arith.shli %or3A_335, %broadcast_in_dim3A_20 : vector<16xi32>
        %or3A_344 = arith.ori %shift_left3A_343, %select_n3A_342 : vector<16xi32>
        %add3A_345 = arith.constant 96 : i32
        %add3A_346 = arith.addi %mul3A_295, %add3A_345 : i32
        %get3A_347 = arith.index_cast %add3A_346 : i32 to index
        %get3A_348 = tpu.vector_load %arg5[%get3A_347] {strides = array<i32>} : memref<33024xf32, #tpu.memory_space<vmem>>, vector<16xf32>,
        %get3A_349 = vector.shape_cast %get3A_348 : vector<16xf32> to vector<16xf32>
        %gt3A_350 = arith.cmpf ogt, %get3A_349, %sub3A_54 : vector<16xf32>
        %select_n3A_351 = arith.select %gt3A_350, %broadcast_in_dim3A_20, %broadcast_in_dim3A_18 : vector<16xi1>, vector<16xi32>
        %shift_left3A_352 = arith.shli %or3A_344, %broadcast_in_dim3A_20 : vector<16xi32>
        %or3A_353 = arith.ori %shift_left3A_352, %select_n3A_351 : vector<16xi32>
        %add3A_354 = arith.constant 112 : i32
        %add3A_355 = arith.addi %mul3A_295, %add3A_354 : i32
        %get3A_356 = arith.index_cast %add3A_355 : i32 to index
        %get3A_357 = tpu.vector_load %arg5[%get3A_356] {strides = array<i32>} : memref<33024xf32, #tpu.memory_space<vmem>>, vector<16xf32>,
        %get3A_358 = vector.shape_cast %get3A_357 : vector<16xf32> to vector<16xf32>
        %gt3A_359 = arith.cmpf ogt, %get3A_358, %sub3A_54 : vector<16xf32>
        %select_n3A_360 = arith.select %gt3A_359, %broadcast_in_dim3A_20, %broadcast_in_dim3A_18 : vector<16xi1>, vector<16xi32>
        %shift_left3A_361 = arith.shli %or3A_353, %broadcast_in_dim3A_20 : vector<16xi32>
        %or3A_362 = arith.ori %shift_left3A_361, %select_n3A_360 : vector<16xi32>
        %add3A_363 = arith.constant 128 : i32
        %add3A_364 = arith.addi %mul3A_295, %add3A_363 : i32
        %get3A_365 = arith.index_cast %add3A_364 : i32 to index
        %get3A_366 = tpu.vector_load %arg5[%get3A_365] {strides = array<i32>} : memref<33024xf32, #tpu.memory_space<vmem>>, vector<16xf32>,
        %get3A_367 = vector.shape_cast %get3A_366 : vector<16xf32> to vector<16xf32>
        %gt3A_368 = arith.cmpf ogt, %get3A_367, %sub3A_54 : vector<16xf32>
        %select_n3A_369 = arith.select %gt3A_368, %broadcast_in_dim3A_20, %broadcast_in_dim3A_18 : vector<16xi1>, vector<16xi32>
        %shift_left3A_370 = arith.shli %or3A_362, %broadcast_in_dim3A_20 : vector<16xi32>
        %or3A_371 = arith.ori %shift_left3A_370, %select_n3A_369 : vector<16xi32>
        %add3A_372 = arith.constant 144 : i32
        %add3A_373 = arith.addi %mul3A_295, %add3A_372 : i32
        %get3A_374 = arith.index_cast %add3A_373 : i32 to index
        %get3A_375 = tpu.vector_load %arg5[%get3A_374] {strides = array<i32>} : memref<33024xf32, #tpu.memory_space<vmem>>, vector<16xf32>,
        %get3A_376 = vector.shape_cast %get3A_375 : vector<16xf32> to vector<16xf32>
        %gt3A_377 = arith.cmpf ogt, %get3A_376, %sub3A_54 : vector<16xf32>
        %select_n3A_378 = arith.select %gt3A_377, %broadcast_in_dim3A_20, %broadcast_in_dim3A_18 : vector<16xi1>, vector<16xi32>
        %shift_left3A_379 = arith.shli %or3A_371, %broadcast_in_dim3A_20 : vector<16xi32>
        %or3A_380 = arith.ori %shift_left3A_379, %select_n3A_378 : vector<16xi32>
        %add3A_381 = arith.constant 160 : i32
        %add3A_382 = arith.addi %mul3A_295, %add3A_381 : i32
        %get3A_383 = arith.index_cast %add3A_382 : i32 to index
        %get3A_384 = tpu.vector_load %arg5[%get3A_383] {strides = array<i32>} : memref<33024xf32, #tpu.memory_space<vmem>>, vector<16xf32>,
        %get3A_385 = vector.shape_cast %get3A_384 : vector<16xf32> to vector<16xf32>
        %gt3A_386 = arith.cmpf ogt, %get3A_385, %sub3A_54 : vector<16xf32>
        %select_n3A_387 = arith.select %gt3A_386, %broadcast_in_dim3A_20, %broadcast_in_dim3A_18 : vector<16xi1>, vector<16xi32>
        %shift_left3A_388 = arith.shli %or3A_380, %broadcast_in_dim3A_20 : vector<16xi32>
        %or3A_389 = arith.ori %shift_left3A_388, %select_n3A_387 : vector<16xi32>
        %add3A_390 = arith.constant 176 : i32
        %add3A_391 = arith.addi %mul3A_295, %add3A_390 : i32
        %get3A_392 = arith.index_cast %add3A_391 : i32 to index
        %get3A_393 = tpu.vector_load %arg5[%get3A_392] {strides = array<i32>} : memref<33024xf32, #tpu.memory_space<vmem>>, vector<16xf32>,
        %get3A_394 = vector.shape_cast %get3A_393 : vector<16xf32> to vector<16xf32>
        %gt3A_395 = arith.cmpf ogt, %get3A_394, %sub3A_54 : vector<16xf32>
        %select_n3A_396 = arith.select %gt3A_395, %broadcast_in_dim3A_20, %broadcast_in_dim3A_18 : vector<16xi1>, vector<16xi32>
        %shift_left3A_397 = arith.shli %or3A_389, %broadcast_in_dim3A_20 : vector<16xi32>
        %or3A_398 = arith.ori %shift_left3A_397, %select_n3A_396 : vector<16xi32>
        %add3A_399 = arith.constant 192 : i32
        %add3A_400 = arith.addi %mul3A_295, %add3A_399 : i32
        %get3A_401 = arith.index_cast %add3A_400 : i32 to index
        %get3A_402 = tpu.vector_load %arg5[%get3A_401] {strides = array<i32>} : memref<33024xf32, #tpu.memory_space<vmem>>, vector<16xf32>,
        %get3A_403 = vector.shape_cast %get3A_402 : vector<16xf32> to vector<16xf32>
        %gt3A_404 = arith.cmpf ogt, %get3A_403, %sub3A_54 : vector<16xf32>
        %select_n3A_405 = arith.select %gt3A_404, %broadcast_in_dim3A_20, %broadcast_in_dim3A_18 : vector<16xi1>, vector<16xi32>
        %shift_left3A_406 = arith.shli %or3A_398, %broadcast_in_dim3A_20 : vector<16xi32>
        %or3A_407 = arith.ori %shift_left3A_406, %select_n3A_405 : vector<16xi32>
        %add3A_408 = arith.constant 208 : i32
        %add3A_409 = arith.addi %mul3A_295, %add3A_408 : i32
        %get3A_410 = arith.index_cast %add3A_409 : i32 to index
        %get3A_411 = tpu.vector_load %arg5[%get3A_410] {strides = array<i32>} : memref<33024xf32, #tpu.memory_space<vmem>>, vector<16xf32>,
        %get3A_412 = vector.shape_cast %get3A_411 : vector<16xf32> to vector<16xf32>
        %gt3A_413 = arith.cmpf ogt, %get3A_412, %sub3A_54 : vector<16xf32>
        %select_n3A_414 = arith.select %gt3A_413, %broadcast_in_dim3A_20, %broadcast_in_dim3A_18 : vector<16xi1>, vector<16xi32>
        %shift_left3A_415 = arith.shli %or3A_407, %broadcast_in_dim3A_20 : vector<16xi32>
        %or3A_416 = arith.ori %shift_left3A_415, %select_n3A_414 : vector<16xi32>
        %add3A_417 = arith.constant 224 : i32
        %add3A_418 = arith.addi %mul3A_295, %add3A_417 : i32
        %get3A_419 = arith.index_cast %add3A_418 : i32 to index
        %get3A_420 = tpu.vector_load %arg5[%get3A_419] {strides = array<i32>} : memref<33024xf32, #tpu.memory_space<vmem>>, vector<16xf32>,
        %get3A_421 = vector.shape_cast %get3A_420 : vector<16xf32> to vector<16xf32>
        %gt3A_422 = arith.cmpf ogt, %get3A_421, %sub3A_54 : vector<16xf32>
        %select_n3A_423 = arith.select %gt3A_422, %broadcast_in_dim3A_20, %broadcast_in_dim3A_18 : vector<16xi1>, vector<16xi32>
        %shift_left3A_424 = arith.shli %or3A_416, %broadcast_in_dim3A_20 : vector<16xi32>
        %or3A_425 = arith.ori %shift_left3A_424, %select_n3A_423 : vector<16xi32>
        %add3A_426 = arith.constant 240 : i32
        %add3A_427 = arith.addi %mul3A_295, %add3A_426 : i32
        %get3A_428 = arith.index_cast %add3A_427 : i32 to index
        %get3A_429 = tpu.vector_load %arg5[%get3A_428] {strides = array<i32>} : memref<33024xf32, #tpu.memory_space<vmem>>, vector<16xf32>,
        %get3A_430 = vector.shape_cast %get3A_429 : vector<16xf32> to vector<16xf32>
        %gt3A_431 = arith.cmpf ogt, %get3A_430, %sub3A_54 : vector<16xf32>
        %select_n3A_432 = arith.select %gt3A_431, %broadcast_in_dim3A_20, %broadcast_in_dim3A_18 : vector<16xi1>, vector<16xi32>
        %shift_left3A_433 = arith.shli %or3A_425, %broadcast_in_dim3A_20 : vector<16xi32>
        %or3A_434 = arith.ori %shift_left3A_433, %select_n3A_432 : vector<16xi32>
        %broadcast_in_dim3A_435 = vector.shape_cast %xor3A_2 : vector<16xi32> to vector<16x1xi32>
        %gather3A_436 = vector.shape_cast %broadcast_in_dim3A_435 : vector<16x1xi32> to vector<16xi32>
        %gather3A_437 = tpu.dynamic_gather %or3A_434[%gather3A_436] in [0] : vector<16xi32>, vector<16xi32> -> vector<16xi32>
        %or3A_438 = arith.ori %or3A_434, %gather3A_437 : vector<16xi32>
        %broadcast_in_dim3A_439 = vector.shape_cast %xor3A_5 : vector<16xi32> to vector<16x1xi32>
        %gather3A_440 = vector.shape_cast %broadcast_in_dim3A_439 : vector<16x1xi32> to vector<16xi32>
        %gather3A_441 = tpu.dynamic_gather %or3A_438[%gather3A_440] in [0] : vector<16xi32>, vector<16xi32> -> vector<16xi32>
        %or3A_442 = arith.ori %or3A_438, %gather3A_441 : vector<16xi32>
        %broadcast_in_dim3A_443 = vector.shape_cast %xor3A_8 : vector<16xi32> to vector<16x1xi32>
        %gather3A_444 = vector.shape_cast %broadcast_in_dim3A_443 : vector<16x1xi32> to vector<16xi32>
        %gather3A_445 = tpu.dynamic_gather %or3A_442[%gather3A_444] in [0] : vector<16xi32>, vector<16xi32> -> vector<16xi32>
        %or3A_446 = arith.ori %or3A_442, %gather3A_445 : vector<16xi32>
        %broadcast_in_dim3A_447 = vector.shape_cast %xor3A_11 : vector<16xi32> to vector<16x1xi32>
        %gather3A_448 = vector.shape_cast %broadcast_in_dim3A_447 : vector<16x1xi32> to vector<16xi32>
        %gather3A_449 = tpu.dynamic_gather %or3A_446[%gather3A_448] in [0] : vector<16xi32>, vector<16xi32> -> vector<16xi32>
        %or3A_450 = arith.ori %or3A_446, %gather3A_449 : vector<16xi32>
        %slice3A = vector.extract_strided_slice %or3A_450 {offsets = [0], sizes = [1], strides = [1]} : vector<16xi32> to vector<1xi32>
        %squeeze3A = vector.extract %slice3A[0] : i32 from vector<1xi32>
        %mul3A_451 = arith.constant 16 : i32
        %mul3A_452 = arith.muli %while3A_292, %mul3A_451 : i32
        %add3A_453 = arith.constant 0 : i32
        %add3A_454 = arith.addi %mul3A_452, %add3A_453 : i32
        %broadcast_in_dim3A_455 = vector.broadcast %add3A_454 : i32 to vector<16xi32>
        %swap3A_456 = arith.index_cast %while3A_293 : i32 to index
        %swap3A_457 = tpu.vector_load %arg7[%swap3A_456] {strides = array<i32>} : memref<32784xi32, #tpu.memory_space<vmem>>, vector<16xi32>,
        %swap3A_458 = vector.shape_cast %swap3A_457 : vector<16xi32> to vector<16xi32>
        %swap3A_459 = vector.shape_cast %broadcast_in_dim3A_455 : vector<16xi32> to vector<16xi32>
        tpu.vector_store %arg7[%swap3A_456], %swap3A_459 {strides = array<i32>} : memref<32784xi32, #tpu.memory_space<vmem>>, vector<16xi32>,
        %shift_right_logical3A_460 = arith.constant 15 : i32
        %shift_right_logical3A_461 = arith.shrui %squeeze3A, %shift_right_logical3A_460 : i32
        %and3A = arith.constant 1 : i32
        %and3A_462 = arith.andi %shift_right_logical3A_461, %and3A : i32
        %shift_left3A_463 = arith.constant 4 : i32
        %shift_left3A_464 = arith.shli %and3A_462, %shift_left3A_463 : i32
        %add3A_465 = arith.addi %while3A_293, %shift_left3A_464 : i32
        %mul3A_466 = arith.constant 16 : i32
        %mul3A_467 = arith.muli %while3A_292, %mul3A_466 : i32
        %add3A_468 = arith.constant 1 : i32
        %add3A_469 = arith.addi %mul3A_467, %add3A_468 : i32
        %broadcast_in_dim3A_470 = vector.broadcast %add3A_469 : i32 to vector<16xi32>
        %swap3A_471 = arith.index_cast %add3A_465 : i32 to index
        %swap3A_472 = tpu.vector_load %arg7[%swap3A_471] {strides = array<i32>} : memref<32784xi32, #tpu.memory_space<vmem>>, vector<16xi32>,
        %swap3A_473 = vector.shape_cast %swap3A_472 : vector<16xi32> to vector<16xi32>
        %swap3A_474 = vector.shape_cast %broadcast_in_dim3A_470 : vector<16xi32> to vector<16xi32>
        tpu.vector_store %arg7[%swap3A_471], %swap3A_474 {strides = array<i32>} : memref<32784xi32, #tpu.memory_space<vmem>>, vector<16xi32>,
        %shift_right_logical3A_475 = arith.constant 14 : i32
        %shift_right_logical3A_476 = arith.shrui %squeeze3A, %shift_right_logical3A_475 : i32
        %and3A_477 = arith.constant 1 : i32
        %and3A_478 = arith.andi %shift_right_logical3A_476, %and3A_477 : i32
        %shift_left3A_479 = arith.constant 4 : i32
        %shift_left3A_480 = arith.shli %and3A_478, %shift_left3A_479 : i32
        %add3A_481 = arith.addi %add3A_465, %shift_left3A_480 : i32
        %mul3A_482 = arith.constant 16 : i32
        %mul3A_483 = arith.muli %while3A_292, %mul3A_482 : i32
        %add3A_484 = arith.constant 2 : i32
        %add3A_485 = arith.addi %mul3A_483, %add3A_484 : i32
        %broadcast_in_dim3A_486 = vector.broadcast %add3A_485 : i32 to vector<16xi32>
        %swap3A_487 = arith.index_cast %add3A_481 : i32 to index
        %swap3A_488 = tpu.vector_load %arg7[%swap3A_487] {strides = array<i32>} : memref<32784xi32, #tpu.memory_space<vmem>>, vector<16xi32>,
        %swap3A_489 = vector.shape_cast %swap3A_488 : vector<16xi32> to vector<16xi32>
        %swap3A_490 = vector.shape_cast %broadcast_in_dim3A_486 : vector<16xi32> to vector<16xi32>
        tpu.vector_store %arg7[%swap3A_487], %swap3A_490 {strides = array<i32>} : memref<32784xi32, #tpu.memory_space<vmem>>, vector<16xi32>,
        %shift_right_logical3A_491 = arith.constant 13 : i32
        %shift_right_logical3A_492 = arith.shrui %squeeze3A, %shift_right_logical3A_491 : i32
        %and3A_493 = arith.constant 1 : i32
        %and3A_494 = arith.andi %shift_right_logical3A_492, %and3A_493 : i32
        %shift_left3A_495 = arith.constant 4 : i32
        %shift_left3A_496 = arith.shli %and3A_494, %shift_left3A_495 : i32
        %add3A_497 = arith.addi %add3A_481, %shift_left3A_496 : i32
        %mul3A_498 = arith.constant 16 : i32
        %mul3A_499 = arith.muli %while3A_292, %mul3A_498 : i32
        %add3A_500 = arith.constant 3 : i32
        %add3A_501 = arith.addi %mul3A_499, %add3A_500 : i32
        %broadcast_in_dim3A_502 = vector.broadcast %add3A_501 : i32 to vector<16xi32>
        %swap3A_503 = arith.index_cast %add3A_497 : i32 to index
        %swap3A_504 = tpu.vector_load %arg7[%swap3A_503] {strides = array<i32>} : memref<32784xi32, #tpu.memory_space<vmem>>, vector<16xi32>,
        %swap3A_505 = vector.shape_cast %swap3A_504 : vector<16xi32> to vector<16xi32>
        %swap3A_506 = vector.shape_cast %broadcast_in_dim3A_502 : vector<16xi32> to vector<16xi32>
        tpu.vector_store %arg7[%swap3A_503], %swap3A_506 {strides = array<i32>} : memref<32784xi32, #tpu.memory_space<vmem>>, vector<16xi32>,
        %shift_right_logical3A_507 = arith.constant 12 : i32
        %shift_right_logical3A_508 = arith.shrui %squeeze3A, %shift_right_logical3A_507 : i32
        %and3A_509 = arith.constant 1 : i32
        %and3A_510 = arith.andi %shift_right_logical3A_508, %and3A_509 : i32
        %shift_left3A_511 = arith.constant 4 : i32
        %shift_left3A_512 = arith.shli %and3A_510, %shift_left3A_511 : i32
        %add3A_513 = arith.addi %add3A_497, %shift_left3A_512 : i32
        %mul3A_514 = arith.constant 16 : i32
        %mul3A_515 = arith.muli %while3A_292, %mul3A_514 : i32
        %add3A_516 = arith.constant 4 : i32
        %add3A_517 = arith.addi %mul3A_515, %add3A_516 : i32
        %broadcast_in_dim3A_518 = vector.broadcast %add3A_517 : i32 to vector<16xi32>
        %swap3A_519 = arith.index_cast %add3A_513 : i32 to index
        %swap3A_520 = tpu.vector_load %arg7[%swap3A_519] {strides = array<i32>} : memref<32784xi32, #tpu.memory_space<vmem>>, vector<16xi32>,
        %swap3A_521 = vector.shape_cast %swap3A_520 : vector<16xi32> to vector<16xi32>
        %swap3A_522 = vector.shape_cast %broadcast_in_dim3A_518 : vector<16xi32> to vector<16xi32>
        tpu.vector_store %arg7[%swap3A_519], %swap3A_522 {strides = array<i32>} : memref<32784xi32, #tpu.memory_space<vmem>>, vector<16xi32>,
        %shift_right_logical3A_523 = arith.constant 11 : i32
        %shift_right_logical3A_524 = arith.shrui %squeeze3A, %shift_right_logical3A_523 : i32
        %and3A_525 = arith.constant 1 : i32
        %and3A_526 = arith.andi %shift_right_logical3A_524, %and3A_525 : i32
        %shift_left3A_527 = arith.constant 4 : i32
        %shift_left3A_528 = arith.shli %and3A_526, %shift_left3A_527 : i32
        %add3A_529 = arith.addi %add3A_513, %shift_left3A_528 : i32
        %mul3A_530 = arith.constant 16 : i32
        %mul3A_531 = arith.muli %while3A_292, %mul3A_530 : i32
        %add3A_532 = arith.constant 5 : i32
        %add3A_533 = arith.addi %mul3A_531, %add3A_532 : i32
        %broadcast_in_dim3A_534 = vector.broadcast %add3A_533 : i32 to vector<16xi32>
        %swap3A_535 = arith.index_cast %add3A_529 : i32 to index
        %swap3A_536 = tpu.vector_load %arg7[%swap3A_535] {strides = array<i32>} : memref<32784xi32, #tpu.memory_space<vmem>>, vector<16xi32>,
        %swap3A_537 = vector.shape_cast %swap3A_536 : vector<16xi32> to vector<16xi32>
        %swap3A_538 = vector.shape_cast %broadcast_in_dim3A_534 : vector<16xi32> to vector<16xi32>
        tpu.vector_store %arg7[%swap3A_535], %swap3A_538 {strides = array<i32>} : memref<32784xi32, #tpu.memory_space<vmem>>, vector<16xi32>,
        %shift_right_logical3A_539 = arith.constant 10 : i32
        %shift_right_logical3A_540 = arith.shrui %squeeze3A, %shift_right_logical3A_539 : i32
        %and3A_541 = arith.constant 1 : i32
        %and3A_542 = arith.andi %shift_right_logical3A_540, %and3A_541 : i32
        %shift_left3A_543 = arith.constant 4 : i32
        %shift_left3A_544 = arith.shli %and3A_542, %shift_left3A_543 : i32
        %add3A_545 = arith.addi %add3A_529, %shift_left3A_544 : i32
        %mul3A_546 = arith.constant 16 : i32
        %mul3A_547 = arith.muli %while3A_292, %mul3A_546 : i32
        %add3A_548 = arith.constant 6 : i32
        %add3A_549 = arith.addi %mul3A_547, %add3A_548 : i32
        %broadcast_in_dim3A_550 = vector.broadcast %add3A_549 : i32 to vector<16xi32>
        %swap3A_551 = arith.index_cast %add3A_545 : i32 to index
        %swap3A_552 = tpu.vector_load %arg7[%swap3A_551] {strides = array<i32>} : memref<32784xi32, #tpu.memory_space<vmem>>, vector<16xi32>,
        %swap3A_553 = vector.shape_cast %swap3A_552 : vector<16xi32> to vector<16xi32>
        %swap3A_554 = vector.shape_cast %broadcast_in_dim3A_550 : vector<16xi32> to vector<16xi32>
        tpu.vector_store %arg7[%swap3A_551], %swap3A_554 {strides = array<i32>} : memref<32784xi32, #tpu.memory_space<vmem>>, vector<16xi32>,
        %shift_right_logical3A_555 = arith.constant 9 : i32
        %shift_right_logical3A_556 = arith.shrui %squeeze3A, %shift_right_logical3A_555 : i32
        %and3A_557 = arith.constant 1 : i32
        %and3A_558 = arith.andi %shift_right_logical3A_556, %and3A_557 : i32
        %shift_left3A_559 = arith.constant 4 : i32
        %shift_left3A_560 = arith.shli %and3A_558, %shift_left3A_559 : i32
        %add3A_561 = arith.addi %add3A_545, %shift_left3A_560 : i32
        %mul3A_562 = arith.constant 16 : i32
        %mul3A_563 = arith.muli %while3A_292, %mul3A_562 : i32
        %add3A_564 = arith.constant 7 : i32
        %add3A_565 = arith.addi %mul3A_563, %add3A_564 : i32
        %broadcast_in_dim3A_566 = vector.broadcast %add3A_565 : i32 to vector<16xi32>
        %swap3A_567 = arith.index_cast %add3A_561 : i32 to index
        %swap3A_568 = tpu.vector_load %arg7[%swap3A_567] {strides = array<i32>} : memref<32784xi32, #tpu.memory_space<vmem>>, vector<16xi32>,
        %swap3A_569 = vector.shape_cast %swap3A_568 : vector<16xi32> to vector<16xi32>
        %swap3A_570 = vector.shape_cast %broadcast_in_dim3A_566 : vector<16xi32> to vector<16xi32>
        tpu.vector_store %arg7[%swap3A_567], %swap3A_570 {strides = array<i32>} : memref<32784xi32, #tpu.memory_space<vmem>>, vector<16xi32>,
        %shift_right_logical3A_571 = arith.constant 8 : i32
        %shift_right_logical3A_572 = arith.shrui %squeeze3A, %shift_right_logical3A_571 : i32
        %and3A_573 = arith.constant 1 : i32
        %and3A_574 = arith.andi %shift_right_logical3A_572, %and3A_573 : i32
        %shift_left3A_575 = arith.constant 4 : i32
        %shift_left3A_576 = arith.shli %and3A_574, %shift_left3A_575 : i32
        %add3A_577 = arith.addi %add3A_561, %shift_left3A_576 : i32
        %mul3A_578 = arith.constant 16 : i32
        %mul3A_579 = arith.muli %while3A_292, %mul3A_578 : i32
        %add3A_580 = arith.constant 8 : i32
        %add3A_581 = arith.addi %mul3A_579, %add3A_580 : i32
        %broadcast_in_dim3A_582 = vector.broadcast %add3A_581 : i32 to vector<16xi32>
        %swap3A_583 = arith.index_cast %add3A_577 : i32 to index
        %swap3A_584 = tpu.vector_load %arg7[%swap3A_583] {strides = array<i32>} : memref<32784xi32, #tpu.memory_space<vmem>>, vector<16xi32>,
        %swap3A_585 = vector.shape_cast %swap3A_584 : vector<16xi32> to vector<16xi32>
        %swap3A_586 = vector.shape_cast %broadcast_in_dim3A_582 : vector<16xi32> to vector<16xi32>
        tpu.vector_store %arg7[%swap3A_583], %swap3A_586 {strides = array<i32>} : memref<32784xi32, #tpu.memory_space<vmem>>, vector<16xi32>,
        %shift_right_logical3A_587 = arith.constant 7 : i32
        %shift_right_logical3A_588 = arith.shrui %squeeze3A, %shift_right_logical3A_587 : i32
        %and3A_589 = arith.constant 1 : i32
        %and3A_590 = arith.andi %shift_right_logical3A_588, %and3A_589 : i32
        %shift_left3A_591 = arith.constant 4 : i32
        %shift_left3A_592 = arith.shli %and3A_590, %shift_left3A_591 : i32
        %add3A_593 = arith.addi %add3A_577, %shift_left3A_592 : i32
        %mul3A_594 = arith.constant 16 : i32
        %mul3A_595 = arith.muli %while3A_292, %mul3A_594 : i32
        %add3A_596 = arith.constant 9 : i32
        %add3A_597 = arith.addi %mul3A_595, %add3A_596 : i32
        %broadcast_in_dim3A_598 = vector.broadcast %add3A_597 : i32 to vector<16xi32>
        %swap3A_599 = arith.index_cast %add3A_593 : i32 to index
        %swap3A_600 = tpu.vector_load %arg7[%swap3A_599] {strides = array<i32>} : memref<32784xi32, #tpu.memory_space<vmem>>, vector<16xi32>,
        %swap3A_601 = vector.shape_cast %swap3A_600 : vector<16xi32> to vector<16xi32>
        %swap3A_602 = vector.shape_cast %broadcast_in_dim3A_598 : vector<16xi32> to vector<16xi32>
        tpu.vector_store %arg7[%swap3A_599], %swap3A_602 {strides = array<i32>} : memref<32784xi32, #tpu.memory_space<vmem>>, vector<16xi32>,
        %shift_right_logical3A_603 = arith.constant 6 : i32
        %shift_right_logical3A_604 = arith.shrui %squeeze3A, %shift_right_logical3A_603 : i32
        %and3A_605 = arith.constant 1 : i32
        %and3A_606 = arith.andi %shift_right_logical3A_604, %and3A_605 : i32
        %shift_left3A_607 = arith.constant 4 : i32
        %shift_left3A_608 = arith.shli %and3A_606, %shift_left3A_607 : i32
        %add3A_609 = arith.addi %add3A_593, %shift_left3A_608 : i32
        %mul3A_610 = arith.constant 16 : i32
        %mul3A_611 = arith.muli %while3A_292, %mul3A_610 : i32
        %add3A_612 = arith.constant 10 : i32
        %add3A_613 = arith.addi %mul3A_611, %add3A_612 : i32
        %broadcast_in_dim3A_614 = vector.broadcast %add3A_613 : i32 to vector<16xi32>
        %swap3A_615 = arith.index_cast %add3A_609 : i32 to index
        %swap3A_616 = tpu.vector_load %arg7[%swap3A_615] {strides = array<i32>} : memref<32784xi32, #tpu.memory_space<vmem>>, vector<16xi32>,
        %swap3A_617 = vector.shape_cast %swap3A_616 : vector<16xi32> to vector<16xi32>
        %swap3A_618 = vector.shape_cast %broadcast_in_dim3A_614 : vector<16xi32> to vector<16xi32>
        tpu.vector_store %arg7[%swap3A_615], %swap3A_618 {strides = array<i32>} : memref<32784xi32, #tpu.memory_space<vmem>>, vector<16xi32>,
        %shift_right_logical3A_619 = arith.constant 5 : i32
        %shift_right_logical3A_620 = arith.shrui %squeeze3A, %shift_right_logical3A_619 : i32
        %and3A_621 = arith.constant 1 : i32
        %and3A_622 = arith.andi %shift_right_logical3A_620, %and3A_621 : i32
        %shift_left3A_623 = arith.constant 4 : i32
        %shift_left3A_624 = arith.shli %and3A_622, %shift_left3A_623 : i32
        %add3A_625 = arith.addi %add3A_609, %shift_left3A_624 : i32
        %mul3A_626 = arith.constant 16 : i32
        %mul3A_627 = arith.muli %while3A_292, %mul3A_626 : i32
        %add3A_628 = arith.constant 11 : i32
        %add3A_629 = arith.addi %mul3A_627, %add3A_628 : i32
        %broadcast_in_dim3A_630 = vector.broadcast %add3A_629 : i32 to vector<16xi32>
        %swap3A_631 = arith.index_cast %add3A_625 : i32 to index
        %swap3A_632 = tpu.vector_load %arg7[%swap3A_631] {strides = array<i32>} : memref<32784xi32, #tpu.memory_space<vmem>>, vector<16xi32>,
        %swap3A_633 = vector.shape_cast %swap3A_632 : vector<16xi32> to vector<16xi32>
        %swap3A_634 = vector.shape_cast %broadcast_in_dim3A_630 : vector<16xi32> to vector<16xi32>
        tpu.vector_store %arg7[%swap3A_631], %swap3A_634 {strides = array<i32>} : memref<32784xi32, #tpu.memory_space<vmem>>, vector<16xi32>,
        %shift_right_logical3A_635 = arith.constant 4 : i32
        %shift_right_logical3A_636 = arith.shrui %squeeze3A, %shift_right_logical3A_635 : i32
        %and3A_637 = arith.constant 1 : i32
        %and3A_638 = arith.andi %shift_right_logical3A_636, %and3A_637 : i32
        %shift_left3A_639 = arith.constant 4 : i32
        %shift_left3A_640 = arith.shli %and3A_638, %shift_left3A_639 : i32
        %add3A_641 = arith.addi %add3A_625, %shift_left3A_640 : i32
        %mul3A_642 = arith.constant 16 : i32
        %mul3A_643 = arith.muli %while3A_292, %mul3A_642 : i32
        %add3A_644 = arith.constant 12 : i32
        %add3A_645 = arith.addi %mul3A_643, %add3A_644 : i32
        %broadcast_in_dim3A_646 = vector.broadcast %add3A_645 : i32 to vector<16xi32>
        %swap3A_647 = arith.index_cast %add3A_641 : i32 to index
        %swap3A_648 = tpu.vector_load %arg7[%swap3A_647] {strides = array<i32>} : memref<32784xi32, #tpu.memory_space<vmem>>, vector<16xi32>,
        %swap3A_649 = vector.shape_cast %swap3A_648 : vector<16xi32> to vector<16xi32>
        %swap3A_650 = vector.shape_cast %broadcast_in_dim3A_646 : vector<16xi32> to vector<16xi32>
        tpu.vector_store %arg7[%swap3A_647], %swap3A_650 {strides = array<i32>} : memref<32784xi32, #tpu.memory_space<vmem>>, vector<16xi32>,
        %shift_right_logical3A_651 = arith.constant 3 : i32
        %shift_right_logical3A_652 = arith.shrui %squeeze3A, %shift_right_logical3A_651 : i32
        %and3A_653 = arith.constant 1 : i32
        %and3A_654 = arith.andi %shift_right_logical3A_652, %and3A_653 : i32
        %shift_left3A_655 = arith.constant 4 : i32
        %shift_left3A_656 = arith.shli %and3A_654, %shift_left3A_655 : i32
        %add3A_657 = arith.addi %add3A_641, %shift_left3A_656 : i32
        %mul3A_658 = arith.constant 16 : i32
        %mul3A_659 = arith.muli %while3A_292, %mul3A_658 : i32
        %add3A_660 = arith.constant 13 : i32
        %add3A_661 = arith.addi %mul3A_659, %add3A_660 : i32
        %broadcast_in_dim3A_662 = vector.broadcast %add3A_661 : i32 to vector<16xi32>
        %swap3A_663 = arith.index_cast %add3A_657 : i32 to index
        %swap3A_664 = tpu.vector_load %arg7[%swap3A_663] {strides = array<i32>} : memref<32784xi32, #tpu.memory_space<vmem>>, vector<16xi32>,
        %swap3A_665 = vector.shape_cast %swap3A_664 : vector<16xi32> to vector<16xi32>
        %swap3A_666 = vector.shape_cast %broadcast_in_dim3A_662 : vector<16xi32> to vector<16xi32>
        tpu.vector_store %arg7[%swap3A_663], %swap3A_666 {strides = array<i32>} : memref<32784xi32, #tpu.memory_space<vmem>>, vector<16xi32>,
        %shift_right_logical3A_667 = arith.constant 2 : i32
        %shift_right_logical3A_668 = arith.shrui %squeeze3A, %shift_right_logical3A_667 : i32
        %and3A_669 = arith.constant 1 : i32
        %and3A_670 = arith.andi %shift_right_logical3A_668, %and3A_669 : i32
        %shift_left3A_671 = arith.constant 4 : i32
        %shift_left3A_672 = arith.shli %and3A_670, %shift_left3A_671 : i32
        %add3A_673 = arith.addi %add3A_657, %shift_left3A_672 : i32
        %mul3A_674 = arith.constant 16 : i32
        %mul3A_675 = arith.muli %while3A_292, %mul3A_674 : i32
        %add3A_676 = arith.constant 14 : i32
        %add3A_677 = arith.addi %mul3A_675, %add3A_676 : i32
        %broadcast_in_dim3A_678 = vector.broadcast %add3A_677 : i32 to vector<16xi32>
        %swap3A_679 = arith.index_cast %add3A_673 : i32 to index
        %swap3A_680 = tpu.vector_load %arg7[%swap3A_679] {strides = array<i32>} : memref<32784xi32, #tpu.memory_space<vmem>>, vector<16xi32>,
        %swap3A_681 = vector.shape_cast %swap3A_680 : vector<16xi32> to vector<16xi32>
        %swap3A_682 = vector.shape_cast %broadcast_in_dim3A_678 : vector<16xi32> to vector<16xi32>
        tpu.vector_store %arg7[%swap3A_679], %swap3A_682 {strides = array<i32>} : memref<32784xi32, #tpu.memory_space<vmem>>, vector<16xi32>,
        %shift_right_logical3A_683 = arith.constant 1 : i32
        %shift_right_logical3A_684 = arith.shrui %squeeze3A, %shift_right_logical3A_683 : i32
        %and3A_685 = arith.constant 1 : i32
        %and3A_686 = arith.andi %shift_right_logical3A_684, %and3A_685 : i32
        %shift_left3A_687 = arith.constant 4 : i32
        %shift_left3A_688 = arith.shli %and3A_686, %shift_left3A_687 : i32
        %add3A_689 = arith.addi %add3A_673, %shift_left3A_688 : i32
        %mul3A_690 = arith.constant 16 : i32
        %mul3A_691 = arith.muli %while3A_292, %mul3A_690 : i32
        %add3A_692 = arith.constant 15 : i32
        %add3A_693 = arith.addi %mul3A_691, %add3A_692 : i32
        %broadcast_in_dim3A_694 = vector.broadcast %add3A_693 : i32 to vector<16xi32>
        %swap3A_695 = arith.index_cast %add3A_689 : i32 to index
        %swap3A_696 = tpu.vector_load %arg7[%swap3A_695] {strides = array<i32>} : memref<32784xi32, #tpu.memory_space<vmem>>, vector<16xi32>,
        %swap3A_697 = vector.shape_cast %swap3A_696 : vector<16xi32> to vector<16xi32>
        %swap3A_698 = vector.shape_cast %broadcast_in_dim3A_694 : vector<16xi32> to vector<16xi32>
        tpu.vector_store %arg7[%swap3A_695], %swap3A_698 {strides = array<i32>} : memref<32784xi32, #tpu.memory_space<vmem>>, vector<16xi32>,
        %shift_right_logical3A_699 = arith.constant 0 : i32
        %shift_right_logical3A_700 = arith.shrui %squeeze3A, %shift_right_logical3A_699 : i32
        %and3A_701 = arith.constant 1 : i32
        %and3A_702 = arith.andi %shift_right_logical3A_700, %and3A_701 : i32
        %shift_left3A_703 = arith.constant 4 : i32
        %shift_left3A_704 = arith.shli %and3A_702, %shift_left3A_703 : i32
        %add3A_705 = arith.addi %add3A_689, %shift_left3A_704 : i32
        scf.yield %add3A_705 : i32
      }
      %shift_right_logical3A_185 = arith.constant 4 : i32
      %shift_right_logical3A_186 = arith.shrui %while3A_184, %shift_right_logical3A_185 : i32
      %while3A_187 = arith.constant 0 : i32
      %while3A_188 = arith.constant 0 : i32
      %while3A_189 = arith.subi %shift_right_logical3A_186, %while3A_188 : i32
      %while3A_190 = arith.addi %while3A_188, %while3A_189 : i32
      %while3A_191 = arith.constant 1 : i32
      %while3A_192 = arith.divsi %while3A_189, %while3A_191 : i32
      %while3A_193 = arith.muli %while3A_192, %while3A_191 : i32
      %while3A_194 = arith.addi %while3A_188, %while3A_193 : i32
      %while3A_195 = arith.constant 1 : i32
      scf.for %while3A_292 = %while3A_188 to %while3A_194 step %while3A_195  : i32 {
        %mul3A_293 = arith.constant 16 : i32
        %mul3A_294 = arith.muli %while3A_292, %mul3A_293 : i32
        %get3A = arith.index_cast %mul3A_294 : i32 to index
        %get3A_295 = tpu.vector_load %arg7[%get3A] {strides = array<i32>} : memref<32784xi32, #tpu.memory_space<vmem>>, vector<16xi32>,
        %get3A_296 = vector.shape_cast %get3A_295 : vector<16xi32> to vector<16xi32>
        %slice3A = vector.extract_strided_slice %get3A_296 {offsets = [0], sizes = [1], strides = [1]} : vector<16xi32> to vector<1xi32>
        %squeeze3A = vector.extract %slice3A[0] : i32 from vector<1xi32>
        %mul3A_297 = arith.constant 16 : i32
        %mul3A_298 = arith.muli %squeeze3A, %mul3A_297 : i32
        %get3A_299 = arith.index_cast %mul3A_298 : i32 to index
        %get3A_300 = tpu.vector_load %arg5[%get3A_299] {strides = array<i32>} : memref<33024xf32, #tpu.memory_space<vmem>>, vector<16xf32>,
        %get3A_301 = vector.shape_cast %get3A_300 : vector<16xf32> to vector<16xf32>
        %mul3A_302 = arith.constant 16 : i32
        %mul3A_303 = arith.muli %while3A_292, %mul3A_302 : i32
        %swap3A_304 = arith.index_cast %mul3A_303 : i32 to index
        %swap3A_305 = tpu.vector_load %arg5[%swap3A_304] {strides = array<i32>} : memref<33024xf32, #tpu.memory_space<vmem>>, vector<16xf32>,
        %swap3A_306 = vector.shape_cast %swap3A_305 : vector<16xf32> to vector<16xf32>
        %swap3A_307 = vector.shape_cast %get3A_301 : vector<16xf32> to vector<16xf32>
        tpu.vector_store %arg5[%swap3A_304], %swap3A_307 {strides = array<i32>} : memref<33024xf32, #tpu.memory_space<vmem>>, vector<16xf32>,
      }
      %while3A_196 = arith.constant 1 : i32
      scf.for %while3A_292 = %while3A_194 to %while3A_190 step %while3A_196  : i32 {
        %mul3A_293 = arith.constant 16 : i32
        %mul3A_294 = arith.muli %while3A_292, %mul3A_293 : i32
        %get3A = arith.index_cast %mul3A_294 : i32 to index
        %get3A_295 = tpu.vector_load %arg7[%get3A] {strides = array<i32>} : memref<32784xi32, #tpu.memory_space<vmem>>, vector<16xi32>,
        %get3A_296 = vector.shape_cast %get3A_295 : vector<16xi32> to vector<16xi32>
        %slice3A = vector.extract_strided_slice %get3A_296 {offsets = [0], sizes = [1], strides = [1]} : vector<16xi32> to vector<1xi32>
        %squeeze3A = vector.extract %slice3A[0] : i32 from vector<1xi32>
        %mul3A_297 = arith.constant 16 : i32
        %mul3A_298 = arith.muli %squeeze3A, %mul3A_297 : i32
        %get3A_299 = arith.index_cast %mul3A_298 : i32 to index
        %get3A_300 = tpu.vector_load %arg5[%get3A_299] {strides = array<i32>} : memref<33024xf32, #tpu.memory_space<vmem>>, vector<16xf32>,
        %get3A_301 = vector.shape_cast %get3A_300 : vector<16xf32> to vector<16xf32>
        %mul3A_302 = arith.constant 16 : i32
        %mul3A_303 = arith.muli %while3A_292, %mul3A_302 : i32
        %swap3A_304 = arith.index_cast %mul3A_303 : i32 to index
        %swap3A_305 = tpu.vector_load %arg5[%swap3A_304] {strides = array<i32>} : memref<33024xf32, #tpu.memory_space<vmem>>, vector<16xf32>,
        %swap3A_306 = vector.shape_cast %swap3A_305 : vector<16xf32> to vector<16xf32>
        %swap3A_307 = vector.shape_cast %get3A_301 : vector<16xf32> to vector<16xf32>
        tpu.vector_store %arg5[%swap3A_304], %swap3A_307 {strides = array<i32>} : memref<33024xf32, #tpu.memory_space<vmem>>, vector<16xf32>,
      }
      %mul3A_197 = arith.constant 16 : i32
      %mul3A_198 = arith.muli %shift_right_logical3A_186, %mul3A_197 : i32
      %add3A_199 = arith.constant 0 : i32
      %add3A_200 = arith.addi %mul3A_198, %add3A_199 : i32
      %swap3A_201 = arith.index_cast %add3A_200 : i32 to index
      %swap3A_202 = tpu.vector_load %arg5[%swap3A_201] {strides = array<i32>} : memref<33024xf32, #tpu.memory_space<vmem>>, vector<16xf32>,
      %swap3A_203 = vector.shape_cast %swap3A_202 : vector<16xf32> to vector<16xf32>
      %swap3A_204 = vector.shape_cast %broadcast_in_dim3A_16 : vector<16xf32> to vector<16xf32>
      tpu.vector_store %arg5[%swap3A_201], %swap3A_204 {strides = array<i32>} : memref<33024xf32, #tpu.memory_space<vmem>>, vector<16xf32>,
      %add3A_205 = arith.constant 16 : i32
      %add3A_206 = arith.addi %mul3A_198, %add3A_205 : i32
      %swap3A_207 = arith.index_cast %add3A_206 : i32 to index
      %swap3A_208 = tpu.vector_load %arg5[%swap3A_207] {strides = array<i32>} : memref<33024xf32, #tpu.memory_space<vmem>>, vector<16xf32>,
      %swap3A_209 = vector.shape_cast %swap3A_208 : vector<16xf32> to vector<16xf32>
      %swap3A_210 = vector.shape_cast %broadcast_in_dim3A_16 : vector<16xf32> to vector<16xf32>
      tpu.vector_store %arg5[%swap3A_207], %swap3A_210 {strides = array<i32>} : memref<33024xf32, #tpu.memory_space<vmem>>, vector<16xf32>,
      %add3A_211 = arith.constant 32 : i32
      %add3A_212 = arith.addi %mul3A_198, %add3A_211 : i32
      %swap3A_213 = arith.index_cast %add3A_212 : i32 to index
      %swap3A_214 = tpu.vector_load %arg5[%swap3A_213] {strides = array<i32>} : memref<33024xf32, #tpu.memory_space<vmem>>, vector<16xf32>,
      %swap3A_215 = vector.shape_cast %swap3A_214 : vector<16xf32> to vector<16xf32>
      %swap3A_216 = vector.shape_cast %broadcast_in_dim3A_16 : vector<16xf32> to vector<16xf32>
      tpu.vector_store %arg5[%swap3A_213], %swap3A_216 {strides = array<i32>} : memref<33024xf32, #tpu.memory_space<vmem>>, vector<16xf32>,
      %add3A_217 = arith.constant 48 : i32
      %add3A_218 = arith.addi %mul3A_198, %add3A_217 : i32
      %swap3A_219 = arith.index_cast %add3A_218 : i32 to index
      %swap3A_220 = tpu.vector_load %arg5[%swap3A_219] {strides = array<i32>} : memref<33024xf32, #tpu.memory_space<vmem>>, vector<16xf32>,
      %swap3A_221 = vector.shape_cast %swap3A_220 : vector<16xf32> to vector<16xf32>
      %swap3A_222 = vector.shape_cast %broadcast_in_dim3A_16 : vector<16xf32> to vector<16xf32>
      tpu.vector_store %arg5[%swap3A_219], %swap3A_222 {strides = array<i32>} : memref<33024xf32, #tpu.memory_space<vmem>>, vector<16xf32>,
      %add3A_223 = arith.constant 63 : i32
      %add3A_224 = arith.addi %mul3A_198, %add3A_223 : i32
      %shift_right_logical3A_225 = arith.constant 6 : i32
      %shift_right_logical3A_226 = arith.shrui %add3A_224, %shift_right_logical3A_225 : i32
      %scan3A_227 = arith.constant 0 : i32
      %scan3A_228 = arith.constant 18 : i32
      %scan3A_229 = arith.addi %scan3A_227, %scan3A_228 : i32
      %scan3A_230 = arith.constant 1 : i32
      %scan3A_231:2 = scf.for %scan3A_292 = %scan3A_227 to %scan3A_229 step %scan3A_230 iter_args(%scan3A_293 = %sub3A_54, %scan3A_294 = %max3A_52) -> (vector<16xf32>, vector<16xf32>)  : i32 {
        %add3A_295 = arith.addf %scan3A_293, %scan3A_294 : vector<16xf32>
        %mul3A_296 = arith.constant 5.000000e-01 : f32
        %mul3A_297 = vector.broadcast %mul3A_296 : f32 to vector<16xf32>
        %mul3A_298 = arith.mulf %mul3A_297, %add3A_295 : vector<16xf32>
        %while3A_299 = arith.constant 0 : i32
        %while3A_300 = arith.subi %shift_right_logical3A_226, %while3A_299 : i32
        %while3A_301 = arith.addi %while3A_299, %while3A_300 : i32
        %while3A_302 = arith.constant 1 : i32
        %while3A_303 = arith.divsi %while3A_300, %while3A_302 : i32
        %while3A_304 = arith.muli %while3A_303, %while3A_302 : i32
        %while3A_305 = arith.addi %while3A_299, %while3A_304 : i32
        %while3A_306 = arith.constant 1 : i32
        %while3A_307:4 = scf.for %while3A_330 = %while3A_299 to %while3A_305 step %while3A_306 iter_args(%while3A_331 = %broadcast_in_dim3A_12, %while3A_332 = %broadcast_in_dim3A_12, %while3A_333 = %broadcast_in_dim3A_12, %while3A_334 = %broadcast_in_dim3A_12) -> (vector<16xf32>, vector<16xf32>, vector<16xf32>, vector<16xf32>)  : i32 {
          %mul3A_335 = arith.constant 64 : i32
          %mul3A_336 = arith.muli %while3A_330, %mul3A_335 : i32
          %add3A_337 = arith.constant 0 : i32
          %add3A_338 = arith.addi %mul3A_336, %add3A_337 : i32
          %get3A = arith.index_cast %add3A_338 : i32 to index
          %get3A_339 = tpu.vector_load %arg5[%get3A] {strides = array<i32>} : memref<33024xf32, #tpu.memory_space<vmem>>, vector<16xf32>,
          %get3A_340 = vector.shape_cast %get3A_339 : vector<16xf32> to vector<16xf32>
          %sub3A_341 = arith.subf %get3A_340, %mul3A_298 : vector<16xf32>
          %max3A_342 = arith.constant 0.000000e+00 : f32
          %max3A_343 = vector.broadcast %max3A_342 : f32 to vector<16xf32>
          %max3A_344 = arith.maximumf %sub3A_341, %max3A_343 : vector<16xf32>
          %add3A_345 = arith.addf %while3A_331, %max3A_344 : vector<16xf32>
          %add3A_346 = arith.constant 16 : i32
          %add3A_347 = arith.addi %mul3A_336, %add3A_346 : i32
          %get3A_348 = arith.index_cast %add3A_347 : i32 to index
          %get3A_349 = tpu.vector_load %arg5[%get3A_348] {strides = array<i32>} : memref<33024xf32, #tpu.memory_space<vmem>>, vector<16xf32>,
          %get3A_350 = vector.shape_cast %get3A_349 : vector<16xf32> to vector<16xf32>
          %sub3A_351 = arith.subf %get3A_350, %mul3A_298 : vector<16xf32>
          %max3A_352 = arith.constant 0.000000e+00 : f32
          %max3A_353 = vector.broadcast %max3A_352 : f32 to vector<16xf32>
          %max3A_354 = arith.maximumf %sub3A_351, %max3A_353 : vector<16xf32>
          %add3A_355 = arith.addf %while3A_332, %max3A_354 : vector<16xf32>
          %add3A_356 = arith.constant 32 : i32
          %add3A_357 = arith.addi %mul3A_336, %add3A_356 : i32
          %get3A_358 = arith.index_cast %add3A_357 : i32 to index
          %get3A_359 = tpu.vector_load %arg5[%get3A_358] {strides = array<i32>} : memref<33024xf32, #tpu.memory_space<vmem>>, vector<16xf32>,
          %get3A_360 = vector.shape_cast %get3A_359 : vector<16xf32> to vector<16xf32>
          %sub3A_361 = arith.subf %get3A_360, %mul3A_298 : vector<16xf32>
          %max3A_362 = arith.constant 0.000000e+00 : f32
          %max3A_363 = vector.broadcast %max3A_362 : f32 to vector<16xf32>
          %max3A_364 = arith.maximumf %sub3A_361, %max3A_363 : vector<16xf32>
          %add3A_365 = arith.addf %while3A_333, %max3A_364 : vector<16xf32>
          %add3A_366 = arith.constant 48 : i32
          %add3A_367 = arith.addi %mul3A_336, %add3A_366 : i32
          %get3A_368 = arith.index_cast %add3A_367 : i32 to index
          %get3A_369 = tpu.vector_load %arg5[%get3A_368] {strides = array<i32>} : memref<33024xf32, #tpu.memory_space<vmem>>, vector<16xf32>,
          %get3A_370 = vector.shape_cast %get3A_369 : vector<16xf32> to vector<16xf32>
          %sub3A_371 = arith.subf %get3A_370, %mul3A_298 : vector<16xf32>
          %max3A_372 = arith.constant 0.000000e+00 : f32
          %max3A_373 = vector.broadcast %max3A_372 : f32 to vector<16xf32>
          %max3A_374 = arith.maximumf %sub3A_371, %max3A_373 : vector<16xf32>
          %add3A_375 = arith.addf %while3A_334, %max3A_374 : vector<16xf32>
          scf.yield %add3A_345, %add3A_355, %add3A_365, %add3A_375 : vector<16xf32>, vector<16xf32>, vector<16xf32>, vector<16xf32>
        }
        %while3A_308 = arith.constant 1 : i32
        %while3A_309:4 = scf.for %while3A_330 = %while3A_305 to %while3A_301 step %while3A_308 iter_args(%while3A_331 = %while3A_307#0, %while3A_332 = %while3A_307#1, %while3A_333 = %while3A_307#2, %while3A_334 = %while3A_307#3) -> (vector<16xf32>, vector<16xf32>, vector<16xf32>, vector<16xf32>)  : i32 {
          %mul3A_335 = arith.constant 64 : i32
          %mul3A_336 = arith.muli %while3A_330, %mul3A_335 : i32
          %add3A_337 = arith.constant 0 : i32
          %add3A_338 = arith.addi %mul3A_336, %add3A_337 : i32
          %get3A = arith.index_cast %add3A_338 : i32 to index
          %get3A_339 = tpu.vector_load %arg5[%get3A] {strides = array<i32>} : memref<33024xf32, #tpu.memory_space<vmem>>, vector<16xf32>,
          %get3A_340 = vector.shape_cast %get3A_339 : vector<16xf32> to vector<16xf32>
          %sub3A_341 = arith.subf %get3A_340, %mul3A_298 : vector<16xf32>
          %max3A_342 = arith.constant 0.000000e+00 : f32
          %max3A_343 = vector.broadcast %max3A_342 : f32 to vector<16xf32>
          %max3A_344 = arith.maximumf %sub3A_341, %max3A_343 : vector<16xf32>
          %add3A_345 = arith.addf %while3A_331, %max3A_344 : vector<16xf32>
          %add3A_346 = arith.constant 16 : i32
          %add3A_347 = arith.addi %mul3A_336, %add3A_346 : i32
          %get3A_348 = arith.index_cast %add3A_347 : i32 to index
          %get3A_349 = tpu.vector_load %arg5[%get3A_348] {strides = array<i32>} : memref<33024xf32, #tpu.memory_space<vmem>>, vector<16xf32>,
          %get3A_350 = vector.shape_cast %get3A_349 : vector<16xf32> to vector<16xf32>
          %sub3A_351 = arith.subf %get3A_350, %mul3A_298 : vector<16xf32>
          %max3A_352 = arith.constant 0.000000e+00 : f32
          %max3A_353 = vector.broadcast %max3A_352 : f32 to vector<16xf32>
          %max3A_354 = arith.maximumf %sub3A_351, %max3A_353 : vector<16xf32>
          %add3A_355 = arith.addf %while3A_332, %max3A_354 : vector<16xf32>
          %add3A_356 = arith.constant 32 : i32
          %add3A_357 = arith.addi %mul3A_336, %add3A_356 : i32
          %get3A_358 = arith.index_cast %add3A_357 : i32 to index
          %get3A_359 = tpu.vector_load %arg5[%get3A_358] {strides = array<i32>} : memref<33024xf32, #tpu.memory_space<vmem>>, vector<16xf32>,
          %get3A_360 = vector.shape_cast %get3A_359 : vector<16xf32> to vector<16xf32>
          %sub3A_361 = arith.subf %get3A_360, %mul3A_298 : vector<16xf32>
          %max3A_362 = arith.constant 0.000000e+00 : f32
          %max3A_363 = vector.broadcast %max3A_362 : f32 to vector<16xf32>
          %max3A_364 = arith.maximumf %sub3A_361, %max3A_363 : vector<16xf32>
          %add3A_365 = arith.addf %while3A_333, %max3A_364 : vector<16xf32>
          %add3A_366 = arith.constant 48 : i32
          %add3A_367 = arith.addi %mul3A_336, %add3A_366 : i32
          %get3A_368 = arith.index_cast %add3A_367 : i32 to index
          %get3A_369 = tpu.vector_load %arg5[%get3A_368] {strides = array<i32>} : memref<33024xf32, #tpu.memory_space<vmem>>, vector<16xf32>,
          %get3A_370 = vector.shape_cast %get3A_369 : vector<16xf32> to vector<16xf32>
          %sub3A_371 = arith.subf %get3A_370, %mul3A_298 : vector<16xf32>
          %max3A_372 = arith.constant 0.000000e+00 : f32
          %max3A_373 = vector.broadcast %max3A_372 : f32 to vector<16xf32>
          %max3A_374 = arith.maximumf %sub3A_371, %max3A_373 : vector<16xf32>
          %add3A_375 = arith.addf %while3A_334, %max3A_374 : vector<16xf32>
          scf.yield %add3A_345, %add3A_355, %add3A_365, %add3A_375 : vector<16xf32>, vector<16xf32>, vector<16xf32>, vector<16xf32>
        }
        %add3A_310 = arith.addf %while3A_309#0, %while3A_309#1 : vector<16xf32>
        %add3A_311 = arith.addf %while3A_309#2, %while3A_309#3 : vector<16xf32>
        %add3A_312 = arith.addf %add3A_310, %add3A_311 : vector<16xf32>
        %broadcast_in_dim3A_313 = vector.shape_cast %xor3A_2 : vector<16xi32> to vector<16x1xi32>
        %gather3A_314 = vector.shape_cast %broadcast_in_dim3A_313 : vector<16x1xi32> to vector<16xi32>
        %gather3A_315 = tpu.dynamic_gather %add3A_312[%gather3A_314] in [0] : vector<16xf32>, vector<16xi32> -> vector<16xf32>
        %add3A_316 = arith.addf %add3A_312, %gather3A_315 : vector<16xf32>
        %broadcast_in_dim3A_317 = vector.shape_cast %xor3A_5 : vector<16xi32> to vector<16x1xi32>
        %gather3A_318 = vector.shape_cast %broadcast_in_dim3A_317 : vector<16x1xi32> to vector<16xi32>
        %gather3A_319 = tpu.dynamic_gather %add3A_316[%gather3A_318] in [0] : vector<16xf32>, vector<16xi32> -> vector<16xf32>
        %add3A_320 = arith.addf %add3A_316, %gather3A_319 : vector<16xf32>
        %broadcast_in_dim3A_321 = vector.shape_cast %xor3A_8 : vector<16xi32> to vector<16x1xi32>
        %gather3A_322 = vector.shape_cast %broadcast_in_dim3A_321 : vector<16x1xi32> to vector<16xi32>
        %gather3A_323 = tpu.dynamic_gather %add3A_320[%gather3A_322] in [0] : vector<16xf32>, vector<16xi32> -> vector<16xf32>
        %add3A_324 = arith.addf %add3A_320, %gather3A_323 : vector<16xf32>
        %broadcast_in_dim3A_325 = vector.shape_cast %xor3A_11 : vector<16xi32> to vector<16x1xi32>
        %gather3A_326 = vector.shape_cast %broadcast_in_dim3A_325 : vector<16x1xi32> to vector<16xi32>
        %gather3A_327 = tpu.dynamic_gather %add3A_324[%gather3A_326] in [0] : vector<16xf32>, vector<16xi32> -> vector<16xf32>
        %add3A_328 = arith.addf %add3A_324, %gather3A_327 : vector<16xf32>
        %gt3A = arith.cmpf ogt, %add3A_328, %broadcast_in_dim3A_14 : vector<16xf32>
        %select_n3A = arith.select %gt3A, %mul3A_298, %scan3A_293 : vector<16xi1>, vector<16xf32>
        %select_n3A_329 = arith.select %gt3A, %scan3A_294, %mul3A_298 : vector<16xi1>, vector<16xf32>
        scf.yield %select_n3A, %select_n3A_329 : vector<16xf32>, vector<16xf32>
      }
      %scan3A_232 = arith.constant 18 : i32
      %while3A_233 = arith.constant 0 : i32
      %while3A_234 = arith.subi %shift_right_logical3A_226, %while3A_233 : i32
      %while3A_235 = arith.addi %while3A_233, %while3A_234 : i32
      %while3A_236 = arith.constant 1 : i32
      %while3A_237 = arith.divsi %while3A_234, %while3A_236 : i32
      %while3A_238 = arith.muli %while3A_237, %while3A_236 : i32
      %while3A_239 = arith.addi %while3A_233, %while3A_238 : i32
      %while3A_240 = arith.constant 1 : i32
      %while3A_241:8 = scf.for %while3A_292 = %while3A_233 to %while3A_239 step %while3A_240 iter_args(%while3A_293 = %broadcast_in_dim3A_12, %while3A_294 = %broadcast_in_dim3A_12, %while3A_295 = %broadcast_in_dim3A_12, %while3A_296 = %broadcast_in_dim3A_12, %while3A_297 = %broadcast_in_dim3A_12, %while3A_298 = %broadcast_in_dim3A_12, %while3A_299 = %broadcast_in_dim3A_12, %while3A_300 = %broadcast_in_dim3A_12) -> (vector<16xf32>, vector<16xf32>, vector<16xf32>, vector<16xf32>, vector<16xf32>, vector<16xf32>, vector<16xf32>, vector<16xf32>)  : i32 {
        %mul3A_301 = arith.constant 64 : i32
        %mul3A_302 = arith.muli %while3A_292, %mul3A_301 : i32
        %add3A_303 = arith.constant 0 : i32
        %add3A_304 = arith.addi %mul3A_302, %add3A_303 : i32
        %get3A = arith.index_cast %add3A_304 : i32 to index
        %get3A_305 = tpu.vector_load %arg5[%get3A] {strides = array<i32>} : memref<33024xf32, #tpu.memory_space<vmem>>, vector<16xf32>,
        %get3A_306 = vector.shape_cast %get3A_305 : vector<16xf32> to vector<16xf32>
        %gt3A = arith.cmpf ogt, %get3A_306, %scan3A_231#0 : vector<16xf32>
        %jit3A = arith.constant 0.000000e+00 : f32
        %broadcast_in_dim3A_307 = vector.broadcast %jit3A : f32 to vector<16xf32>
        %select_n3A = arith.select %gt3A, %get3A_306, %broadcast_in_dim3A_307 : vector<16xi1>, vector<16xf32>
        %add3A_308 = arith.addf %while3A_293, %select_n3A : vector<16xf32>
        %jit3A_309 = arith.constant 0.000000e+00 : f32
        %broadcast_in_dim3A_310 = vector.broadcast %jit3A_309 : f32 to vector<16xf32>
        %select_n3A_311 = arith.select %gt3A, %broadcast_in_dim3A_14, %broadcast_in_dim3A_310 : vector<16xi1>, vector<16xf32>
        %add3A_312 = arith.addf %while3A_294, %select_n3A_311 : vector<16xf32>
        %add3A_313 = arith.constant 16 : i32
        %add3A_314 = arith.addi %mul3A_302, %add3A_313 : i32
        %get3A_315 = arith.index_cast %add3A_314 : i32 to index
        %get3A_316 = tpu.vector_load %arg5[%get3A_315] {strides = array<i32>} : memref<33024xf32, #tpu.memory_space<vmem>>, vector<16xf32>,
        %get3A_317 = vector.shape_cast %get3A_316 : vector<16xf32> to vector<16xf32>
        %gt3A_318 = arith.cmpf ogt, %get3A_317, %scan3A_231#0 : vector<16xf32>
        %jit3A_319 = arith.constant 0.000000e+00 : f32
        %broadcast_in_dim3A_320 = vector.broadcast %jit3A_319 : f32 to vector<16xf32>
        %select_n3A_321 = arith.select %gt3A_318, %get3A_317, %broadcast_in_dim3A_320 : vector<16xi1>, vector<16xf32>
        %add3A_322 = arith.addf %while3A_295, %select_n3A_321 : vector<16xf32>
        %jit3A_323 = arith.constant 0.000000e+00 : f32
        %broadcast_in_dim3A_324 = vector.broadcast %jit3A_323 : f32 to vector<16xf32>
        %select_n3A_325 = arith.select %gt3A_318, %broadcast_in_dim3A_14, %broadcast_in_dim3A_324 : vector<16xi1>, vector<16xf32>
        %add3A_326 = arith.addf %while3A_296, %select_n3A_325 : vector<16xf32>
        %add3A_327 = arith.constant 32 : i32
        %add3A_328 = arith.addi %mul3A_302, %add3A_327 : i32
        %get3A_329 = arith.index_cast %add3A_328 : i32 to index
        %get3A_330 = tpu.vector_load %arg5[%get3A_329] {strides = array<i32>} : memref<33024xf32, #tpu.memory_space<vmem>>, vector<16xf32>,
        %get3A_331 = vector.shape_cast %get3A_330 : vector<16xf32> to vector<16xf32>
        %gt3A_332 = arith.cmpf ogt, %get3A_331, %scan3A_231#0 : vector<16xf32>
        %jit3A_333 = arith.constant 0.000000e+00 : f32
        %broadcast_in_dim3A_334 = vector.broadcast %jit3A_333 : f32 to vector<16xf32>
        %select_n3A_335 = arith.select %gt3A_332, %get3A_331, %broadcast_in_dim3A_334 : vector<16xi1>, vector<16xf32>
        %add3A_336 = arith.addf %while3A_297, %select_n3A_335 : vector<16xf32>
        %jit3A_337 = arith.constant 0.000000e+00 : f32
        %broadcast_in_dim3A_338 = vector.broadcast %jit3A_337 : f32 to vector<16xf32>
        %select_n3A_339 = arith.select %gt3A_332, %broadcast_in_dim3A_14, %broadcast_in_dim3A_338 : vector<16xi1>, vector<16xf32>
        %add3A_340 = arith.addf %while3A_298, %select_n3A_339 : vector<16xf32>
        %add3A_341 = arith.constant 48 : i32
        %add3A_342 = arith.addi %mul3A_302, %add3A_341 : i32
        %get3A_343 = arith.index_cast %add3A_342 : i32 to index
        %get3A_344 = tpu.vector_load %arg5[%get3A_343] {strides = array<i32>} : memref<33024xf32, #tpu.memory_space<vmem>>, vector<16xf32>,
        %get3A_345 = vector.shape_cast %get3A_344 : vector<16xf32> to vector<16xf32>
        %gt3A_346 = arith.cmpf ogt, %get3A_345, %scan3A_231#0 : vector<16xf32>
        %jit3A_347 = arith.constant 0.000000e+00 : f32
        %broadcast_in_dim3A_348 = vector.broadcast %jit3A_347 : f32 to vector<16xf32>
        %select_n3A_349 = arith.select %gt3A_346, %get3A_345, %broadcast_in_dim3A_348 : vector<16xi1>, vector<16xf32>
        %add3A_350 = arith.addf %while3A_299, %select_n3A_349 : vector<16xf32>
        %jit3A_351 = arith.constant 0.000000e+00 : f32
        %broadcast_in_dim3A_352 = vector.broadcast %jit3A_351 : f32 to vector<16xf32>
        %select_n3A_353 = arith.select %gt3A_346, %broadcast_in_dim3A_14, %broadcast_in_dim3A_352 : vector<16xi1>, vector<16xf32>
        %add3A_354 = arith.addf %while3A_300, %select_n3A_353 : vector<16xf32>
        scf.yield %add3A_308, %add3A_312, %add3A_322, %add3A_326, %add3A_336, %add3A_340, %add3A_350, %add3A_354 : vector<16xf32>, vector<16xf32>, vector<16xf32>, vector<16xf32>, vector<16xf32>, vector<16xf32>, vector<16xf32>, vector<16xf32>
      }
      %while3A_242 = arith.constant 1 : i32
      %while3A_243:8 = scf.for %while3A_292 = %while3A_239 to %while3A_235 step %while3A_242 iter_args(%while3A_293 = %while3A_241#0, %while3A_294 = %while3A_241#1, %while3A_295 = %while3A_241#2, %while3A_296 = %while3A_241#3, %while3A_297 = %while3A_241#4, %while3A_298 = %while3A_241#5, %while3A_299 = %while3A_241#6, %while3A_300 = %while3A_241#7) -> (vector<16xf32>, vector<16xf32>, vector<16xf32>, vector<16xf32>, vector<16xf32>, vector<16xf32>, vector<16xf32>, vector<16xf32>)  : i32 {
        %mul3A_301 = arith.constant 64 : i32
        %mul3A_302 = arith.muli %while3A_292, %mul3A_301 : i32
        %add3A_303 = arith.constant 0 : i32
        %add3A_304 = arith.addi %mul3A_302, %add3A_303 : i32
        %get3A = arith.index_cast %add3A_304 : i32 to index
        %get3A_305 = tpu.vector_load %arg5[%get3A] {strides = array<i32>} : memref<33024xf32, #tpu.memory_space<vmem>>, vector<16xf32>,
        %get3A_306 = vector.shape_cast %get3A_305 : vector<16xf32> to vector<16xf32>
        %gt3A = arith.cmpf ogt, %get3A_306, %scan3A_231#0 : vector<16xf32>
        %jit3A = arith.constant 0.000000e+00 : f32
        %broadcast_in_dim3A_307 = vector.broadcast %jit3A : f32 to vector<16xf32>
        %select_n3A = arith.select %gt3A, %get3A_306, %broadcast_in_dim3A_307 : vector<16xi1>, vector<16xf32>
        %add3A_308 = arith.addf %while3A_293, %select_n3A : vector<16xf32>
        %jit3A_309 = arith.constant 0.000000e+00 : f32
        %broadcast_in_dim3A_310 = vector.broadcast %jit3A_309 : f32 to vector<16xf32>
        %select_n3A_311 = arith.select %gt3A, %broadcast_in_dim3A_14, %broadcast_in_dim3A_310 : vector<16xi1>, vector<16xf32>
        %add3A_312 = arith.addf %while3A_294, %select_n3A_311 : vector<16xf32>
        %add3A_313 = arith.constant 16 : i32
        %add3A_314 = arith.addi %mul3A_302, %add3A_313 : i32
        %get3A_315 = arith.index_cast %add3A_314 : i32 to index
        %get3A_316 = tpu.vector_load %arg5[%get3A_315] {strides = array<i32>} : memref<33024xf32, #tpu.memory_space<vmem>>, vector<16xf32>,
        %get3A_317 = vector.shape_cast %get3A_316 : vector<16xf32> to vector<16xf32>
        %gt3A_318 = arith.cmpf ogt, %get3A_317, %scan3A_231#0 : vector<16xf32>
        %jit3A_319 = arith.constant 0.000000e+00 : f32
        %broadcast_in_dim3A_320 = vector.broadcast %jit3A_319 : f32 to vector<16xf32>
        %select_n3A_321 = arith.select %gt3A_318, %get3A_317, %broadcast_in_dim3A_320 : vector<16xi1>, vector<16xf32>
        %add3A_322 = arith.addf %while3A_295, %select_n3A_321 : vector<16xf32>
        %jit3A_323 = arith.constant 0.000000e+00 : f32
        %broadcast_in_dim3A_324 = vector.broadcast %jit3A_323 : f32 to vector<16xf32>
        %select_n3A_325 = arith.select %gt3A_318, %broadcast_in_dim3A_14, %broadcast_in_dim3A_324 : vector<16xi1>, vector<16xf32>
        %add3A_326 = arith.addf %while3A_296, %select_n3A_325 : vector<16xf32>
        %add3A_327 = arith.constant 32 : i32
        %add3A_328 = arith.addi %mul3A_302, %add3A_327 : i32
        %get3A_329 = arith.index_cast %add3A_328 : i32 to index
        %get3A_330 = tpu.vector_load %arg5[%get3A_329] {strides = array<i32>} : memref<33024xf32, #tpu.memory_space<vmem>>, vector<16xf32>,
        %get3A_331 = vector.shape_cast %get3A_330 : vector<16xf32> to vector<16xf32>
        %gt3A_332 = arith.cmpf ogt, %get3A_331, %scan3A_231#0 : vector<16xf32>
        %jit3A_333 = arith.constant 0.000000e+00 : f32
        %broadcast_in_dim3A_334 = vector.broadcast %jit3A_333 : f32 to vector<16xf32>
        %select_n3A_335 = arith.select %gt3A_332, %get3A_331, %broadcast_in_dim3A_334 : vector<16xi1>, vector<16xf32>
        %add3A_336 = arith.addf %while3A_297, %select_n3A_335 : vector<16xf32>
        %jit3A_337 = arith.constant 0.000000e+00 : f32
        %broadcast_in_dim3A_338 = vector.broadcast %jit3A_337 : f32 to vector<16xf32>
        %select_n3A_339 = arith.select %gt3A_332, %broadcast_in_dim3A_14, %broadcast_in_dim3A_338 : vector<16xi1>, vector<16xf32>
        %add3A_340 = arith.addf %while3A_298, %select_n3A_339 : vector<16xf32>
        %add3A_341 = arith.constant 48 : i32
        %add3A_342 = arith.addi %mul3A_302, %add3A_341 : i32
        %get3A_343 = arith.index_cast %add3A_342 : i32 to index
        %get3A_344 = tpu.vector_load %arg5[%get3A_343] {strides = array<i32>} : memref<33024xf32, #tpu.memory_space<vmem>>, vector<16xf32>,
        %get3A_345 = vector.shape_cast %get3A_344 : vector<16xf32> to vector<16xf32>
        %gt3A_346 = arith.cmpf ogt, %get3A_345, %scan3A_231#0 : vector<16xf32>
        %jit3A_347 = arith.constant 0.000000e+00 : f32
        %broadcast_in_dim3A_348 = vector.broadcast %jit3A_347 : f32 to vector<16xf32>
        %select_n3A_349 = arith.select %gt3A_346, %get3A_345, %broadcast_in_dim3A_348 : vector<16xi1>, vector<16xf32>
        %add3A_350 = arith.addf %while3A_299, %select_n3A_349 : vector<16xf32>
        %jit3A_351 = arith.constant 0.000000e+00 : f32
        %broadcast_in_dim3A_352 = vector.broadcast %jit3A_351 : f32 to vector<16xf32>
        %select_n3A_353 = arith.select %gt3A_346, %broadcast_in_dim3A_14, %broadcast_in_dim3A_352 : vector<16xi1>, vector<16xf32>
        %add3A_354 = arith.addf %while3A_300, %select_n3A_353 : vector<16xf32>
        scf.yield %add3A_308, %add3A_312, %add3A_322, %add3A_326, %add3A_336, %add3A_340, %add3A_350, %add3A_354 : vector<16xf32>, vector<16xf32>, vector<16xf32>, vector<16xf32>, vector<16xf32>, vector<16xf32>, vector<16xf32>, vector<16xf32>
      }
      %add3A_244 = arith.addf %while3A_243#0, %while3A_243#2 : vector<16xf32>
      %add3A_245 = arith.addf %while3A_243#4, %while3A_243#6 : vector<16xf32>
      %add3A_246 = arith.addf %add3A_244, %add3A_245 : vector<16xf32>
      %broadcast_in_dim3A_247 = vector.shape_cast %xor3A_2 : vector<16xi32> to vector<16x1xi32>
      %gather3A_248 = vector.shape_cast %broadcast_in_dim3A_247 : vector<16x1xi32> to vector<16xi32>
      %gather3A_249 = tpu.dynamic_gather %add3A_246[%gather3A_248] in [0] : vector<16xf32>, vector<16xi32> -> vector<16xf32>
      %add3A_250 = arith.addf %add3A_246, %gather3A_249 : vector<16xf32>
      %broadcast_in_dim3A_251 = vector.shape_cast %xor3A_5 : vector<16xi32> to vector<16x1xi32>
      %gather3A_252 = vector.shape_cast %broadcast_in_dim3A_251 : vector<16x1xi32> to vector<16xi32>
      %gather3A_253 = tpu.dynamic_gather %add3A_250[%gather3A_252] in [0] : vector<16xf32>, vector<16xi32> -> vector<16xf32>
      %add3A_254 = arith.addf %add3A_250, %gather3A_253 : vector<16xf32>
      %broadcast_in_dim3A_255 = vector.shape_cast %xor3A_8 : vector<16xi32> to vector<16x1xi32>
      %gather3A_256 = vector.shape_cast %broadcast_in_dim3A_255 : vector<16x1xi32> to vector<16xi32>
      %gather3A_257 = tpu.dynamic_gather %add3A_254[%gather3A_256] in [0] : vector<16xf32>, vector<16xi32> -> vector<16xf32>
      %add3A_258 = arith.addf %add3A_254, %gather3A_257 : vector<16xf32>
      %broadcast_in_dim3A_259 = vector.shape_cast %xor3A_11 : vector<16xi32> to vector<16x1xi32>
      %gather3A_260 = vector.shape_cast %broadcast_in_dim3A_259 : vector<16x1xi32> to vector<16xi32>
      %gather3A_261 = tpu.dynamic_gather %add3A_258[%gather3A_260] in [0] : vector<16xf32>, vector<16xi32> -> vector<16xf32>
      %add3A_262 = arith.addf %add3A_258, %gather3A_261 : vector<16xf32>
      %add3A_263 = arith.addf %while3A_243#1, %while3A_243#3 : vector<16xf32>
      %add3A_264 = arith.addf %while3A_243#5, %while3A_243#7 : vector<16xf32>
      %add3A_265 = arith.addf %add3A_263, %add3A_264 : vector<16xf32>
      %broadcast_in_dim3A_266 = vector.shape_cast %xor3A_2 : vector<16xi32> to vector<16x1xi32>
      %gather3A_267 = vector.shape_cast %broadcast_in_dim3A_266 : vector<16x1xi32> to vector<16xi32>
      %gather3A_268 = tpu.dynamic_gather %add3A_265[%gather3A_267] in [0] : vector<16xf32>, vector<16xi32> -> vector<16xf32>
      %add3A_269 = arith.addf %add3A_265, %gather3A_268 : vector<16xf32>
      %broadcast_in_dim3A_270 = vector.shape_cast %xor3A_5 : vector<16xi32> to vector<16x1xi32>
      %gather3A_271 = vector.shape_cast %broadcast_in_dim3A_270 : vector<16x1xi32> to vector<16xi32>
      %gather3A_272 = tpu.dynamic_gather %add3A_269[%gather3A_271] in [0] : vector<16xf32>, vector<16xi32> -> vector<16xf32>
      %add3A_273 = arith.addf %add3A_269, %gather3A_272 : vector<16xf32>
      %broadcast_in_dim3A_274 = vector.shape_cast %xor3A_8 : vector<16xi32> to vector<16x1xi32>
      %gather3A_275 = vector.shape_cast %broadcast_in_dim3A_274 : vector<16x1xi32> to vector<16xi32>
      %gather3A_276 = tpu.dynamic_gather %add3A_273[%gather3A_275] in [0] : vector<16xf32>, vector<16xi32> -> vector<16xf32>
      %add3A_277 = arith.addf %add3A_273, %gather3A_276 : vector<16xf32>
      %broadcast_in_dim3A_278 = vector.shape_cast %xor3A_11 : vector<16xi32> to vector<16x1xi32>
      %gather3A_279 = vector.shape_cast %broadcast_in_dim3A_278 : vector<16x1xi32> to vector<16xi32>
      %gather3A_280 = tpu.dynamic_gather %add3A_277[%gather3A_279] in [0] : vector<16xf32>, vector<16xi32> -> vector<16xf32>
      %add3A_281 = arith.addf %add3A_277, %gather3A_280 : vector<16xf32>
      %sub3A_282 = arith.constant 1.000000e+00 : f32
      %sub3A_283 = vector.broadcast %sub3A_282 : f32 to vector<16xf32>
      %sub3A_284 = arith.subf %add3A_262, %sub3A_283 : vector<16xf32>
      %max3A_285 = arith.maximumf %add3A_281, %broadcast_in_dim3A_14 : vector<16xf32>
      %div3A = arith.divf %sub3A_284, %max3A_285 : vector<16xf32>
      %scan3A_286 = arith.constant 0 : i32
      %scan3A_287 = arith.constant 0 : i32
      %scan3A_288 = arith.constant 256 : i32
      %scan3A_289 = arith.addi %scan3A_287, %scan3A_288 : i32
      %scan3A_290 = arith.constant 1 : i32
      scf.for %scan3A_292 = %scan3A_287 to %scan3A_289 step %scan3A_290  : i32 {
        %mul3A_293 = arith.constant 128 : i32
        %mul3A_294 = arith.muli %scan3A_292, %mul3A_293 : i32
        %add3A_295 = arith.constant 0 : i32
        %add3A_296 = arith.addi %mul3A_294, %add3A_295 : i32
        %get3A = arith.index_cast %add3A_296 : i32 to index
        %get3A_297 = tpu.vector_load %arg4[%get3A] {strides = array<i32>} : memref<32768xf32, #tpu.memory_space<vmem>>, vector<16xf32>,
        %get3A_298 = vector.shape_cast %get3A_297 : vector<16xf32> to vector<16xf32>
        %sub3A_299 = arith.subf %get3A_298, %div3A : vector<16xf32>
        %max3A_300 = arith.constant 0.000000e+00 : f32
        %max3A_301 = vector.broadcast %max3A_300 : f32 to vector<16xf32>
        %max3A_302 = arith.maximumf %sub3A_299, %max3A_301 : vector<16xf32>
        %swap3A_303 = arith.index_cast %add3A_296 : i32 to index
        %swap3A_304 = tpu.vector_load %arg4[%swap3A_303] {strides = array<i32>} : memref<32768xf32, #tpu.memory_space<vmem>>, vector<16xf32>,
        %swap3A_305 = vector.shape_cast %swap3A_304 : vector<16xf32> to vector<16xf32>
        %swap3A_306 = vector.shape_cast %max3A_302 : vector<16xf32> to vector<16xf32>
        tpu.vector_store %arg4[%swap3A_303], %swap3A_306 {strides = array<i32>} : memref<32768xf32, #tpu.memory_space<vmem>>, vector<16xf32>,
        %add3A_307 = arith.constant 16 : i32
        %add3A_308 = arith.addi %mul3A_294, %add3A_307 : i32
        %get3A_309 = arith.index_cast %add3A_308 : i32 to index
        %get3A_310 = tpu.vector_load %arg4[%get3A_309] {strides = array<i32>} : memref<32768xf32, #tpu.memory_space<vmem>>, vector<16xf32>,
        %get3A_311 = vector.shape_cast %get3A_310 : vector<16xf32> to vector<16xf32>
        %sub3A_312 = arith.subf %get3A_311, %div3A : vector<16xf32>
        %max3A_313 = arith.constant 0.000000e+00 : f32
        %max3A_314 = vector.broadcast %max3A_313 : f32 to vector<16xf32>
        %max3A_315 = arith.maximumf %sub3A_312, %max3A_314 : vector<16xf32>
        %swap3A_316 = arith.index_cast %add3A_308 : i32 to index
        %swap3A_317 = tpu.vector_load %arg4[%swap3A_316] {strides = array<i32>} : memref<32768xf32, #tpu.memory_space<vmem>>, vector<16xf32>,
        %swap3A_318 = vector.shape_cast %swap3A_317 : vector<16xf32> to vector<16xf32>
        %swap3A_319 = vector.shape_cast %max3A_315 : vector<16xf32> to vector<16xf32>
        tpu.vector_store %arg4[%swap3A_316], %swap3A_319 {strides = array<i32>} : memref<32768xf32, #tpu.memory_space<vmem>>, vector<16xf32>,
        %add3A_320 = arith.constant 32 : i32
        %add3A_321 = arith.addi %mul3A_294, %add3A_320 : i32
        %get3A_322 = arith.index_cast %add3A_321 : i32 to index
        %get3A_323 = tpu.vector_load %arg4[%get3A_322] {strides = array<i32>} : memref<32768xf32, #tpu.memory_space<vmem>>, vector<16xf32>,
        %get3A_324 = vector.shape_cast %get3A_323 : vector<16xf32> to vector<16xf32>
        %sub3A_325 = arith.subf %get3A_324, %div3A : vector<16xf32>
        %max3A_326 = arith.constant 0.000000e+00 : f32
        %max3A_327 = vector.broadcast %max3A_326 : f32 to vector<16xf32>
        %max3A_328 = arith.maximumf %sub3A_325, %max3A_327 : vector<16xf32>
        %swap3A_329 = arith.index_cast %add3A_321 : i32 to index
        %swap3A_330 = tpu.vector_load %arg4[%swap3A_329] {strides = array<i32>} : memref<32768xf32, #tpu.memory_space<vmem>>, vector<16xf32>,
        %swap3A_331 = vector.shape_cast %swap3A_330 : vector<16xf32> to vector<16xf32>
        %swap3A_332 = vector.shape_cast %max3A_328 : vector<16xf32> to vector<16xf32>
        tpu.vector_store %arg4[%swap3A_329], %swap3A_332 {strides = array<i32>} : memref<32768xf32, #tpu.memory_space<vmem>>, vector<16xf32>,
        %add3A_333 = arith.constant 48 : i32
        %add3A_334 = arith.addi %mul3A_294, %add3A_333 : i32
        %get3A_335 = arith.index_cast %add3A_334 : i32 to index
        %get3A_336 = tpu.vector_load %arg4[%get3A_335] {strides = array<i32>} : memref<32768xf32, #tpu.memory_space<vmem>>, vector<16xf32>,
        %get3A_337 = vector.shape_cast %get3A_336 : vector<16xf32> to vector<16xf32>
        %sub3A_338 = arith.subf %get3A_337, %div3A : vector<16xf32>
        %max3A_339 = arith.constant 0.000000e+00 : f32
        %max3A_340 = vector.broadcast %max3A_339 : f32 to vector<16xf32>
        %max3A_341 = arith.maximumf %sub3A_338, %max3A_340 : vector<16xf32>
        %swap3A_342 = arith.index_cast %add3A_334 : i32 to index
        %swap3A_343 = tpu.vector_load %arg4[%swap3A_342] {strides = array<i32>} : memref<32768xf32, #tpu.memory_space<vmem>>, vector<16xf32>,
        %swap3A_344 = vector.shape_cast %swap3A_343 : vector<16xf32> to vector<16xf32>
        %swap3A_345 = vector.shape_cast %max3A_341 : vector<16xf32> to vector<16xf32>
        tpu.vector_store %arg4[%swap3A_342], %swap3A_345 {strides = array<i32>} : memref<32768xf32, #tpu.memory_space<vmem>>, vector<16xf32>,
        %add3A_346 = arith.constant 64 : i32
        %add3A_347 = arith.addi %mul3A_294, %add3A_346 : i32
        %get3A_348 = arith.index_cast %add3A_347 : i32 to index
        %get3A_349 = tpu.vector_load %arg4[%get3A_348] {strides = array<i32>} : memref<32768xf32, #tpu.memory_space<vmem>>, vector<16xf32>,
        %get3A_350 = vector.shape_cast %get3A_349 : vector<16xf32> to vector<16xf32>
        %sub3A_351 = arith.subf %get3A_350, %div3A : vector<16xf32>
        %max3A_352 = arith.constant 0.000000e+00 : f32
        %max3A_353 = vector.broadcast %max3A_352 : f32 to vector<16xf32>
        %max3A_354 = arith.maximumf %sub3A_351, %max3A_353 : vector<16xf32>
        %swap3A_355 = arith.index_cast %add3A_347 : i32 to index
        %swap3A_356 = tpu.vector_load %arg4[%swap3A_355] {strides = array<i32>} : memref<32768xf32, #tpu.memory_space<vmem>>, vector<16xf32>,
        %swap3A_357 = vector.shape_cast %swap3A_356 : vector<16xf32> to vector<16xf32>
        %swap3A_358 = vector.shape_cast %max3A_354 : vector<16xf32> to vector<16xf32>
        tpu.vector_store %arg4[%swap3A_355], %swap3A_358 {strides = array<i32>} : memref<32768xf32, #tpu.memory_space<vmem>>, vector<16xf32>,
        %add3A_359 = arith.constant 80 : i32
        %add3A_360 = arith.addi %mul3A_294, %add3A_359 : i32
        %get3A_361 = arith.index_cast %add3A_360 : i32 to index
        %get3A_362 = tpu.vector_load %arg4[%get3A_361] {strides = array<i32>} : memref<32768xf32, #tpu.memory_space<vmem>>, vector<16xf32>,
        %get3A_363 = vector.shape_cast %get3A_362 : vector<16xf32> to vector<16xf32>
        %sub3A_364 = arith.subf %get3A_363, %div3A : vector<16xf32>
        %max3A_365 = arith.constant 0.000000e+00 : f32
        %max3A_366 = vector.broadcast %max3A_365 : f32 to vector<16xf32>
        %max3A_367 = arith.maximumf %sub3A_364, %max3A_366 : vector<16xf32>
        %swap3A_368 = arith.index_cast %add3A_360 : i32 to index
        %swap3A_369 = tpu.vector_load %arg4[%swap3A_368] {strides = array<i32>} : memref<32768xf32, #tpu.memory_space<vmem>>, vector<16xf32>,
        %swap3A_370 = vector.shape_cast %swap3A_369 : vector<16xf32> to vector<16xf32>
        %swap3A_371 = vector.shape_cast %max3A_367 : vector<16xf32> to vector<16xf32>
        tpu.vector_store %arg4[%swap3A_368], %swap3A_371 {strides = array<i32>} : memref<32768xf32, #tpu.memory_space<vmem>>, vector<16xf32>,
        %add3A_372 = arith.constant 96 : i32
        %add3A_373 = arith.addi %mul3A_294, %add3A_372 : i32
        %get3A_374 = arith.index_cast %add3A_373 : i32 to index
        %get3A_375 = tpu.vector_load %arg4[%get3A_374] {strides = array<i32>} : memref<32768xf32, #tpu.memory_space<vmem>>, vector<16xf32>,
        %get3A_376 = vector.shape_cast %get3A_375 : vector<16xf32> to vector<16xf32>
        %sub3A_377 = arith.subf %get3A_376, %div3A : vector<16xf32>
        %max3A_378 = arith.constant 0.000000e+00 : f32
        %max3A_379 = vector.broadcast %max3A_378 : f32 to vector<16xf32>
        %max3A_380 = arith.maximumf %sub3A_377, %max3A_379 : vector<16xf32>
        %swap3A_381 = arith.index_cast %add3A_373 : i32 to index
        %swap3A_382 = tpu.vector_load %arg4[%swap3A_381] {strides = array<i32>} : memref<32768xf32, #tpu.memory_space<vmem>>, vector<16xf32>,
        %swap3A_383 = vector.shape_cast %swap3A_382 : vector<16xf32> to vector<16xf32>
        %swap3A_384 = vector.shape_cast %max3A_380 : vector<16xf32> to vector<16xf32>
        tpu.vector_store %arg4[%swap3A_381], %swap3A_384 {strides = array<i32>} : memref<32768xf32, #tpu.memory_space<vmem>>, vector<16xf32>,
        %add3A_385 = arith.constant 112 : i32
        %add3A_386 = arith.addi %mul3A_294, %add3A_385 : i32
        %get3A_387 = arith.index_cast %add3A_386 : i32 to index
        %get3A_388 = tpu.vector_load %arg4[%get3A_387] {strides = array<i32>} : memref<32768xf32, #tpu.memory_space<vmem>>, vector<16xf32>,
        %get3A_389 = vector.shape_cast %get3A_388 : vector<16xf32> to vector<16xf32>
        %sub3A_390 = arith.subf %get3A_389, %div3A : vector<16xf32>
        %max3A_391 = arith.constant 0.000000e+00 : f32
        %max3A_392 = vector.broadcast %max3A_391 : f32 to vector<16xf32>
        %max3A_393 = arith.maximumf %sub3A_390, %max3A_392 : vector<16xf32>
        %swap3A_394 = arith.index_cast %add3A_386 : i32 to index
        %swap3A_395 = tpu.vector_load %arg4[%swap3A_394] {strides = array<i32>} : memref<32768xf32, #tpu.memory_space<vmem>>, vector<16xf32>,
        %swap3A_396 = vector.shape_cast %swap3A_395 : vector<16xf32> to vector<16xf32>
        %swap3A_397 = vector.shape_cast %max3A_393 : vector<16xf32> to vector<16xf32>
        tpu.vector_store %arg4[%swap3A_394], %swap3A_397 {strides = array<i32>} : memref<32768xf32, #tpu.memory_space<vmem>>, vector<16xf32>,
      }
      %scan3A_291 = arith.constant 256 : i32
      "tpu.region"() ({
        %run_scoped3A = tpu.sem_alloc : memref<!tpu.dma_semaphore, #tpu.memory_space<semaphore_mem>>
        %dma_start3A = arith.constant 0 : i32
        %dma_start3A_292 = tpu.memref_slice %arg3[%add3A_29, %dma_start3A] : memref<128x32768xf32, #tpu.memory_space<hbm>> -> memref<1x32768xf32, #tpu.memory_space<hbm>>
        %dma_start3A_293 = tpu.memref_squeeze %dma_start3A_292 : memref<1x32768xf32, #tpu.memory_space<hbm>> -> memref<32768xf32, #tpu.memory_space<hbm>>
        %dma_start3A_294 = arith.constant 0 : i32
        %dma_start3A_295 = tpu.memref_slice %arg3[%add3A_29, %dma_start3A_294] : memref<128x32768xf32, #tpu.memory_space<hbm>> -> memref<1x32768xf32, #tpu.memory_space<hbm>>
        %dma_start3A_296 = tpu.memref_squeeze %dma_start3A_295 : memref<1x32768xf32, #tpu.memory_space<hbm>> -> memref<32768xf32, #tpu.memory_space<hbm>>
        tpu.enqueue_dma source(%arg4 : memref<32768xf32, #tpu.memory_space<vmem>>) target(%dma_start3A_296 : memref<32768xf32, #tpu.memory_space<hbm>>) target_semaphore(%run_scoped3A : memref<!tpu.dma_semaphore, #tpu.memory_space<semaphore_mem>>)
        %dma_wait3A = arith.constant 0 : i32
        %dma_wait3A_297 = tpu.memref_slice %arg3[%add3A_29, %dma_wait3A] : memref<128x32768xf32, #tpu.memory_space<hbm>> -> memref<1x32768xf32, #tpu.memory_space<hbm>>
        %dma_wait3A_298 = tpu.memref_squeeze %dma_wait3A_297 : memref<1x32768xf32, #tpu.memory_space<hbm>> -> memref<32768xf32, #tpu.memory_space<hbm>>
        %dma_wait3A_299 = arith.constant 0 : i32
        %dma_wait3A_300 = tpu.memref_slice %arg3[%add3A_29, %dma_wait3A_299] : memref<128x32768xf32, #tpu.memory_space<hbm>> -> memref<1x32768xf32, #tpu.memory_space<hbm>>
        %dma_wait3A_301 = tpu.memref_squeeze %dma_wait3A_300 : memref<1x32768xf32, #tpu.memory_space<hbm>> -> memref<32768xf32, #tpu.memory_space<hbm>>
        tpu.wait_dma2 semaphore(%run_scoped3A : memref<!tpu.dma_semaphore, #tpu.memory_space<semaphore_mem>>) src(%arg4 : memref<32768xf32, #tpu.memory_space<vmem>>) dst(%dma_wait3A_301 : memref<32768xf32, #tpu.memory_space<hbm>>)
        tpu.yield
      }) : () -> ()
    }
    %scan3A_25 = arith.constant 4 : i32
    return
  }
}

</mosaic_0001>

<sc_bundles>
// kernel: kernel.3.cloned.1.call-start
scs
__scs_entry_jumppad:
0x0: {  	(pc) =	sbr.rel $0x88, $3  }
0x1: {  	(tag) =	ssettag $0x0;
	lr =	simm.s32 $0x1  }
0x2: {  	[smem:$0x3FA0] =	sst lr;
	_ =	strace $0xD0000000  }
0x3: {  	_ = 	snop  }
0x4: {  	_ = 	snop  }
0x5: {  	_ = 	snop  }
0x6: {  	_ = 	snop  }
0x7: {  	_ = 	snop  }
__scs_overlays_trampoline_lowered:
0x8: {  	[smem:$0x3FAF] =	sst s0  }
0x9: {  	[smem:$0x3FB0] =	sst s1  }
0xa: {  	[smem:$0x3FB1] =	sst s2  }
0xb: {  	[smem:$0x3FB2] =	sst s3  }
0xc: {  	[smem:$0x3FB3] =	sst s4  }
0xd: {  	[smem:$0x3FB4] =	sst s5  }
0xe: {  	[smem:$0x3FB5] =	sst s6  }
0xf: {  	[smem:$0x3FB6] =	sst s7  }
0x10: {  	[smem:$0x3FB7] =	sst s8  }
0x11: {  	[smem:$0x3FB8] =	sst s9;
	s0 =	simm.s32 @!p0 $0x0  }
0x12: {  	s1 =	sld [smem:$0x3F9E];
	s0 =	simm.s32 @p0 $0x1  }
0x13: {  	[smem:$0x3FB9] =	sst s0;
	s0 =	simm.s32 @!p1 $0x0  }
0x14: {  	s2 =	sld [smem:$0x3F9D];
	s0 =	simm.s32 @p1 $0x1  }
0x15: {  	[smem:$0x3FBA] =	sst s0;
	s0 =	simm.s32 @!p2 $0x0  }
0x16: {  	s3 =	sld [smem:$0x3FDB];
	s0 =	simm.s32 @p2 $0x1  }
0x17: {  	s4 =	simm.s32 $0x1BF5;
	[smem:$0x3FBC] =	sst s0  }
0x18: {  	s0 =	sld [smem:$0x3F9F];
	_ =	swait.ge [sflag:s4], $0x0  }
0x19: {  	s7 =	sld [smem:$0x3FA0]  }
0x1a: {  	s8 =	sadd.s32 $0xFFFFE003, lr  }
0x1b: {  	s9 =	sadd.s32 $0xFFFFFEF7, lr;
	s5 =	simm.s32 $0xFFFFFFFF;
	p2 =	slt.u32 s8, $0xFFFFF086  }
0x1c: {  	p1 =	slt.u32 s9, $0xF7A;
	s5 =	simm.s32 @!p2 $0x0  }
0x1d: {  	s5 =	simm.s32 @p1 $0x1;
	p0 =	seq.s32 s7, s2  }
0x1e: {  	s7 =	smul.u32 @!p0 $0xF7A, s2;
	p2 =	seq.s32 @!p0 s5, $0x0  }
0x1f: {  	s9 =	smul.u32 $0xF7A, s1;
	s8 =	simm.s32 @!p0 $0x1BF5;
	p2 =	por !p2, p0  }
0x20: {  	[sflag:s8] =	ssyncset.s32 @!p0 $0xFFFFF086;
	s6 =	sadd.s32 @!p0 s3, s7;
	s7 =	simm.s32 @!p0 $0x108  }
0x21: {  	s3 =	sadd.s32 s3, s9;
	s6 =	sadd.s32 @!p0 $0x88, s6;
	s7 =	simm.s32 @p2 $0x1082  }
0x22: {  	[simem:s7], [sflag:s8] =	dma.local @!p0 [hbm:s6], $0xF7A  }
0x23: {  	s9 =	sor.u32 $0xD0000000, s2;
	s6 =	simm.s32 $0x108;
	_ =	swait.ge @!p0 [sflag:s8], $0x0  }
0x24: {  	s3 =	sadd.s32 $0x88, s3;
	s6 =	simm.s32 @!p1 $0x1082;
	[sflag:s4] =	ssyncset.s32 $0xFFFFF086  }
0x25: {  	[simem:s6], [sflag:s4] =	dma.local [hbm:s3], $0xF7A  }
0x26: {  	[smem:$0x3FA0] =	sst s1;
	(tag) =	ssettag s2;
	_ =	strace s9  }
0x27: {  	s1 =	sld [smem:$0x3FB0]  }
0x28: {  	s2 =	sld [smem:$0x3FB1]  }
0x29: {  	s4 =	sld [smem:$0x3FB3]  }
0x2a: {  	p0 =	seq.s32 s5, $0x0;
	s5 =	sld [smem:$0x3FB4]  }
0x2b: {  	s6 =	sld [smem:$0x3FB5]  }
0x2c: {  	s7 =	sld [smem:$0x3FB6]  }
0x2d: {  	s3 =	simm.s32 $0x108;
	s8 =	sld [smem:$0x3FB7]  }
0x2e: {  	s3 =	simm.s32 @!p0 $0x1082;
	s9 =	sld [smem:$0x3FB8]  }
0x2f: {  	lr =	sadd.s32 s0, s3;
	s0 =	sld [smem:$0x3FAF]  }
0x30: {  	s3 =	sld [smem:$0x3FB2]  }
0x31: {  	[smem:$0x3FBB] =	sst s10  }
0x32: {  	s10 =	sld [smem:$0x3FB9];
	_ =	sdelay $0x3  }
0x33: {  	p0 =	seq.s32 s10, $0x1;
	s10 =	sld [smem:$0x3FBB];
	_ =	sdelay $0x3  }
0x34: {  	[smem:$0x3FBB] =	sst s10  }
0x35: {  	s10 =	sld [smem:$0x3FBA];
	_ =	sdelay $0x3  }
0x36: {  	p1 =	seq.s32 s10, $0x1;
	s10 =	sld [smem:$0x3FBB];
	_ =	sdelay $0x3  }
0x37: {  	[smem:$0x3FBB] =	sst s10  }
0x38: {  	s10 =	sld [smem:$0x3FBC]  }
0x39: {  	_ = 	snop;
	(pc) =	sbr.ind lr, $3  }
0x3a: {  	_ = 	snop  }
0x3b: {  	_ = 	snop  }
0x3c: {  	p2 =	seq.s32 s10, $0x1;
	s10 =	sld [smem:$0x3FBB]  }
0x3d: {  	_ =	shalt  }
0x3e: {  	_ =	shalt  }
0x3f: {  	_ =	shalt  }
0x40: {  	_ =	shalt  }
0x41: {  	_ =	shalt  }
0x42: {  	_ =	shalt  }
0x43: {  	_ =	shalt  }
0x44: {  	_ =	shalt  }
0x45: {  	_ =	shalt  }
0x46: {  	_ =	shalt  }
0x47: {  	_ =	shalt  }
0x48: {  	_ =	shalt  }
0x49: {  	_ =	shalt  }
0x4a: {  	_ =	shalt  }
0x4b: {  	_ =	shalt  }
0x4c: {  	_ =	shalt  }
0x4d: {  	_ =	shalt  }
0x4e: {  	_ =	shalt  }
0x4f: {  	_ =	shalt  }
0x50: {  	_ =	shalt  }
0x51: {  	_ =	shalt  }
0x52: {  	_ =	shalt  }
0x53: {  	_ =	shalt  }
0x54: {  	_ =	shalt  }
0x55: {  	_ =	shalt  }
0x56: {  	_ =	shalt  }
0x57: {  	_ =	shalt  }
0x58: {  	_ =	shalt  }
0x59: {  	_ =	shalt  }
0x5a: {  	_ =	shalt  }
0x5b: {  	_ =	shalt  }
0x5c: {  	_ =	shalt  }
0x5d: {  	_ =	shalt  }
0x5e: {  	_ =	shalt  }
0x5f: {  	_ =	shalt  }
0x60: {  	_ =	shalt  }
0x61: {  	_ =	shalt  }
0x62: {  	_ =	shalt  }
0x63: {  	_ =	shalt  }
0x64: {  	_ =	shalt  }
0x65: {  	_ =	shalt  }
0x66: {  	_ =	shalt  }
0x67: {  	_ =	shalt  }
0x68: {  	_ =	shalt  }
0x69: {  	_ =	shalt  }
0x6a: {  	_ =	shalt  }
0x6b: {  	_ =	shalt  }
0x6c: {  	_ =	shalt  }
0x6d: {  	_ =	shalt  }
0x6e: {  	_ =	shalt  }
0x6f: {  	_ =	shalt  }
0x70: {  	_ =	shalt  }
0x71: {  	_ =	shalt  }
0x72: {  	_ =	shalt  }
0x73: {  	_ =	shalt  }
0x74: {  	_ =	shalt  }
0x75: {  	_ =	shalt  }
0x76: {  	_ =	shalt  }
0x77: {  	_ =	shalt  }
0x78: {  	_ =	shalt  }
0x79: {  	_ =	shalt  }
0x7a: {  	_ =	shalt  }
0x7b: {  	_ =	shalt  }
0x7c: {  	_ =	shalt  }
0x7d: {  	_ =	shalt  }
0x7e: {  	_ =	shalt  }
0x7f: {  	_ =	shalt  }
0x80: {  	_ =	shalt  }
0x81: {  	_ =	shalt  }
0x82: {  	_ =	shalt  }
0x83: {  	_ =	shalt  }
0x84: {  	_ =	shalt  }
0x85: {  	_ =	shalt  }
0x86: {  	_ =	shalt  }
0x87: {  	_ =	shalt  }
.Lfunc_end0:
.L_simem_size_0:
called_computation_lowered:
.L_overlay_start_0:
0x88: {  	s2 =	sld [smem:$0x3FD9]  }
0x89: {  	s3 =	sld [smem:$0x3FFE];
	_ =	sdelay $0x1  }
0x8a: {  	s1 =	srdreg.scid  }
0x8b: {  	s0 =	sand.u32 $0x1, s1  }
0x8c: {  	s18 =	sshll.u32 s0, $0xA;
	s2 =	sadd.s32 s3, s2  }
0x8d: {  	s2 =	sadd.s32 s2, s18  }
0x8e: {  	[smem:$0x3FC7] =	sst s2  }
0x8f: {  	_ = 	snop  }
0x90: {  	s2 =	sld [smem:$0x3FC9]  }
0x91: {  	s19 =	sld [smem:$0x3FD0];
	(tm) =	ssettm $0x1  }
0x92: {  	s4 =	sld [smem:$0x3FFB];
	_ =	sdelay $0x3  }
0x93: {  	_ =	strace s4  }
0x94: {  	s4 =	sld [smem:$0x3FFC];
	_ =	sdelay $0x3  }
0x95: {  	_ =	strace s4  }
0x96: {  	s4 =	sld [smem:$0x3FFD];
	_ =	sdelay $0x3  }
0x97: {  	_ =	strace s4  }
0x98: {  	_ =	strace $0x8FFFFFFF  }
0x99: {  	s20 =	sld [smem:$0x3FDB];
	_ =	sdelay $0x1  }
0x9a: {  	s5 =	simm.s32 $_scs_section_size  }
0x9b: {  	s6 =	simm.s32 $_size__tile_overlayer_lowered;
	s7 =	simm.s32 $_tile_overlayer_lowered  }
0x9c: {  	s23 =	simm.s32 $0x1BFF;
	s22 =	sshll.u32 s7, $0x1;
	s4 =	sadd.s32 s5, s20  }
0x9d: {  	s8 =	simm.s32 $0x0;
	s21 =	sshll.u32 s6, $0x1;
	s6 =	sadd.s32 s22, s4  }
0x9e: {  	[timem:s8], [sflag:s23] =	dma.local [hbm:s6], s21  }
0x9f: {  	_ =	swait.ge [sflag:s23], s21  }
0xa0: {  	s5 =	ssub.s32 $0x0, s21;
	[sflag:s23] =	ssyncset.done $0x0  }
0xa1: {  	[sflag:s23] =	ssyncadd.s32 s5;
	_ =	sdelay $0x1  }
0xa2: {  	s24 =	simm.s32 $0x1B8B  }
0xa3: {  	_ =	swait.ge [sflag:s24], $0x1  }
0xa4: {  	[sflag:s24] =	ssyncset.done $0x0  }
0xa5: {  	s25 =	simm.s32 $0x1B8E;
	[sflag:s24] =	ssyncadd.s32 $0xFFFFFFFF  }
0xa6: {  	s26 =	simm.s32 $execute0_lowered;
	[smem:$0x3FD2] =	sst s25  }
0xa7: {  	s5 =	sshll.u32 s26, $0x1;
	_ =	strace $0x80000046;
	[dreg:$0x1] =	wrdreg $0xFFFFFFFF  }
0xa8: {  	s28 =	simm.s32 $_size_execute0_lowered;
	s4 =	sadd.s32 s4, s5;
	[dreg:$0x0] =	wrdreg $0x0  }
0xa9: {  	s5 =	sshll.u32 s28, $0x1;
	[dreg:$0x2] =	wrdreg s4  }
0xaa: {  	[dreg:$0x3] =	wrdreg s5  }
0xab: {  	[dreg:$0x4] =	wrdreg $0xC0  }
0xac: {  	_ =	task [dreg:s8], $0x5FFFF  }
0xad: {  	[dreg:$0x1] =	wrdreg $0xFFFFFFFF  }
0xae: {  	[dreg:$0x0] =	wrdreg $0x60  }
0xaf: {  	[dreg:$0x2] =	wrdreg s2  }
0xb0: {  	[dreg:$0x3] =	wrdreg s19  }
0xb1: {  	[dreg:$0x4] =	wrdreg $0x9  }
0xb2: {  	_ =	task.clear_ibuf [dreg:s8], $0x5FFFF;
	_ =	strace $0x90000046  }
0xb3: {  	s29 =	simm.s32 $0x9;
	_ =	strace $0x80000048  }
0xb4: {  	_ =	swait.ge [sflag:s29], $0x1  }
0xb5: {  	[sflag:s29] =	ssyncadd.s32 $0xFFFFFFFF  }
0xb6: {  	_ =	strace $0x90000048  }
0xb7: {  	_ =	sfence  }
0xb8: {  	s30 =	sld [smem:$0x0];
	_ =	sdelay $0x2  }
0xb9: {  	s31 =	sshll.u32 s1, $0xD;
	s1 =	sshrl.u32 s1, $0x2  }
0xba: {  	s3 =	sand.u32 $0x4000, s31;
	s1 =	sadd.s32 s1, s30  }
0xbb: {  	s0 =	sor.u32 s3, s0;
	s1 =	sshll.u32 s1, $0x11  }
0xbc: {  	s0 =	sor.u32 s1, s0  }
0xbd: {  	s0 =	sadd.s32 $0x8F2B, s0  }
0xbe: {  	[sflag:s0] =	ssyncadd.remote.s32 $0x1  }
0xbf: {  	_ =	sfence.sel $0xFFFF  }
0xc0: {  	[dreg:$0x0] =	wrdreg $0xFFFFFFFF;
	(pc) =	sbr.abs _section_cstart, $3  }
0xc1: {  	[dreg:$0x1] =	wrdreg $0xFFFFFFFF  }
0xc2: {  	_ =	task.clear_ibuf [dreg:s8], $0x2FFFF;
	_ =	strace $0x9FFFFFFF  }
0xc3: {  	(tm) =	ssettm $0x7FFFFFFF  }
tec
execute0_lowered:
.L_overlay_start_1:
0x0: {  	(tag) =	ssettag $0x1  }
0x1: {  	v0 =	vimm.s32 $0xEFCDAB89;
	v1 =	vimm.s32 $0x67452301  }
0x2: {  	v2 =	vimm.s32 $0xDCFE98BA;
	v3 =	vimm.s32 $0x54761032;
	v4 =	vimm.s32 $0xBA98FEDC  }
0x3: {  	v5 =	vimm.s32 $0xFEDCBA98;
	v6 =	vimm.s32 $0x32107654;
	v7 =	vimm.s32 $0x76543210  }
0x4: {  	v0 =	vunpack.c.l.s4.s8 v0;
	v1 =	vunpack.c.l.s4.s8 v1;
	v2 =	vunpack.c.l.s4.s8 v2  }
0x5: {  	v3 =	vunpack.c.l.s4.s8 v3;
	v5 =	vunpack.c.l.s4.s8 v5;
	v4 =	vunpack.c.l.s4.s8 v4  }
0x6: {  	s4 =	srdreg.scid;
	v6 =	vunpack.c.l.s4.s8 v6;
	v7 =	vunpack.c.l.s4.s8 v7;
	v0 =	vunpack.c.0.s8.s32 v0  }
0x7: {  	s0 =	simm.s32 $0x0;
	s29 =	stileid.u32;
	s5 =	sand.u32 $0x1, s4;
	v1 =	vunpack.c.0.s8.s32 v1;
	v2 =	vunpack.c.0.s8.s32 v2;
	v3 =	vunpack.c.0.s8.s32 v3  }
.Ltmp0:
0x8: {  	s8 =	simm.s32 $0x1;
	s6 =	ssub.s32 $0x2, s5;
	v5 =	vunpack.c.0.s8.s32 v5;
	v4 =	vunpack.c.0.s8.s32 v4;
	v6 =	vunpack.c.0.s8.s32 v6;
	(pc) =	sbr.rel .LBB2_1-.Ltmp0, $4  }
0x9: {  	s9 =	simm.s32 $0x80;
	v9 =	vimm.f32 $0.0e+00;
	s1 =	simm.s32 $0x0;
	v7 =	vunpack.c.0.s8.s32 v7;
	s7 =	sshrl.u32 s6, $0x1;
	v0 =	vcombine.low v1, v0  }
0xa: {  	[smem:$0x7FF] =	sst s0;
	s30 =	sshll.u32 s29, $0xF;
	s6 =	ssub.s32 s6, s7;
	v1 =	vcombine.low v3, v2;
	v3 =	vand.u32 $0xF, v5;
	v2 =	vcombine.low v6, v4  }
0xb: {  	_ =	strace $0x80000047;
	s5 =	sshll.u32 s5, $0x6;
	s31 =	smax.u32 s6, $0x1;
	v4 =	vimm.s32 $0x0;
	v5 =	vimm.f32 $-1.000000020e+30;
	v3 =	vcombine.low v3, v7  }
0xc: {  	s5 =	sor.u32 s30, s5;
	s7 =	simm.s32 $0x400;
	[dreg:$0x4] =	wrdreg s31;
	v6 =	vand.u32 $0xF, v0;
	v7 =	vand.u32 $0xF, v1;
	v8 =	vand.u32 $0xF, v2  }
.LBB2_33:
0xd: {  	s1 =	rddreg [dreg:$0x5]  }
0xe: {  	s0 =	rddreg [dreg:$0x4];
	s1 =	sadd.s32 $0x1, s1  }
0xf: {  	p0 =	sne.s32 s1, s0  }
.Ltmp1:
0x10: {  	_ = 	snop;
	(pc) =	sbr.rel @!p0 .LBB2_34-.Ltmp1, $1  }
0x11: {  	_ =	sdelay $0x3  }
.LBB2_1:
0x12: {  	[dreg:$0x5] =	wrdreg s1;
	s11 =	simm.s32 $0x0  }
.LBB2_2:
0x13: {  	s12 =	sshll.u32 s11, $0x4  }
0x14: {  	s0 =	rddreg [dreg:$0x0];
	s12 =	sadd.s32 s5, s12  }
0x15: {  	s14 =	simm.s32 $0x80;
	s13 =	simm.s32 $0x0;
	s15 =	sadd.s32 s0, s12  }
0x16: {  	[tilespmem:s13], [sflag:$0x1] =	stream.strided.gather [hbm4b:s15+s14], $0x8000, s7, s14, $0x38;
	[tilespmem:$0x19180] =	vst v63  }
0x17: {  	_ =	swait.ge [sflag:s8], $0x8000  }
0x18: {  	[sflag:s8] =	ssyncset.done $0x0  }
0x19: {  	[sflag:s8] =	ssyncadd.s32 $0xFFFF8000  }
0x1a: {  	v12 =	vld [tilespmem:s14+$0x10]  }
0x1b: {  	v13 =	vld [tilespmem:s14+$0x20]  }
0x1c: {  	v14 =	vld [tilespmem:s14+$0x30]  }
0x1d: {  	v15 =	vld [tilespmem:s14+$0x40]  }
0x1e: {  	v16 =	vld [tilespmem:s14+$0x50]  }
0x1f: {  	v17 =	vld [tilespmem:s14+$0x60]  }
0x20: {  	v18 =	vld [tilespmem:s14+$0x70]  }
0x21: {  	v10 =	vimm.f32 $-Inf;
	v11 =	vimm.f32 $-Inf;
	s15 =	simm.s32 $0x80;
	v19 =	vld [tilespmem:s14+$0x0]  }
.LBB2_3:
0x22: {  	p0 =	sne.s32 s15, $0x3F80;
	v20 =	vld [tilespmem:s14+$0xFFFFFFF0]  }
0x23: {  	v21 =	vld [tilespmem:s14+$0xFFFFFFC0]  }
0x24: {  	v22 =	vld [tilespmem:s14+$0xFFFFFFD0]  }
0x25: {  	v23 =	vld [tilespmem:s14+$0xFFFFFFA0];
	v17 =	vmax.f32 v17, v18  }
0x26: {  	v13 =	vmax.f32 v13, v14;
	v14 =	vmax.f32 v15, v16;
	v18 =	vld [tilespmem:s14+$0xFFFFFFB0];
	v12 =	vmax.f32 v19, v12  }
0x27: {  	v15 =	vld [tilespmem:s14+$0xFFFFFF80];
	v12 =	vmax.f32 v12, v13;
	v13 =	vmax.f32 v14, v17  }
0x28: {  	s16 =	sshra.s32 s13, $0x2;
	s13 =	smov.u32 s15;
	v14 =	vld [tilespmem:s14+$0xFFFFFF90];
	v12 =	vmax.f32 v12, v13  }
0x29: {  	v13 =	vld [tilespmem:s14+$0xFFFFFFE0];
	[tilespmem:s16+$0x10110] =	vst v12;
	v10 =	vmax.f32 v10, v12;
	_ =	sdelay $0x3  }
0x2a: {  	v12 =	vmax.f32 v15, v14  }
0x2b: {  	v14 =	vmax.f32 v23, v18;
	v15 =	vmax.f32 v21, v22;
	v13 =	vmax.f32 v13, v20  }
0x2c: {  	v12 =	vmax.f32 v12, v14;
	v13 =	vmax.f32 v15, v13  }
0x2d: {  	v12 =	vmax.f32 v12, v13  }
0x2e: {  	s14 =	sadd.s32 $0x100, s14;
	[tilespmem:s16+$0x10100] =	vst v12;
	v11 =	vmax.f32 v11, v12  }
0x2f: {  	v12 =	vld [tilespmem:s14+$0x10]  }
0x30: {  	v13 =	vld [tilespmem:s14+$0x20]  }
0x31: {  	v14 =	vld [tilespmem:s14+$0x30]  }
.Ltmp2:
0x32: {  	v15 =	vld [tilespmem:s14+$0x40];
	(pc) =	sbr.rel @p0 .LBB2_3-.Ltmp2, $4  }
0x33: {  	v16 =	vld [tilespmem:s14+$0x50]  }
0x34: {  	v17 =	vld [tilespmem:s14+$0x60]  }
0x35: {  	v18 =	vld [tilespmem:s14+$0x70]  }
0x36: {  	s15 =	sadd.s32 $0x80, s15;
	v19 =	vld [tilespmem:s14+$0x0]  }
0x37: {  	v20 =	vld [tilespmem:s14+$0xFFFFFFF0]  }
0x38: {  	v21 =	vld [tilespmem:s14+$0xFFFFFFC0]  }
0x39: {  	v22 =	vld [tilespmem:s14+$0xFFFFFFD0]  }
0x3a: {  	v23 =	vld [tilespmem:s14+$0xFFFFFFA0]  }
0x3b: {  	v24 =	vld [tilespmem:s14+$0xFFFFFFB0]  }
0x3c: {  	v25 =	vld [tilespmem:s14+$0xFFFFFF80]  }
0x3d: {  	v26 =	vld [tilespmem:s14+$0xFFFFFF90]  }
0x3e: {  	v27 =	vld [tilespmem:s14+$0xFFFFFFE0];
	_ =	sdelay $0x2  }
0x3f: {  	v13 =	vmax.f32 v13, v14;
	v14 =	vmax.f32 v15, v16;
	v12 =	vmax.f32 v19, v12  }
0x40: {  	v17 =	vmax.f32 v17, v18;
	v12 =	vmax.f32 v12, v13;
	v13 =	vmax.f32 v25, v26  }
0x41: {  	v15 =	vmax.f32 v23, v24;
	v53 =	vmax.f32 v21, v22;
	v54 =	vmax.f32 v27, v20  }
0x42: {  	v14 =	vmax.f32 v14, v17;
	v13 =	vmax.f32 v13, v15;
	v15 =	vmax.f32 v53, v54  }
0x43: {  	v12 =	vmax.f32 v12, v14;
	v13 =	vmax.f32 v13, v15  }
0x44: {  	v10 =	vmax.f32 v10, v12;
	v11 =	vmax.f32 v11, v13  }
0x45: {  	v10 =	vmax.f32 v11, v10  }
0x46: {  	v11 =	vperm.xlane v10, v0;
	_ =	sdelay $0x1  }
0x47: {  	v10 =	vmax.f32 v10, v11  }
0x48: {  	v11 =	vperm.xlane v10, v1;
	_ =	sdelay $0x1  }
0x49: {  	s13 =	sshra.s32 s13, $0x2;
	v10 =	vmax.f32 v10, v11  }
0x4a: {  	[tilespmem:s13+$0x10110] =	vst v12;
	v11 =	vperm.xlane v10, v2  }
0x4b: {  	[tilespmem:s13+$0x10100] =	vst v13;
	s13 =	simm.s32 $0x10180  }
0x4c: {  	v12 =	vld [tilespmem:s13+$0xFFFFFF80];
	v10 =	vmax.f32 v10, v11  }
0x4d: {  	v13 =	vld [tilespmem:s13+$0xFFFFFF90];
	v11 =	vperm.xlane v10, v3;
	_ =	sdelay $0x1  }
0x4e: {  	v14 =	vld [tilespmem:s13+$0xFFFFFFA0];
	v11 =	vmax.f32 v10, v11  }
0x4f: {  	v15 =	vld [tilespmem:s13+$0xFFFFFFB0];
	v10 =	vadd.f32 $-1.000000000e+00, v11;
	_ =	sdelay $0x1  }
0x50: {  	vm0 =	vgt.f32 v12, v10;
	vm1 =	vgt.f32 v13, v10;
	v12 =	vld [tilespmem:s13+$0xFFFFFFC0]  }
0x51: {  	v56 =	vld [tilespmem:s13+$0xFFFFFFD0];
	v13 =	vsel vm1, $0x1, v4;
	v55 =	vsel vm0, $0x2, v4  }
0x52: {  	vm14 =	vgt.f32 v14, v10;
	v13 =	vor.u32 v13, v55  }
0x53: {  	vm15 =	vgt.f32 v15, v10;
	v15 =	vld [tilespmem:s13+$0xFFFFFFE0];
	v14 =	vsel vm14, $0x2, v4;
	v13 =	vshll.u32 v13, $0x2  }
0x54: {  	v57 =	vsel vm15, $0x1, v4;
	v13 =	vor.u32 v14, v13;
	v14 =	vld [tilespmem:s13+$0xFFFFFFF0]  }
0x55: {  	v13 =	vor.u32 v57, v13;
	vm4 =	vgt.f32 v12, v10  }
0x56: {  	v58 =	vld [tilespmem:s13+$0x0];
	vm5 =	vgt.f32 v56, v10;
	v12 =	vshll.u32 v13, $0x2;
	v13 =	vsel vm4, $0x2, v4  }
0x57: {  	v17 =	vsel vm5, $0x1, v4;
	v12 =	vor.u32 v13, v12;
	v13 =	vld [tilespmem:s13+$0x10]  }
0x58: {  	vm6 =	vgt.f32 v15, v10;
	v12 =	vor.u32 v17, v12  }
0x59: {  	v15 =	vld [tilespmem:s13+$0x20];
	vm7 =	vgt.f32 v14, v10;
	v12 =	vshll.u32 v12, $0x2;
	v14 =	vsel vm6, $0x2, v4  }
0x5a: {  	v59 =	vsel vm7, $0x1, v4;
	v12 =	vor.u32 v14, v12;
	v14 =	vld [tilespmem:s13+$0x30]  }
0x5b: {  	vm8 =	vgt.f32 v58, v10;
	v12 =	vor.u32 v59, v12  }
0x5c: {  	v60 =	vld [tilespmem:s13+$0x40];
	vm9 =	vgt.f32 v13, v10;
	v12 =	vshll.u32 v12, $0x2;
	v13 =	vsel vm8, $0x2, v4  }
0x5d: {  	v61 =	vsel vm9, $0x1, v4;
	v12 =	vor.u32 v13, v12;
	v13 =	vld [tilespmem:s13+$0x50]  }
0x5e: {  	vm10 =	vgt.f32 v15, v10;
	v12 =	vor.u32 v61, v12  }
0x5f: {  	v15 =	vld [tilespmem:s13+$0x60];
	vm11 =	vgt.f32 v14, v10;
	v12 =	vshll.u32 v12, $0x2;
	v14 =	vsel vm10, $0x2, v4  }
0x60: {  	v62 =	vsel vm11, $0x1, v4;
	v12 =	vor.u32 v14, v12;
	v14 =	vld [tilespmem:s13+$0x70]  }
0x61: {  	vm12 =	vgt.f32 v60, v10;
	v12 =	vor.u32 v62, v12  }
0x62: {  	vm13 =	vgt.f32 v13, v10;
	v12 =	vshll.u32 v12, $0x2;
	v13 =	vsel vm12, $0x2, v4  }
0x63: {  	v63 =	vsel vm13, $0x1, v4;
	v12 =	vor.u32 v13, v12  }
0x64: {  	vm14 =	vgt.f32 v15, v10;
	v12 =	vor.u32 v63, v12  }
0x65: {  	v13 =	vsel vm14, $0x2, v4;
	vm15 =	vgt.f32 v14, v10;
	v12 =	vshll.u32 v12, $0x2  }
0x66: {  	v14 =	vsel vm15, $0x1, v4;
	v12 =	vor.u32 v13, v12  }
0x67: {  	v12 =	vor.u32 v14, v12  }
0x68: {  	v13 =	vperm.xlane v12, v0;
	_ =	sdelay $0x1  }
0x69: {  	v12 =	vor.u32 v13, v12  }
0x6a: {  	v13 =	vperm.xlane v12, v1;
	_ =	sdelay $0x1  }
0x6b: {  	v12 =	vor.u32 v13, v12  }
0x6c: {  	v13 =	vperm.xlane v12, v2;
	_ =	sdelay $0x1  }
0x6d: {  	v12 =	vor.u32 v13, v12  }
0x6e: {  	v13 =	vperm.xlane v12, v3;
	_ =	sdelay $0x1  }
0x6f: {  	v12 =	vor.u32 v13, v12  }
0x70: {  	(v2sf) =	vpush v12, $0x0;
	_ =	sdelay $0xa  }
0x71: {  	s19 =	simm.s32 $0x0;
	s15 =	simm.s32 $0xF  }
0x72: {  	s20 =	simm.s32 $0x0;
	s14 =	simm.s32 $0xC;
	s21 =	simm.s32 $0x9  }
0x73: {  	s18 =	simm.s32 $0xA;
	s17 =	simm.s32 $0xB;
	s22 =	simm.s32 $0x6  }
0x74: {  	s23 =	simm.s32 $0x7;
	s24 =	simm.s32 $0x8;
	s25 =	simm.s32 $0x3  }
0x75: {  	s26 =	simm.s32 $0x4;
	s28 =	simm.s32 $0x5;
	s16 =	spop (v2sf)  }
0x76: {  	s29 =	simm.s32 $0x1;
	s30 =	simm.s32 $0x2;
	s31 =	sshrl.u32 s16, $0xB  }
0x77: {  	v12 =	vmov s20;
	s2 =	sshrl.u32 s16, $0xA;
	s1 =	sshrl.u32 s16, $0x9;
	s31 =	sand.u32 $0x10, s31  }
0x78: {  	[tilespmem:s19+$0x11100] =	vst v12;
	v12 =	vmov s29;
	s3 =	sshrl.u32 s16, $0x8;
	s20 =	sand.u32 $0x10, s2;
	s31 =	sadd.s32 $0x0, s31  }
0x79: {  	s4 =	sshrl.u32 s16, $0x7;
	s1 =	sand.u32 $0x10, s1;
	[tilespmem:s31+$0x11100] =	vst v12;
	s20 =	sadd.s32 s20, s31;
	v12 =	vmov s30  }
0x7a: {  	s6 =	sshrl.u32 s16, $0x6;
	s19 =	sand.u32 $0x10, s3;
	[tilespmem:s20+$0x11100] =	vst v12;
	s1 =	sadd.s32 s1, s20;
	v12 =	vmov s25  }
0x7b: {  	s10 =	sshrl.u32 s16, $0x5;
	s25 =	sand.u32 $0x10, s4;
	[tilespmem:s1+$0x11100] =	vst v12;
	s1 =	sadd.s32 s19, s1;
	v12 =	vmov s26  }
0x7c: {  	s29 =	sshrl.u32 s16, $0x2;
	[tilespmem:s1+$0x11100] =	vst v12;
	s1 =	sadd.s32 s25, s1;
	v12 =	vmov s28;
	s28 =	sand.u32 $0x10, s6  }
0x7d: {  	s30 =	sand.u32 $0x10, s10;
	s26 =	sshrl.u32 s16, $0x4;
	[tilespmem:s1+$0x11100] =	vst v12;
	s1 =	sadd.s32 s28, s1;
	v12 =	vmov s22  }
0x7e: {  	s0 =	sshrl.u32 s16, $0x3;
	s31 =	sand.u32 $0x10, s26;
	[tilespmem:s1+$0x11100] =	vst v12;
	s1 =	sadd.s32 s30, s1;
	v12 =	vmov s23  }
0x7f: {  	s2 =	sshrl.u32 s16, $0x1;
	s3 =	sand.u32 $0x10, s0;
	[tilespmem:s1+$0x11100] =	vst v12;
	s1 =	sadd.s32 s31, s1;
	v12 =	vmov s24  }
0x80: {  	s10 =	sshll.u32 s16, $0x2;
	s6 =	sand.u32 $0x10, s29;
	[tilespmem:s1+$0x11100] =	vst v12;
	s1 =	sadd.s32 s3, s1;
	v12 =	vmov s21  }
0x81: {  	s4 =	sshll.u32 s16, $0x1;
	s22 =	sand.u32 $0x10, s2;
	[tilespmem:s1+$0x11100] =	vst v12;
	s1 =	sadd.s32 s6, s1;
	v12 =	vmov s18  }
0x82: {  	s25 =	sand.u32 $0x10, s4;
	s24 =	sand.u32 $0x10, s16;
	[tilespmem:s1+$0x11100] =	vst v12;
	s1 =	sadd.s32 s22, s1;
	v12 =	vmov s17  }
0x83: {  	s26 =	simm.s32 $0xD;
	s29 =	simm.s32 $0xE;
	[tilespmem:s1+$0x11100] =	vst v12;
	s1 =	sadd.s32 s24, s1;
	v12 =	vmov s14  }
0x84: {  	s28 =	sand.u32 $0x10, s10;
	s23 =	sshll.u32 s16, $0x3;
	[tilespmem:s1+$0x11100] =	vst v12;
	s1 =	sadd.s32 s25, s1;
	v12 =	vmov s26  }
0x85: {  	s30 =	sshll.u32 s16, $0x4;
	s31 =	sand.u32 $0x10, s23;
	[tilespmem:s1+$0x11100] =	vst v12;
	s1 =	sadd.s32 s28, s1;
	v12 =	vmov s29  }
0x86: {  	s14 =	simm.s32 $0x1F;
	[tilespmem:s1+$0x11100] =	vst v12;
	s16 =	sadd.s32 s31, s1;
	v12 =	vmov s15;
	s15 =	sand.u32 $0x10, s30  }
.LBB2_5:
0x87: {  	p0 =	sne.s32 s14, $0xFF;
	[tilespmem:s16+$0x11100] =	vst v12;
	s16 =	sadd.s32 s15, s16;
	s13 =	sadd.s32 $0x100, s13  }
0x88: {  	s15 =	smov.u32 s14;
	s14 =	sadd.s32 $0x10, s14;
	v12 =	vld [tilespmem:s13+$0xFFFFFF80]  }
0x89: {  	v13 =	vld [tilespmem:s13+$0xFFFFFF90];
	_ =	sdelay $0x1  }
0x8a: {  	v14 =	vld [tilespmem:s13+$0xFFFFFFA0]  }
0x8b: {  	v15 =	vld [tilespmem:s13+$0xFFFFFFB0]  }
0x8c: {  	vm0 =	vgt.f32 v12, v10  }
0x8d: {  	vm1 =	vgt.f32 v13, v10;
	v12 =	vld [tilespmem:s13+$0xFFFFFFC0]  }
0x8e: {  	v16 =	vsel vm0, $0x2, v4;
	v13 =	vsel vm1, $0x1, v4;
	v17 =	vld [tilespmem:s13+$0xFFFFFFD0]  }
0x8f: {  	v13 =	vor.u32 v13, v16;
	vm0 =	vgt.f32 v14, v10  }
0x90: {  	vm1 =	vgt.f32 v15, v10;
	v13 =	vshll.u32 v13, $0x2;
	v14 =	vsel vm0, $0x2, v4;
	v15 =	vld [tilespmem:s13+$0xFFFFFFE0]  }
0x91: {  	v16 =	vsel vm1, $0x1, v4;
	v13 =	vor.u32 v14, v13;
	v14 =	vld [tilespmem:s13+$0xFFFFFFF0]  }
0x92: {  	v13 =	vor.u32 v16, v13;
	vm0 =	vgt.f32 v12, v10  }
0x93: {  	vm1 =	vgt.f32 v17, v10;
	v12 =	vshll.u32 v13, $0x2;
	v13 =	vsel vm0, $0x2, v4;
	v16 =	vld [tilespmem:s13+$0x0]  }
0x94: {  	v17 =	vsel vm1, $0x1, v4;
	v12 =	vor.u32 v13, v12;
	v13 =	vld [tilespmem:s13+$0x10]  }
0x95: {  	v12 =	vor.u32 v17, v12;
	vm0 =	vgt.f32 v15, v10  }
0x96: {  	vm1 =	vgt.f32 v14, v10;
	v12 =	vshll.u32 v12, $0x2;
	v14 =	vsel vm0, $0x2, v4;
	v15 =	vld [tilespmem:s13+$0x20]  }
0x97: {  	v17 =	vsel vm1, $0x1, v4;
	v12 =	vor.u32 v14, v12;
	v14 =	vld [tilespmem:s13+$0x30]  }
0x98: {  	v12 =	vor.u32 v17, v12;
	vm0 =	vgt.f32 v16, v10  }
0x99: {  	vm1 =	vgt.f32 v13, v10;
	v12 =	vshll.u32 v12, $0x2;
	v13 =	vsel vm0, $0x2, v4;
	v16 =	vld [tilespmem:s13+$0x40]  }
0x9a: {  	v17 =	vsel vm1, $0x1, v4;
	v12 =	vor.u32 v13, v12;
	v13 =	vld [tilespmem:s13+$0x50]  }
0x9b: {  	v12 =	vor.u32 v17, v12;
	vm0 =	vgt.f32 v15, v10  }
0x9c: {  	s1 =	sadd.s32 $0xFFFFFFF1, s15;
	vm1 =	vgt.f32 v14, v10;
	v12 =	vshll.u32 v12, $0x2;
	v14 =	vsel vm0, $0x2, v4;
	v15 =	vld [tilespmem:s13+$0x60]  }
0x9d: {  	v18 =	vmov s1;
	v17 =	vsel vm1, $0x1, v4;
	v12 =	vor.u32 v14, v12;
	v14 =	vld [tilespmem:s13+$0x70]  }
0x9e: {  	v12 =	vor.u32 v17, v12;
	vm0 =	vgt.f32 v16, v10;
	[tilespmem:s16+$0x11100] =	vst v18  }
0x9f: {  	vm1 =	vgt.f32 v13, v10;
	v12 =	vshll.u32 v12, $0x2;
	v13 =	vsel vm0, $0x2, v4  }
0xa0: {  	v16 =	vsel vm1, $0x1, v4;
	v12 =	vor.u32 v13, v12  }
0xa1: {  	v12 =	vor.u32 v16, v12;
	vm0 =	vgt.f32 v15, v10  }
0xa2: {  	vm1 =	vgt.f32 v14, v10;
	v12 =	vshll.u32 v12, $0x2;
	v13 =	vsel vm0, $0x2, v4  }
0xa3: {  	v14 =	vsel vm1, $0x1, v4;
	v12 =	vor.u32 v13, v12  }
0xa4: {  	v12 =	vor.u32 v14, v12  }
0xa5: {  	v13 =	vperm.xlane v12, v0;
	_ =	sdelay $0x1  }
0xa6: {  	v12 =	vor.u32 v13, v12  }
0xa7: {  	v13 =	vperm.xlane v12, v1;
	_ =	sdelay $0x1  }
0xa8: {  	v12 =	vor.u32 v13, v12  }
0xa9: {  	v13 =	vperm.xlane v12, v2;
	_ =	sdelay $0x1  }
0xaa: {  	v12 =	vor.u32 v13, v12  }
0xab: {  	v13 =	vperm.xlane v12, v3;
	_ =	sdelay $0x1  }
0xac: {  	v12 =	vor.u32 v13, v12  }
0xad: {  	(v2sf) =	vpush v12, $0x0;
	_ =	sdelay $0xa  }
0xae: {  	s17 =	sadd.s32 $0xFFFFFFFD, s15  }
0xaf: {  	s20 =	sadd.s32 $0xFFFFFFFA, s15;
	s19 =	sadd.s32 $0xFFFFFFFB, s15;
	s18 =	sadd.s32 $0xFFFFFFFC, s15  }
0xb0: {  	s22 =	sadd.s32 $0xFFFFFFF8, s15;
	s23 =	sadd.s32 $0xFFFFFFF9, s15;
	s1 =	sadd.s32 $0xFFFFFFF7, s15  }
0xb1: {  	s24 =	sadd.s32 $0xFFFFFFF4, s15;
	s25 =	sadd.s32 $0xFFFFFFF5, s15;
	s26 =	sadd.s32 $0xFFFFFFF6, s15  }
0xb2: {  	s28 =	sadd.s32 $0xFFFFFFF2, s15;
	s29 =	sadd.s32 $0xFFFFFFF3, s15;
	s21 =	spop (v2sf)  }
0xb3: {  	s30 =	sshrl.u32 s21, $0xB;
	s31 =	sshrl.u32 s21, $0xA;
	s4 =	sshrl.u32 s21, $0x9  }
0xb4: {  	s6 =	sshrl.u32 s21, $0x8;
	s10 =	sshrl.u32 s21, $0x7;
	s30 =	sand.u32 $0x10, s30  }
0xb5: {  	v12 =	vmov s28;
	s28 =	sand.u32 $0x10, s31;
	s16 =	sadd.s32 s16, s30;
	s30 =	sshrl.u32 s21, $0x6  }
0xb6: {  	s4 =	sand.u32 $0x10, s4;
	[tilespmem:s16+$0x11100] =	vst v12;
	s16 =	sadd.s32 s28, s16;
	v12 =	vmov s29;
	s28 =	sshrl.u32 s21, $0x5  }
0xb7: {  	s6 =	sand.u32 $0x10, s6;
	[tilespmem:s16+$0x11100] =	vst v12;
	s4 =	sadd.s32 s4, s16;
	v12 =	vmov s24;
	s16 =	sshrl.u32 s21, $0x4  }
0xb8: {  	[tilespmem:s4+$0x11100] =	vst v12;
	s4 =	sadd.s32 s6, s4;
	v12 =	vmov s25;
	s6 =	sand.u32 $0x10, s10;
	s10 =	sshrl.u32 s21, $0x2  }
0xb9: {  	s24 =	sshrl.u32 s21, $0x1;
	[tilespmem:s4+$0x11100] =	vst v12;
	s4 =	sadd.s32 s6, s4;
	v12 =	vmov s26;
	s6 =	sand.u32 $0x10, s30  }
0xba: {  	[tilespmem:s4+$0x11100] =	vst v12;
	s4 =	sadd.s32 s6, s4;
	v12 =	vmov s1;
	s1 =	sand.u32 $0x10, s28;
	s6 =	sshll.u32 s21, $0x1  }
0xbb: {  	[tilespmem:s4+$0x11100] =	vst v12;
	s1 =	sadd.s32 s1, s4;
	v12 =	vmov s22;
	s4 =	sand.u32 $0x10, s16;
	s16 =	sshrl.u32 s21, $0x3  }
0xbc: {  	[tilespmem:s1+$0x11100] =	vst v12;
	s1 =	sadd.s32 s4, s1;
	v12 =	vmov s23;
	s4 =	sand.u32 $0x10, s16;
	s16 =	sshll.u32 s21, $0x2  }
0xbd: {  	[tilespmem:s1+$0x11100] =	vst v12;
	s1 =	sadd.s32 s4, s1;
	v12 =	vmov s20;
	s4 =	sand.u32 $0x10, s10;
	s10 =	sshll.u32 s21, $0x3  }
0xbe: {  	[tilespmem:s1+$0x11100] =	vst v12;
	s1 =	sadd.s32 s4, s1;
	v12 =	vmov s19;
	s4 =	sand.u32 $0x10, s24;
	s19 =	sshll.u32 s21, $0x4  }
.Ltmp3:
0xbf: {  	[tilespmem:s1+$0x11100] =	vst v12;
	s1 =	sadd.s32 s4, s1;
	v12 =	vmov s18;
	s4 =	sand.u32 $0x10, s21;
	(pc) =	sbr.rel @p0 .LBB2_5-.Ltmp3, $4  }
0xc0: {  	[tilespmem:s1+$0x11100] =	vst v12;
	s1 =	sadd.s32 s4, s1;
	v12 =	vmov s17;
	s4 =	sand.u32 $0x10, s6;
	s6 =	sadd.s32 $0xFFFFFFFE, s15  }
0xc1: {  	[tilespmem:s1+$0x11100] =	vst v12;
	s1 =	sadd.s32 s4, s1;
	v12 =	vmov s6;
	s4 =	sand.u32 $0x10, s16;
	s6 =	sadd.s32 $0xFFFFFFFF, s15  }
0xc2: {  	[tilespmem:s1+$0x11100] =	vst v12;
	s1 =	sadd.s32 s4, s1;
	v12 =	vmov s6;
	s4 =	sand.u32 $0x10, s10  }
0xc3: {  	[tilespmem:s1+$0x11100] =	vst v12;
	s16 =	sadd.s32 s4, s1;
	v12 =	vmov s15;
	s15 =	sand.u32 $0x10, s19  }
0xc4: {  	s1 =	sadd.s32 s15, s16  }
0xc5: {  	s13 =	sshrl.u32 s1, $0x4  }
0xc6: {  	p0 =	seq.s32 s13, $0x0  }
.Ltmp4:
0xc7: {  	_ = 	snop;
	(pc) =	sbr.rel @p0 .LBB2_9-.Ltmp4, $2  }
0xc8: {  	_ =	sdelay $0x2  }
0xc9: {  	[tilespmem:s16+$0x11100] =	vst v12  }
0xca: {  	s1 =	simm.s32 $0x11100  }
0xcb: {  	v12 =	vld [tilespmem:s1+$0x0];
	_ =	sdelay $0x4  }
0xcc: {  	(v2sf) =	vpush v12, $0x0;
	_ =	sdelay $0xe  }
0xcd: {  	s30 =	spop (v2sf)  }
0xce: {  	s1 =	sshll.u32 s30, $0x9  }
0xcf: {  	s1 =	sshra.s32 s1, $0x2  }
0xd0: {  	v63 =	vld [tilespmem:s1+$0x0];
	_ =	sdelay $0x3  }
0xd1: {  	s14 =	simm.s32 $0x8040  }
0xd2: {  	[tilespmem:s14+$0xFFFFFFC0] =	vst v63  }
0xd3: {  	v12 =	vld [tilespmem:s1+$0x10];
	_ =	sdelay $0x4  }
0xd4: {  	[tilespmem:s14+$0xFFFFFFD0] =	vst v12  }
0xd5: {  	v12 =	vld [tilespmem:s1+$0x20];
	_ =	sdelay $0x4  }
0xd6: {  	[tilespmem:s14+$0xFFFFFFE0] =	vst v12  }
0xd7: {  	v12 =	vld [tilespmem:s1+$0x30];
	_ =	sdelay $0x4  }
0xd8: {  	[tilespmem:s14+$0xFFFFFFF0] =	vst v12  }
0xd9: {  	v12 =	vld [tilespmem:s1+$0x40];
	_ =	sdelay $0x4  }
0xda: {  	[tilespmem:s14+$0x0] =	vst v12  }
0xdb: {  	v12 =	vld [tilespmem:s1+$0x50];
	_ =	sdelay $0x4  }
0xdc: {  	[tilespmem:s14+$0x10] =	vst v12  }
0xdd: {  	v12 =	vld [tilespmem:s1+$0x60];
	_ =	sdelay $0x3  }
0xde: {  	s31 =	ssub.s32 $0x0, s13  }
0xdf: {  	s15 =	sadd.s32 $0x1, s31;
	[tilespmem:s14+$0x20] =	vst v12  }
0xe0: {  	p0 =	seq.s32 s15, $0x0;
	v12 =	vld [tilespmem:s1+$0x70]  }
.Ltmp5:
0xe1: {  	_ = 	snop;
	(pc) =	sbr.rel @p0 .LBB2_9-.Ltmp5, $2  }
0xe2: {  	_ =	sdelay $0x2  }
0xe3: {  	s16 =	simm.s32 $0x11110;
	[tilespmem:s14+$0x30] =	vst v12  }
.LBB2_8:
0xe4: {  	v12 =	vld [tilespmem:s16+$0x0];
	s15 =	sadd.s32 $0x1, s15  }
0xe5: {  	p0 =	seq.s32 s15, $0x0;
	_ =	sdelay $0x3  }
0xe6: {  	(v2sf) =	vpush v12, $0x0;
	_ =	sdelay $0xe  }
0xe7: {  	s1 =	spop (v2sf)  }
0xe8: {  	s1 =	sshll.u32 s1, $0x9  }
0xe9: {  	s1 =	sshra.s32 s1, $0x2  }
0xea: {  	v12 =	vld [tilespmem:s1+$0x0];
	_ =	sdelay $0x3  }
0xeb: {  	s14 =	sadd.s32 $0x80, s14  }
0xec: {  	[tilespmem:s14+$0xFFFFFFC0] =	vst v12  }
0xed: {  	v12 =	vld [tilespmem:s1+$0x10];
	_ =	sdelay $0x4  }
0xee: {  	[tilespmem:s14+$0xFFFFFFD0] =	vst v12  }
0xef: {  	v12 =	vld [tilespmem:s1+$0x20];
	_ =	sdelay $0x4  }
0xf0: {  	[tilespmem:s14+$0xFFFFFFE0] =	vst v12  }
0xf1: {  	v12 =	vld [tilespmem:s1+$0x30];
	_ =	sdelay $0x4  }
0xf2: {  	[tilespmem:s14+$0xFFFFFFF0] =	vst v12  }
0xf3: {  	v12 =	vld [tilespmem:s1+$0x40];
	_ =	sdelay $0x4  }
0xf4: {  	[tilespmem:s14+$0x0] =	vst v12  }
0xf5: {  	v12 =	vld [tilespmem:s1+$0x50];
	_ =	sdelay $0x4  }
0xf6: {  	[tilespmem:s14+$0x10] =	vst v12  }
0xf7: {  	v12 =	vld [tilespmem:s1+$0x60];
	_ =	sdelay $0x4  }
0xf8: {  	[tilespmem:s14+$0x20] =	vst v12  }
0xf9: {  	v12 =	vld [tilespmem:s1+$0x70]  }
.Ltmp6:
0xfa: {  	(pc) =	sbr.rel @!p0 .LBB2_8-.Ltmp6, $2  }
0xfb: {  	_ =	sdelay $0x2  }
0xfc: {  	s16 =	sadd.s32 $0x10, s16;
	[tilespmem:s14+$0x30] =	vst v12  }
.LBB2_9:
0xfd: {  	s1 =	sshll.u32 s13, $0x9  }
0xfe: {  	s1 =	sshra.s32 s1, $0x2  }
0xff: {  	[tilespmem:s1+$0x8000] =	vst v5  }
0x100: {  	[tilespmem:s1+$0x8010] =	vst v5  }
0x101: {  	[tilespmem:s1+$0x8020] =	vst v5  }
0x102: {  	[tilespmem:s1+$0x8030] =	vst v5  }
0x103: {  	[tilespmem:s1+$0x8040] =	vst v5  }
0x104: {  	[tilespmem:s1+$0x8050] =	vst v5  }
0x105: {  	[tilespmem:s1+$0x8060] =	vst v5  }
0x106: {  	s4 =	sshll.u32 s13, $0x7;
	[tilespmem:s1+$0x8070] =	vst v5  }
0x107: {  	s31 =	sadd.s32 $0x80, s4;
	[tilespmem:s4+$0x8080] =	vst v5  }
0x108: {  	s15 =	sshrl.u32 s31, $0x8;
	[tilespmem:s4+$0x8090] =	vst v5  }
0x109: {  	[tilespmem:s4+$0x80A0] =	vst v5;
	p0 =	seq.s32 s15, $0x0  }
.Ltmp7:
0x10a: {  	[tilespmem:s4+$0x80B0] =	vst v5;
	(pc) =	sbr.rel @p0 .LBB2_15-.Ltmp7, $4  }
0x10b: {  	[tilespmem:s4+$0x80C0] =	vst v5  }
0x10c: {  	[tilespmem:s4+$0x80D0] =	vst v5  }
0x10d: {  	[tilespmem:s4+$0x80E0] =	vst v5  }
0x10e: {  	s13 =	simm.s32 $0x0;
	s14 =	simm.s32 $0x0;
	[tilespmem:s4+$0x80F0] =	vst v5  }
0x10f: {  	s14 =	simm.s32 $0x8080  }
0x110: {  	v12 =	vld [tilespmem:s14+$0xFFFFFF80]  }
0x111: {  	v13 =	vld [tilespmem:s14+$0xFFFFFF90];
	_ =	sdelay $0x1  }
0x112: {  	v14 =	vld [tilespmem:s14+$0xFFFFFFA0]  }
0x113: {  	v15 =	vld [tilespmem:s14+$0xFFFFFFB0];
	_ =	sdelay $0x1  }
0x114: {  	vm0 =	vgt.f32 v12, v10;
	vm1 =	vgt.f32 v13, v10;
	v12 =	vld [tilespmem:s14+$0xFFFFFFC0]  }
0x115: {  	v17 =	vld [tilespmem:s14+$0xFFFFFFD0];
	v13 =	vsel vm1, $0x1, v4;
	v16 =	vsel vm0, $0x2, v4  }
0x116: {  	vm14 =	vgt.f32 v14, v10;
	v13 =	vor.u32 v13, v16  }
0x117: {  	vm15 =	vgt.f32 v15, v10;
	v15 =	vld [tilespmem:s14+$0xFFFFFFE0];
	v14 =	vsel vm14, $0x2, v4;
	v13 =	vshll.u32 v13, $0x2  }
0x118: {  	v57 =	vsel vm15, $0x1, v4;
	v13 =	vor.u32 v14, v13;
	v14 =	vld [tilespmem:s14+$0xFFFFFFF0]  }
0x119: {  	v13 =	vor.u32 v57, v13;
	vm4 =	vgt.f32 v12, v10  }
0x11a: {  	v58 =	vld [tilespmem:s14+$0x0];
	vm5 =	vgt.f32 v17, v10;
	v12 =	vshll.u32 v13, $0x2;
	v13 =	vsel vm4, $0x2, v4  }
0x11b: {  	v17 =	vsel vm5, $0x1, v4;
	v12 =	vor.u32 v13, v12;
	v13 =	vld [tilespmem:s14+$0x10]  }
0x11c: {  	vm6 =	vgt.f32 v15, v10;
	v12 =	vor.u32 v17, v12  }
0x11d: {  	v15 =	vld [tilespmem:s14+$0x20];
	vm7 =	vgt.f32 v14, v10;
	v12 =	vshll.u32 v12, $0x2;
	v14 =	vsel vm6, $0x2, v4  }
0x11e: {  	v59 =	vsel vm7, $0x1, v4;
	v12 =	vor.u32 v14, v12;
	v14 =	vld [tilespmem:s14+$0x30]  }
0x11f: {  	vm8 =	vgt.f32 v58, v10;
	v12 =	vor.u32 v59, v12  }
0x120: {  	v60 =	vld [tilespmem:s14+$0x40];
	vm9 =	vgt.f32 v13, v10;
	v12 =	vshll.u32 v12, $0x2;
	v13 =	vsel vm8, $0x2, v4  }
0x121: {  	v61 =	vsel vm9, $0x1, v4;
	v12 =	vor.u32 v13, v12;
	v13 =	vld [tilespmem:s14+$0x50]  }
0x122: {  	vm10 =	vgt.f32 v15, v10;
	v12 =	vor.u32 v61, v12  }
0x123: {  	v15 =	vld [tilespmem:s14+$0x60];
	vm11 =	vgt.f32 v14, v10;
	v12 =	vshll.u32 v12, $0x2;
	v14 =	vsel vm10, $0x2, v4  }
0x124: {  	v62 =	vsel vm11, $0x1, v4;
	v12 =	vor.u32 v14, v12;
	v14 =	vld [tilespmem:s14+$0x70]  }
0x125: {  	vm12 =	vgt.f32 v60, v10;
	v12 =	vor.u32 v62, v12  }
0x126: {  	vm13 =	vgt.f32 v13, v10;
	v12 =	vshll.u32 v12, $0x2;
	v13 =	vsel vm12, $0x2, v4  }
0x127: {  	v63 =	vsel vm13, $0x1, v4;
	v12 =	vor.u32 v13, v12  }
0x128: {  	vm14 =	vgt.f32 v15, v10;
	v12 =	vor.u32 v63, v12  }
0x129: {  	v13 =	vsel vm14, $0x2, v4;
	vm15 =	vgt.f32 v14, v10;
	v12 =	vshll.u32 v12, $0x2  }
0x12a: {  	v14 =	vsel vm15, $0x1, v4;
	v12 =	vor.u32 v13, v12  }
0x12b: {  	v12 =	vor.u32 v14, v12  }
0x12c: {  	v13 =	vperm.xlane v12, v0;
	_ =	sdelay $0x1  }
0x12d: {  	v12 =	vor.u32 v13, v12  }
0x12e: {  	v13 =	vperm.xlane v12, v1;
	_ =	sdelay $0x1  }
0x12f: {  	v12 =	vor.u32 v13, v12  }
0x130: {  	v13 =	vperm.xlane v12, v2;
	_ =	sdelay $0x1  }
0x131: {  	v12 =	vor.u32 v13, v12  }
0x132: {  	v13 =	vperm.xlane v12, v3;
	_ =	sdelay $0x1  }
0x133: {  	v12 =	vor.u32 v13, v12  }
0x134: {  	(v2sf) =	vpush v12, $0x0;
	_ =	sdelay $0x9  }
0x135: {  	s1 =	sshll.u32 s15, $0x4;
	s0 =	simm.s32 $0x0;
	s17 =	simm.s32 $0xC  }
0x136: {  	s4 =	simm.s32 $0x9;
	s19 =	simm.s32 $0xA;
	s18 =	simm.s32 $0xB  }
0x137: {  	s6 =	simm.s32 $0x6;
	s10 =	simm.s32 $0x7;
	s20 =	simm.s32 $0x8  }
0x138: {  	s21 =	simm.s32 $0x3;
	s22 =	simm.s32 $0x4;
	[dreg:$0x3] =	wrdreg s1  }
0x139: {  	s23 =	simm.s32 $0x5;
	s24 =	simm.s32 $0x1;
	s15 =	rddreg [dreg:$0x3]  }
0x13a: {  	s26 =	simm.s32 $0x2;
	p0 =	sne.s32 s15, $0x10;
	s25 =	spop (v2sf)  }
0x13b: {  	s28 =	sshrl.u32 s25, $0xB;
	s29 =	sshrl.u32 s25, $0xA;
	s30 =	sshrl.u32 s25, $0x9  }
0x13c: {  	v12 =	vmov s0;
	s31 =	sshrl.u32 s25, $0x8;
	s1 =	sshrl.u32 s25, $0x7;
	s28 =	sand.u32 $0x10, s28  }
0x13d: {  	[tilespmem:s0+$0x11100] =	vst v12;
	v12 =	vmov s24;
	s2 =	sand.u32 $0x10, s29;
	s29 =	sshrl.u32 s25, $0x6;
	s28 =	sadd.s32 $0x0, s28  }
0x13e: {  	s3 =	sand.u32 $0x10, s30;
	s30 =	sshrl.u32 s25, $0x5;
	[tilespmem:s28+$0x11100] =	vst v12;
	s24 =	sadd.s32 s2, s28;
	v12 =	vmov s26  }
0x13f: {  	s0 =	sand.u32 $0x10, s31;
	s1 =	sand.u32 $0x10, s1;
	[tilespmem:s24+$0x11100] =	vst v12;
	s24 =	sadd.s32 s3, s24;
	v12 =	vmov s21  }
0x140: {  	s2 =	sshrl.u32 s25, $0x4;
	s3 =	sshrl.u32 s25, $0x3;
	[tilespmem:s24+$0x11100] =	vst v12;
	s21 =	sadd.s32 s0, s24;
	v12 =	vmov s22  }
0x141: {  	s31 =	sand.u32 $0x10, s2;
	[tilespmem:s21+$0x11100] =	vst v12;
	s1 =	sadd.s32 s1, s21;
	v12 =	vmov s23;
	s23 =	sand.u32 $0x10, s29  }
0x142: {  	s24 =	sshrl.u32 s25, $0x2;
	s29 =	sand.u32 $0x10, s30;
	[tilespmem:s1+$0x11100] =	vst v12;
	s1 =	sadd.s32 s23, s1;
	v12 =	vmov s6  }
0x143: {  	s0 =	sshll.u32 s25, $0x1;
	s2 =	sand.u32 $0x10, s3;
	[tilespmem:s1+$0x11100] =	vst v12;
	s1 =	sadd.s32 s29, s1;
	v12 =	vmov s10  }
0x144: {  	s3 =	sshll.u32 s25, $0x2;
	s22 =	sshll.u32 s25, $0x3;
	[tilespmem:s1+$0x11100] =	vst v12;
	s1 =	sadd.s32 s31, s1;
	v12 =	vmov s20  }
0x145: {  	s30 =	sshrl.u32 s25, $0x1;
	s6 =	sand.u32 $0x10, s24;
	[tilespmem:s1+$0x11100] =	vst v12;
	s1 =	sadd.s32 s2, s1;
	v12 =	vmov s4  }
0x146: {  	s23 =	sand.u32 $0x10, s30;
	s24 =	sshll.u32 s25, $0x4;
	[tilespmem:s1+$0x11100] =	vst v12;
	s1 =	sadd.s32 s6, s1;
	v12 =	vmov s19  }
.Ltmp8:
0x147: {  	s25 =	sand.u32 $0x10, s25;
	[tilespmem:s1+$0x11100] =	vst v12;
	s1 =	sadd.s32 s23, s1;
	v12 =	vmov s18;
	(pc) =	sbr.rel @!p0 .LBB2_12-.Ltmp8, $4  }
0x148: {  	s28 =	simm.s32 $0xD;
	s26 =	sand.u32 $0x10, s0;
	[tilespmem:s1+$0x11100] =	vst v12;
	s1 =	sadd.s32 s25, s1;
	v12 =	vmov s17  }
0x149: {  	s30 =	simm.s32 $0xE;
	s29 =	sand.u32 $0x10, s3;
	[tilespmem:s1+$0x11100] =	vst v12;
	s1 =	sadd.s32 s26, s1;
	v12 =	vmov s28  }
0x14a: {  	s16 =	simm.s32 $0xF;
	s31 =	sand.u32 $0x10, s22;
	[tilespmem:s1+$0x11100] =	vst v12;
	s1 =	sadd.s32 s29, s1;
	v12 =	vmov s30  }
0x14b: {  	s15 =	simm.s32 $0x10;
	[tilespmem:s1+$0x11100] =	vst v12;
	s17 =	sadd.s32 s31, s1;
	v12 =	vmov s16;
	s16 =	sand.u32 $0x10, s24  }
.LBB2_11:
0x14c: {  	[tilespmem:s17+$0x11100] =	vst v12;
	s14 =	sadd.s32 $0x100, s14  }
0x14d: {  	v12 =	vld [tilespmem:s14+$0xFFFFFF80]  }
0x14e: {  	v13 =	vld [tilespmem:s14+$0xFFFFFF90];
	_ =	sdelay $0x1  }
0x14f: {  	v14 =	vld [tilespmem:s14+$0xFFFFFFA0]  }
0x150: {  	v15 =	vld [tilespmem:s14+$0xFFFFFFB0];
	_ =	sdelay $0x1  }
0x151: {  	vm0 =	vgt.f32 v12, v10;
	vm1 =	vgt.f32 v13, v10;
	v12 =	vld [tilespmem:s14+$0xFFFFFFC0]  }
0x152: {  	v17 =	vld [tilespmem:s14+$0xFFFFFFD0];
	v13 =	vsel vm1, $0x1, v4;
	v16 =	vsel vm0, $0x2, v4  }
0x153: {  	vm14 =	vgt.f32 v14, v10;
	v13 =	vor.u32 v13, v16  }
0x154: {  	vm15 =	vgt.f32 v15, v10;
	v15 =	vld [tilespmem:s14+$0xFFFFFFE0];
	v14 =	vsel vm14, $0x2, v4;
	v13 =	vshll.u32 v13, $0x2  }
0x155: {  	v57 =	vsel vm15, $0x1, v4;
	v13 =	vor.u32 v14, v13;
	v14 =	vld [tilespmem:s14+$0xFFFFFFF0]  }
0x156: {  	v13 =	vor.u32 v57, v13;
	vm4 =	vgt.f32 v12, v10  }
0x157: {  	v58 =	vld [tilespmem:s14+$0x0];
	vm5 =	vgt.f32 v17, v10;
	v12 =	vshll.u32 v13, $0x2;
	v13 =	vsel vm4, $0x2, v4  }
0x158: {  	v17 =	vsel vm5, $0x1, v4;
	v12 =	vor.u32 v13, v12;
	v13 =	vld [tilespmem:s14+$0x10]  }
0x159: {  	vm6 =	vgt.f32 v15, v10;
	v12 =	vor.u32 v17, v12  }
0x15a: {  	v15 =	vld [tilespmem:s14+$0x20];
	vm7 =	vgt.f32 v14, v10;
	v12 =	vshll.u32 v12, $0x2;
	v14 =	vsel vm6, $0x2, v4  }
0x15b: {  	v59 =	vsel vm7, $0x1, v4;
	v12 =	vor.u32 v14, v12;
	v14 =	vld [tilespmem:s14+$0x30]  }
0x15c: {  	vm8 =	vgt.f32 v58, v10;
	v12 =	vor.u32 v59, v12  }
0x15d: {  	v60 =	vld [tilespmem:s14+$0x40];
	vm9 =	vgt.f32 v13, v10;
	v12 =	vshll.u32 v12, $0x2;
	v13 =	vsel vm8, $0x2, v4  }
0x15e: {  	v61 =	vsel vm9, $0x1, v4;
	v12 =	vor.u32 v13, v12;
	v13 =	vld [tilespmem:s14+$0x50]  }
0x15f: {  	vm10 =	vgt.f32 v15, v10;
	v12 =	vor.u32 v61, v12  }
0x160: {  	v15 =	vld [tilespmem:s14+$0x60];
	vm11 =	vgt.f32 v14, v10;
	v12 =	vshll.u32 v12, $0x2;
	v14 =	vsel vm10, $0x2, v4  }
0x161: {  	v62 =	vsel vm11, $0x1, v4;
	v12 =	vor.u32 v14, v12;
	v14 =	vld [tilespmem:s14+$0x70]  }
0x162: {  	vm12 =	vgt.f32 v60, v10;
	v12 =	vor.u32 v62, v12  }
0x163: {  	vm13 =	vgt.f32 v13, v10;
	v12 =	vshll.u32 v12, $0x2;
	v13 =	vsel vm12, $0x2, v4  }
0x164: {  	v63 =	vsel vm13, $0x1, v4;
	v12 =	vor.u32 v13, v12  }
0x165: {  	vm14 =	vgt.f32 v15, v10;
	v12 =	vor.u32 v63, v12  }
0x166: {  	v13 =	vsel vm14, $0x2, v4;
	vm15 =	vgt.f32 v14, v10;
	v12 =	vshll.u32 v12, $0x2  }
0x167: {  	v14 =	vsel vm15, $0x1, v4;
	v12 =	vor.u32 v13, v12  }
0x168: {  	v12 =	vor.u32 v14, v12  }
0x169: {  	v13 =	vperm.xlane v12, v0;
	_ =	sdelay $0x1  }
0x16a: {  	v12 =	vor.u32 v13, v12  }
0x16b: {  	v13 =	vperm.xlane v12, v1;
	_ =	sdelay $0x1  }
0x16c: {  	v12 =	vor.u32 v13, v12  }
0x16d: {  	v13 =	vperm.xlane v12, v2;
	_ =	sdelay $0x1  }
0x16e: {  	v12 =	vor.u32 v13, v12  }
0x16f: {  	v13 =	vperm.xlane v12, v3;
	_ =	sdelay $0x1  }
0x170: {  	v12 =	vor.u32 v13, v12  }
0x171: {  	(v2sf) =	vpush v12, $0x0;
	_ =	sdelay $0x9  }
0x172: {  	s17 =	sadd.s32 s16, s17;
	s16 =	smov.u32 s15;
	s15 =	sadd.s32 $0x10, s15  }
0x173: {  	s19 =	rddreg [dreg:$0x3];
	s20 =	sadd.s32 $0xC, s16;
	s18 =	sadd.s32 $0xF, s16  }
0x174: {  	s23 =	sadd.s32 $0x9, s16;
	s22 =	sadd.s32 $0xA, s16;
	s21 =	sadd.s32 $0xB, s16  }
0x175: {  	s1 =	sadd.s32 $0x6, s16;
	s4 =	sadd.s32 $0x7, s16;
	s6 =	sadd.s32 $0x8, s16  }
0x176: {  	s10 =	sadd.s32 $0x3, s16;
	s25 =	sadd.s32 $0x4, s16;
	s26 =	sadd.s32 $0x5, s16  }
0x177: {  	s28 =	sadd.s32 $0x1, s16;
	s29 =	sadd.s32 $0x2, s16;
	s24 =	spop (v2sf)  }
0x178: {  	p0 =	sne.s32 s19, s15;
	s30 =	sshrl.u32 s24, $0xB;
	s31 =	sshrl.u32 s24, $0xA  }
0x179: {  	v18 =	vmov s16;
	s0 =	sshrl.u32 s24, $0x9;
	s2 =	sshrl.u32 s24, $0x8;
	s30 =	sand.u32 $0x10, s30  }
0x17a: {  	[tilespmem:s17+$0x11100] =	vst v18;
	v12 =	vmov s28;
	s3 =	sshrl.u32 s24, $0x7;
	s31 =	sand.u32 $0x10, s31;
	s17 =	sadd.s32 s17, s30  }
0x17b: {  	s0 =	sand.u32 $0x10, s0;
	s2 =	sand.u32 $0x10, s2;
	[tilespmem:s17+$0x11100] =	vst v12;
	s17 =	sadd.s32 s31, s17;
	v12 =	vmov s29  }
0x17c: {  	s3 =	sand.u32 $0x10, s3;
	s30 =	sshrl.u32 s24, $0x6;
	[tilespmem:s17+$0x11100] =	vst v12;
	s0 =	sadd.s32 s0, s17;
	v12 =	vmov s10  }
0x17d: {  	s29 =	sshrl.u32 s24, $0x5;
	s31 =	sshrl.u32 s24, $0x4;
	[tilespmem:s0+$0x11100] =	vst v12;
	s0 =	sadd.s32 s2, s0;
	v12 =	vmov s25  }
0x17e: {  	s17 =	sshrl.u32 s24, $0x3;
	s25 =	sand.u32 $0x10, s30;
	[tilespmem:s0+$0x11100] =	vst v12;
	s0 =	sadd.s32 s3, s0;
	v12 =	vmov s26  }
0x17f: {  	s28 =	sand.u32 $0x10, s29;
	s29 =	sshrl.u32 s24, $0x1;
	[tilespmem:s0+$0x11100] =	vst v12;
	s0 =	sadd.s32 s25, s0;
	v12 =	vmov s1  }
0x180: {  	s30 =	sand.u32 $0x10, s31;
	s31 =	sshll.u32 s24, $0x1;
	[tilespmem:s0+$0x11100] =	vst v12;
	s0 =	sadd.s32 s28, s0;
	v12 =	vmov s4  }
0x181: {  	s26 =	sshrl.u32 s24, $0x2;
	s3 =	sand.u32 $0x10, s17;
	[tilespmem:s0+$0x11100] =	vst v12;
	s0 =	sadd.s32 s30, s0;
	v12 =	vmov s6  }
0x182: {  	s17 =	sshll.u32 s24, $0x3;
	s10 =	sand.u32 $0x10, s26;
	[tilespmem:s0+$0x11100] =	vst v12;
	s0 =	sadd.s32 s3, s0;
	v12 =	vmov s23  }
0x183: {  	s25 =	sand.u32 $0x10, s24;
	[tilespmem:s0+$0x11100] =	vst v12;
	s0 =	sadd.s32 s10, s0;
	v12 =	vmov s22;
	s22 =	sand.u32 $0x10, s29  }
.Ltmp9:
0x184: {  	s26 =	sand.u32 $0x10, s31;
	[tilespmem:s0+$0x11100] =	vst v12;
	s0 =	sadd.s32 s22, s0;
	v12 =	vmov s21;
	(pc) =	sbr.rel @p0 .LBB2_11-.Ltmp9, $4  }
0x185: {  	s28 =	sadd.s32 $0xD, s16;
	s6 =	sshll.u32 s24, $0x2;
	[tilespmem:s0+$0x11100] =	vst v12;
	s0 =	sadd.s32 s25, s0;
	v12 =	vmov s20  }
0x186: {  	s30 =	sadd.s32 $0xE, s16;
	s29 =	sand.u32 $0x10, s6;
	[tilespmem:s0+$0x11100] =	vst v12;
	s0 =	sadd.s32 s26, s0;
	v12 =	vmov s28  }
0x187: {  	s31 =	sand.u32 $0x10, s17;
	s23 =	sshll.u32 s24, $0x4;
	[tilespmem:s0+$0x11100] =	vst v12;
	s0 =	sadd.s32 s29, s0;
	v12 =	vmov s30  }
0x188: {  	s16 =	sand.u32 $0x10, s23;
	[tilespmem:s0+$0x11100] =	vst v12;
	s17 =	sadd.s32 s31, s0;
	v12 =	vmov s18  }
.LBB2_12:
0x189: {  	s14 =	sadd.s32 s16, s17  }
0x18a: {  	s15 =	sshrl.u32 s14, $0x4  }
0x18b: {  	p0 =	seq.s32 s15, $0x0  }
.Ltmp10:
0x18c: {  	_ = 	snop;
	(pc) =	sbr.rel @p0 .LBB2_15-.Ltmp10, $2  }
0x18d: {  	_ =	sdelay $0x2  }
0x18e: {  	[tilespmem:s17+$0x11100] =	vst v12  }
0x18f: {  	s0 =	simm.s32 $0x11100  }
0x190: {  	v12 =	vld [tilespmem:s0+$0x0];
	_ =	sdelay $0x4  }
0x191: {  	(v2sf) =	vpush v12, $0x0;
	_ =	sdelay $0xe  }
0x192: {  	s30 =	spop (v2sf)  }
0x193: {  	s31 =	ssub.s32 $0x0, s15;
	s0 =	sshll.u32 s30, $0x6  }
0x194: {  	s15 =	sadd.s32 $0x1, s31;
	s0 =	sshra.s32 s0, $0x2  }
0x195: {  	p0 =	seq.s32 s15, $0x0;
	v63 =	vld [tilespmem:s0+$0x8000]  }
.Ltmp11:
0x196: {  	_ = 	snop;
	(pc) =	sbr.rel @p0 .LBB2_15-.Ltmp11, $3  }
0x197: {  	_ =	sdelay $0x1  }
0x198: {  	s16 =	simm.s32 $0x8000  }
0x199: {  	s17 =	simm.s32 $0x11110;
	[tilespmem:s16+$0x0] =	vst v63  }
.LBB2_14:
0x19a: {  	v12 =	vld [tilespmem:s17+$0x0];
	s15 =	sadd.s32 $0x1, s15  }
0x19b: {  	p0 =	seq.s32 s15, $0x0;
	_ =	sdelay $0x3  }
0x19c: {  	(v2sf) =	vpush v12, $0x0;
	_ =	sdelay $0xe  }
0x19d: {  	s0 =	spop (v2sf)  }
0x19e: {  	s0 =	sshll.u32 s0, $0x6  }
0x19f: {  	s0 =	sshra.s32 s0, $0x2  }
0x1a0: {  	v12 =	vld [tilespmem:s0+$0x8000]  }
.Ltmp12:
0x1a1: {  	(pc) =	sbr.rel @!p0 .LBB2_14-.Ltmp12, $3  }
0x1a2: {  	_ =	sdelay $0x1  }
0x1a3: {  	s16 =	sadd.s32 $0x10, s16  }
0x1a4: {  	s17 =	sadd.s32 $0x10, s17;
	[tilespmem:s16+$0x0] =	vst v12  }
.LBB2_15:
.Ltmp13:
0x1a5: {  	s0 =	sand.u32 $0xFFFFFFF0, s14;
	(pc) =	sbr.rel .LBB2_16-.Ltmp13, $4  }
0x1a6: {  	[tilespmem:s0+$0x8000] =	vst v5  }
0x1a7: {  	s1 =	sadd.s32 $0x30, s14;
	[tilespmem:s0+$0x8010] =	vst v5  }
0x1a8: {  	[tilespmem:s0+$0x8020] =	vst v5;
	s14 =	sshrl.u32 s1, $0x6  }
0x1a9: {  	[tilespmem:s0+$0x8030] =	vst v5;
	p0 =	seq.s32 s14, $0x0  }
.LBB2_19:
0x1aa: {  	v17 =	vsub.f32 v17, v12  }
0x1ab: {  	v18 =	vsub.f32 v18, v12;
	v20 =	vmax.f32 v20, $0.0e+00;
	v19 =	vsub.f32 v19, v12  }
0x1ac: {  	v13 =	vadd.f32 v20, v13;
	v17 =	vmax.f32 v17, $0.0e+00  }
0x1ad: {  	v62 =	vmax.f32 v18, $0.0e+00;
	v63 =	vmax.f32 v19, $0.0e+00;
	v16 =	vadd.f32 v17, v16  }
0x1ae: {  	v14 =	vadd.f32 v62, v14;
	v15 =	vadd.f32 v63, v15;
	_ =	sdelay $0x1  }
0x1af: {  	v15 =	vadd.f32 v16, v15;
	v13 =	vadd.f32 v13, v14;
	_ =	sdelay $0x1  }
0x1b0: {  	v13 =	vadd.f32 v13, v15  }
.LBB2_20:
0x1b1: {  	_ = 	snop  }
0x1b2: {  	v14 =	vperm.xlane v13, v0;
	_ =	sdelay $0x1  }
0x1b3: {  	v13 =	vadd.f32 v14, v13;
	_ =	sdelay $0x1  }
0x1b4: {  	v14 =	vperm.xlane v13, v1;
	_ =	sdelay $0x1  }
0x1b5: {  	v13 =	vadd.f32 v14, v13;
	_ =	sdelay $0x1  }
0x1b6: {  	v14 =	vperm.xlane v13, v2;
	_ =	sdelay $0x1  }
0x1b7: {  	v13 =	vadd.f32 v14, v13  }
0x1b8: {  	s13 =	sadd.s32 $0x1, s13  }
0x1b9: {  	p1 =	seq.s32 s13, $0x12;
	v14 =	vperm.xlane v13, v3  }
.Ltmp14:
0x1ba: {  	_ = 	snop;
	(pc) =	sbr.rel @p1 .LBB2_21-.Ltmp14, $3  }
0x1bb: {  	v13 =	vadd.f32 v14, v13;
	_ =	sdelay $0x1  }
0x1bc: {  	vm0 =	vgt.f32 v13, $1.000000000e+00  }
0x1bd: {  	v10 =	vsel vm0, v12, v10;
	v11 =	vsel vm0, v11, v12  }
.LBB2_16:
.Ltmp15:
0x1be: {  	(pc) =	sbr.rel @p0 .LBB2_20-.Ltmp15, $3  }
0x1bf: {  	v12 =	vadd.f32 v11, v10;
	_ =	sdelay $0x1  }
0x1c0: {  	v12 =	vmul.f32 $5.000000000e-01, v12  }
0x1c1: {  	s16 =	simm.s32 $0x8020;
	v13 =	vimm.f32 $0.0e+00  }
0x1c2: {  	v14 =	vld [tilespmem:s16+$0x10]  }
0x1c3: {  	v17 =	vld [tilespmem:s16+$0xFFFFFFF0];
	p1 =	sne.s32 s14, $0x1  }
.Ltmp16:
0x1c4: {  	v18 =	vld [tilespmem:s16+$0x0];
	(pc) =	sbr.rel @!p1 .LBB2_19-.Ltmp16, $3  }
0x1c5: {  	v19 =	vld [tilespmem:s16+$0xFFFFFFE0];
	_ =	sdelay $0x1  }
0x1c6: {  	v16 =	vimm.f32 $0.0e+00  }
0x1c7: {  	s15 =	sadd.s32 $0xFFFFFFFF, s14;
	s16 =	sadd.s32 $0x40, s16;
	v15 =	vimm.f32 $0.0e+00;
	v20 =	vsub.f32 v14, v12;
	v14 =	vimm.f32 $0.0e+00  }
.LBB2_18:
0x1c8: {  	v21 =	vld [tilespmem:s16+$0x10];
	p1 =	sne.s32 s15, $0x1;
	s15 =	sadd.s32 $0xFFFFFFFF, s15;
	v22 =	vsub.f32 v17, v12  }
.Ltmp17:
0x1c9: {  	v23 =	vsub.f32 v18, v12;
	v20 =	vmax.f32 v20, $0.0e+00;
	v17 =	vld [tilespmem:s16+$0xFFFFFFF0];
	(pc) =	sbr.rel @p1 .LBB2_18-.Ltmp17, $4  }
0x1ca: {  	v24 =	vsub.f32 v19, v12;
	v13 =	vadd.f32 v20, v13;
	v18 =	vld [tilespmem:s16+$0x0];
	v22 =	vmax.f32 v22, $0.0e+00  }
0x1cb: {  	v20 =	vmax.f32 v23, $0.0e+00;
	v19 =	vld [tilespmem:s16+$0xFFFFFFE0];
	v16 =	vadd.f32 v22, v16  }
0x1cc: {  	v22 =	vmax.f32 v24, $0.0e+00;
	v14 =	vadd.f32 v20, v14  }
0x1cd: {  	s16 =	sadd.s32 $0x40, s16;
	v15 =	vadd.f32 v22, v15;
	v20 =	vsub.f32 v21, v12  }
.Ltmp18:
0x1ce: {  	_ = 	snop;
	(pc) =	sbr.rel .LBB2_19-.Ltmp18, $1  }
0x1cf: {  	_ =	sdelay $0x3  }
.LBB2_21:
.Ltmp19:
0x1d0: {  	(pc) =	sbr.rel @p0 .LBB2_22-.Ltmp19, $2  }
0x1d1: {  	_ =	sdelay $0x2  }
0x1d2: {  	s15 =	simm.s32 $0x8020;
	v11 =	vimm.f32 $0.0e+00  }
0x1d3: {  	v27 =	vld [tilespmem:s15+$0xFFFFFFF0]  }
0x1d4: {  	v24 =	vld [tilespmem:s15+$0x10];
	p1 =	sne.s32 s14, $0x1  }
.Ltmp20:
0x1d5: {  	_ = 	snop;
	(pc) =	sbr.rel @!p1 .LBB2_24-.Ltmp20, $3  }
0x1d6: {  	_ =	sdelay $0x1  }
0x1d7: {  	v21 =	vld [tilespmem:s15+$0xFFFFFFE0]  }
0x1d8: {  	s13 =	sadd.s32 $0xFFFFFFFF, s14;
	v13 =	vld [tilespmem:s15+$0x0];
	s14 =	simm.s32 $0x8060;
	p0 =	por $0x0, $0x0;
	vm1 =	vgt.f32 v27, v10;
	vm0 =	vgt.f32 v24, v10  }
0x1d9: {  	_ =	sdelay $0x3  }
0x1da: {  	v19 =	vld [tilespmem:s14+$0xFFFFFFF0];
	v12 =	vnsel vm1, $0x0, v27;
	vm2 =	vgt.f32 v13, v10  }
0x1db: {  	v22 =	vld [tilespmem:s14+$0x10];
	v14 =	vsel vm1, $0x3F800000, v9;
	v17 =	vsel vm0, $0x3F800000, v9;
	p1 =	sne.s32 s13, $0x1;
	v13 =	vnsel vm2, $0x0, v13  }
.Ltmp21:
0x1dc: {  	v20 =	vimm.f32 $0.0e+00;
	v15 =	vadd.f32 v13, v11;
	v13 =	vnsel vm0, $0x0, v24;
	v24 =	vld [tilespmem:s14+$0xFFFFFFE0];
	(pc) =	sbr.rel @!p1 .LBB2_26-.Ltmp21, $4  }
0x1dd: {  	v23 =	vimm.f32 $0.0e+00;
	v12 =	vadd.f32 v12, v11;
	v18 =	vadd.f32 v13, v11;
	v13 =	vld [tilespmem:s14+$0x0]  }
0x1de: {  	v14 =	vadd.f32 v14, v11;
	v17 =	vadd.f32 v17, v11;
	v16 =	vsel vm2, $0x3F800000, v9  }
0x1df: {  	vm2 =	vgt.f32 v21, v10;
	vm1 =	vgt.f32 v19, v10;
	v16 =	vadd.f32 v16, v11  }
0x1e0: {  	s13 =	sadd.s32 $0xFFFFFFFF, s13;
	p0 =	por $0x1, $0x1;
	vm0 =	vgt.f32 v22, v10;
	v26 =	vnsel vm2, $0x0, v21;
	v25 =	vsel vm2, $0x3F800000, v9;
	s14 =	simm.s32 $0x80A0  }
.LBB2_27:
0x1e1: {  	p1 =	sne.s32 s13, $0x1;
	s13 =	sadd.s32 $0xFFFFFFFF, s13;
	v21 =	vnsel vm1, $0x0, v19;
	v19 =	vld [tilespmem:s14+$0xFFFFFFF0];
	v27 =	vsel vm1, $0x3F800000, v9;
	v20 =	vadd.f32 v26, v20;
	v26 =	vmovc v24  }
0x1e2: {  	v23 =	vadd.f32 v25, v23;
	v28 =	vld [tilespmem:s14+$0x10];
	v12 =	vadd.f32 v21, v12;
	vm1 =	vgt.f32 v13, v10  }
.Ltmp22:
0x1e3: {  	v14 =	vadd.f32 v27, v14;
	v24 =	vld [tilespmem:s14+$0xFFFFFFE0];
	v21 =	vnsel vm1, $0x0, v13;
	v25 =	vsel vm1, $0x3F800000, v9;
	(pc) =	sbr.rel @p1 .LBB2_27-.Ltmp22, $4  }
0x1e4: {  	v13 =	vld [tilespmem:s14+$0x0];
	v15 =	vadd.f32 v21, v15;
	v16 =	vadd.f32 v25, v16  }
0x1e5: {  	vm2 =	vgt.f32 v26, v10;
	v27 =	vsel vm0, $0x3F800000, v9;
	v21 =	vnsel vm0, $0x0, v22  }
0x1e6: {  	v17 =	vadd.f32 v27, v17;
	v18 =	vadd.f32 v21, v18;
	vm1 =	vgt.f32 v19, v10  }
0x1e7: {  	v26 =	vnsel vm2, $0x0, v26;
	s14 =	sadd.s32 $0x40, s14;
	v25 =	vsel vm2, $0x3F800000, v9;
	vm0 =	vgt.f32 v28, v10;
	v22 =	vmovc v28  }
0x1e8: {  	v27 =	vmov v19;
	v21 =	vmov v24;
	v24 =	vmov v22  }
.LBB2_29:
0x1e9: {  	v19 =	vnsel vm1, $0x0, v27;
	v22 =	vsel vm1, $0x3F800000, v9  }
0x1ea: {  	v20 =	vadd.f32 @p0 v26, v20;
	vm14 =	vgt.f32 v13, v10;
	vm15 =	vgt.f32 v21, v10  }
0x1eb: {  	v10 =	vnsel vm0, $0x0, v24;
	v60 =	vsel vm0, $0x3F800000, v9;
	v12 =	vadd.f32 v19, v12  }
0x1ec: {  	v19 =	vadd.f32 @p0 v25, v23;
	v14 =	vadd.f32 v22, v14;
	v13 =	vnsel vm14, $0x0, v13  }
0x1ed: {  	v58 =	vsel vm14, $0x3F800000, v9;
	v10 =	vadd.f32 v10, v18;
	v61 =	vnsel vm15, $0x0, v21  }
0x1ee: {  	v62 =	vsel vm15, $0x3F800000, v9;
	v13 =	vadd.f32 v13, v15;
	v59 =	vadd.f32 v58, v16  }
0x1ef: {  	v20 =	vpsel p0, v20, v11;
	v16 =	vadd.f32 v60, v17;
	v11 =	vpsel p0, v19, v11  }
.Ltmp23:
0x1f0: {  	v18 =	vadd.f32 v61, v20;
	v11 =	vadd.f32 v62, v11;
	(pc) =	sbr.rel .LBB2_30-.Ltmp23, $3  }
0x1f1: {  	v10 =	vadd.f32 v10, v13;
	v63 =	vadd.f32 v16, v59  }
0x1f2: {  	v12 =	vadd.f32 v12, v18;
	v11 =	vadd.f32 v14, v11;
	_ =	sdelay $0x1  }
0x1f3: {  	v10 =	vadd.f32 v10, v12;
	v11 =	vadd.f32 v63, v11  }
.LBB2_22:
0x1f4: {  	v10 =	vimm.f32 $0.0e+00  }
.LBB2_30:
0x1f5: {  	_ = 	snop  }
0x1f6: {  	v12 =	vperm.xlane v11, v6;
	_ =	sdelay $0x1  }
0x1f7: {  	v11 =	vadd.f32 v12, v11;
	_ =	sdelay $0x1  }
0x1f8: {  	v12 =	vperm.xlane v11, v7;
	_ =	sdelay $0x1  }
0x1f9: {  	v11 =	vadd.f32 v12, v11;
	_ =	sdelay $0x1  }
0x1fa: {  	v12 =	vperm.xlane v11, v8  }
0x1fb: {  	v13 =	vperm.xlane v10, v6  }
0x1fc: {  	v11 =	vadd.f32 v12, v11  }
0x1fd: {  	v10 =	vadd.f32 v13, v10  }
0x1fe: {  	v12 =	vperm.xlane v11, v3  }
0x1ff: {  	v13 =	vperm.xlane v10, v7  }
0x200: {  	v11 =	vadd.f32 v12, v11  }
0x201: {  	v10 =	vadd.f32 v13, v10  }
0x202: {  	v11 =	vmax.f32 v11, $1.000000000e+00  }
0x203: {  	v12 =	vperm.xlane v10, v8;
	(erf) = vrcp.f32 v11;
	_ =	sdelay $0x1  }
0x204: {  	v10 =	vadd.f32 v12, v10;
	_ =	sdelay $0x1  }
0x205: {  	v11 =	vperm.xlane v10, v3;
	_ =	sdelay $0x1  }
0x206: {  	s13 =	simm.s32 $0x0;
	v10 =	vadd.f32 v11, v10  }
0x207: {  	v12 =	vld [tilespmem:s13+$0x0]  }
0x208: {  	v16 =	vld [tilespmem:s13+$0x10];
	v10 =	vadd.f32 $-1.000000000e+00, v10  }
0x209: {  	v15 =	vld [tilespmem:s13+$0x20];
	v11 =	vpop (erf)  }
0x20a: {  	v14 =	vld [tilespmem:s13+$0x30];
	v10 =	vmul.f32 v11, v10  }
0x20b: {  	v13 =	vld [tilespmem:s13+$0x40]  }
0x20c: {  	v11 =	vld [tilespmem:s13+$0x50];
	v17 =	vsub.f32 v12, v10  }
0x20d: {  	s14 =	simm.s32 $0x200;
	v16 =	vsub.f32 v16, v10;
	v12 =	vld [tilespmem:s13+$0x60]  }
.LBB2_31:
0x20e: {  	p0 =	sne.s32 s14, $0x1FE00;
	v17 =	vmax.f32 v17, $0.0e+00;
	v15 =	vsub.f32 v15, v10;
	v18 =	vld [tilespmem:s13+$0x70]  }
0x20f: {  	s0 =	sshra.s32 s14, $0x2;
	[tilespmem:s13+$0x0] =	vst v17;
	v16 =	vmax.f32 v16, $0.0e+00;
	v14 =	vsub.f32 v14, v10  }
0x210: {  	v17 =	vld [tilespmem:s0+$0x0];
	[tilespmem:s13+$0x10] =	vst v16;
	v15 =	vmax.f32 v15, $0.0e+00;
	v13 =	vsub.f32 v13, v10  }
0x211: {  	v16 =	vld [tilespmem:s0+$0x10];
	[tilespmem:s13+$0x20] =	vst v15;
	v14 =	vmax.f32 v14, $0.0e+00;
	v11 =	vsub.f32 v11, v10  }
.Ltmp24:
0x212: {  	v15 =	vld [tilespmem:s0+$0x20];
	[tilespmem:s13+$0x30] =	vst v14;
	v13 =	vmax.f32 v13, $0.0e+00;
	v12 =	vsub.f32 v12, v10;
	(pc) =	sbr.rel @p0 .LBB2_31-.Ltmp24, $4  }
0x213: {  	v14 =	vld [tilespmem:s0+$0x30];
	[tilespmem:s13+$0x40] =	vst v13;
	v11 =	vmax.f32 v11, $0.0e+00;
	v18 =	vsub.f32 v18, v10  }
0x214: {  	v13 =	vld [tilespmem:s0+$0x40];
	[tilespmem:s13+$0x50] =	vst v11;
	v12 =	vmax.f32 v12, $0.0e+00  }
0x215: {  	v17 =	vsub.f32 v17, v10;
	v11 =	vld [tilespmem:s0+$0x50];
	[tilespmem:s13+$0x60] =	vst v12;
	v18 =	vmax.f32 v18, $0.0e+00  }
0x216: {  	s14 =	sadd.s32 $0x200, s14;
	v16 =	vsub.f32 v16, v10;
	v12 =	vld [tilespmem:s0+$0x60];
	[tilespmem:s13+$0x70] =	vst v18;
	s13 =	smov.u32 s0  }
0x217: {  	v17 =	vmax.f32 v17, $0.0e+00;
	v15 =	vsub.f32 v15, v10;
	v18 =	vld [tilespmem:s13+$0x70]  }
0x218: {  	[tilespmem:s13+$0x0] =	vst v17;
	v16 =	vmax.f32 v16, $0.0e+00;
	v14 =	vsub.f32 v14, v10  }
0x219: {  	[tilespmem:s13+$0x10] =	vst v16;
	v15 =	vmax.f32 v15, $0.0e+00;
	v13 =	vsub.f32 v13, v10  }
0x21a: {  	[tilespmem:s13+$0x20] =	vst v15;
	v14 =	vmax.f32 v14, $0.0e+00;
	v11 =	vsub.f32 v11, v10  }
0x21b: {  	[tilespmem:s13+$0x30] =	vst v14;
	v13 =	vmax.f32 v13, $0.0e+00;
	v12 =	vsub.f32 v12, v10  }
0x21c: {  	[tilespmem:s13+$0x40] =	vst v13;
	v11 =	vmax.f32 v11, $0.0e+00;
	v10 =	vsub.f32 v18, v10  }
0x21d: {  	[tilespmem:s13+$0x50] =	vst v11;
	v11 =	vmax.f32 v12, $0.0e+00  }
0x21e: {  	s0 =	rddreg [dreg:$0x1];
	s11 =	sadd.s32 $0x1, s11;
	[tilespmem:s13+$0x60] =	vst v11;
	v10 =	vmax.f32 v10, $0.0e+00  }
0x21f: {  	s1 =	simm.s32 $0x0;
	s0 =	sadd.s32 s0, s12;
	p0 =	sne.s32 s11, $0x4;
	[tilespmem:s13+$0x70] =	vst v10  }
0x220: {  	[hbm4b:s0+s9] =	stream.strided.scatter [tilespmem:s1], [sflag:$0x1], $0x8000, s7, s9, $0x38;
	[tilespmem:$0x19180] =	vst v63  }
.Ltmp25:
0x221: {  	_ = 	snop;
	(pc) =	sbr.rel @p0 .LBB2_2-.Ltmp25, $4  }
.Ltmp26:
0x222: {  	_ = 	snop;
	(pc) =	sbr.rel @!p0 .LBB2_33-.Ltmp26, $4  }
0x223: {  	_ =	swait.ge [sflag:s8], $0x8000  }
0x224: {  	[sflag:s8] =	ssyncset.done $0x0  }
0x225: {  	[sflag:s8] =	ssyncadd.s32 $0xFFFF8000  }
0x226: {  	_ = 	snop  }
.LBB2_24:
.Ltmp27:
0x227: {  	(pc) =	sbr.rel .LBB2_29-.Ltmp27, $4  }
0x228: {  	_ = 	snop  }
0x229: {  	v20 =	vimm.f32 $0.0e+00;
	v12 =	vimm.f32 $0.0e+00  }
0x22a: {  	v23 =	vimm.f32 $0.0e+00;
	v14 =	vimm.f32 $0.0e+00;
	v15 =	vimm.f32 $0.0e+00  }
0x22b: {  	v16 =	vimm.f32 $0.0e+00;
	v18 =	vimm.f32 $0.0e+00;
	v17 =	vimm.f32 $0.0e+00  }
.LBB2_26:
.Ltmp28:
0x22c: {  	(pc) =	sbr.rel .LBB2_29-.Ltmp28, $2  }
0x22d: {  	_ =	sdelay $0x2  }
0x22e: {  	v27 =	vmovc v19;
	v20 =	vimm.f32 $0.0e+00;
	v21 =	vmovc v24;
	v23 =	vimm.f32 $0.0e+00;
	v24 =	vmov v22  }
.LBB2_34:
0x22f: {  	_ =	sfence.sel $0x180000  }
0x230: {  	[bflag:$0x0] =	sbarrier.arrive $0xFFFF  }
0x231: {  	_ =	strace $0x90000047  }
0x232: {  	s0 =	stileid.u32;
	[bflag:$0x2] =	sbarrier.arrive $0xFFFF  }
0x233: {  	p0 =	sne.s32 s0, $0x0;
	s0 =	rddreg [dreg:$0x2]  }
0x234: {  	s0 =	sadd.s32 @!p0 $0x100000, s0  }
0x235: {  	[sflag:s0] =	ssyncadd.tile.s32 @!p0 $0x1;
	_ =	shalt  }
.Lfunc_end2:
_tile_overlayer_lowered:
.L_overlay_start_2:
0x236: {  	(tag) =	ssettag $0x2  }
0x237: {  	s0 =	rddreg [dreg:$0x0];
	s2 =	stileid.u32  }
0x238: {  	s1 =	rddreg [dreg:$0x1];
	p0 =	sne.s32 s2, $0x0  }
0x239: {  	s3 =	rddreg [dreg:$0x2];
	[bflag:$0x3] =	sbarrier.arrive $0xFFFF;
	s2 =	simm.s32 @!p0 $0x1C01  }
0x23a: {  	[timem:s3], [sflag:s2] =	dma.local @!p0 [hbm:s0], s1  }
0x23b: {  	s0 =	simm.s32 @!p0 $0x1  }
0x23c: {  	_ =	swait.ge @!p0 [sflag:s0], s1  }
0x23d: {  	s1 =	ssub.s32 @!p0 $0x0, s1;
	[sflag:s0] =	ssyncset.done @!p0 $0x0  }
0x23e: {  	[sflag:s0] =	ssyncadd.s32 @!p0 s1  }
0x23f: {  	[bflag:$0x3] =	sbarrier.arrive $0xFFFF  }
0x240: {  	_ =	shalt  }

</sc_bundles>
